<compile_context>
chip_gen: v7x
topology: tpu7x:2x2x1
jax: 0.10.2.dev20260603
libtpu: 0.0.44.dev20260713+nightly
codegen_flags: <defaults>
</compile_context>

<pallas_src>
import functools

import jax
import jax.numpy as jnp
from jax import lax
from jax.experimental import pallas as pl
from jax.experimental.pallas import tpu as pltpu
from jax.experimental.pallas import tpu_sc as plsc

N_NODES = 10000
N_EDGES = 320000
NFEAT = 128
NHID = 128

NC = 2
NS = 16
NW = NC * NS
L = 16

CHUNK = 160
N_CHUNKS = 64
E_PER_W = N_CHUNKS * CHUNK
E_PAD = NW * E_PER_W
PAD_ROW = N_NODES
TAB_ROWS = 10240
ROWS_PER_TILE = TAB_ROWS // NS


def _matmul_body(x_ref, w_ref, b_ref, o_ref):
    o_ref[...] = (
        jnp.dot(x_ref[...], w_ref[...], preferred_element_type=jnp.float32)
        + b_ref[...]
    )


def _support_matmul(xp, W, b):
    B = 1024
    return pl.pallas_call(
        _matmul_body,
        grid=(TAB_ROWS // B,),
        in_specs=[
            pl.BlockSpec((B, NFEAT), lambda i: (i, 0)),
            pl.BlockSpec((NFEAT, NHID), lambda i: (0, 0)),
            pl.BlockSpec((1, NHID), lambda i: (0, 0)),
        ],
        out_specs=pl.BlockSpec((B, NHID), lambda i: (i, 0)),
        out_shape=jax.ShapeDtypeStruct((TAB_ROWS, NHID), jnp.float32),
    )(xp, W, b.reshape(1, NHID))


NBUF = 2
LA = 1
HC = N_CHUNKS // 4


def _sc_body(sup_hbm, src_hbm, dst_hbm, part_hbm, msgs_hbm,
             sidx_v, didx_v, rows0, rows1,
             sh, gs0, gs1, ws0, ws1):
    rows = [rows0, rows1]
    gsem = [gs0, gs1]
    wsem = [ws0, ws1]
    cid = lax.axis_index("c")
    sid = lax.axis_index("s")
    wid = sid * NC + cid
    ebase = wid * E_PER_W

    for k in range(ROWS_PER_TILE // CHUNK):
        r0 = sid * ROWS_PER_TILE + k * CHUNK
        pltpu.sync_copy(sup_hbm.at[pl.ds(r0, CHUNK)], rows0)
        pltpu.sync_copy(rows0, sh.at[pl.ds(r0, CHUNK)])
    plsc.subcore_barrier()

    for h in range(N_CHUNKS // HC):
        pltpu.sync_copy(src_hbm.at[wid, pl.ds(h * HC * CHUNK, HC * CHUNK)], sidx_v)

        for j in range(LA):
            pltpu.async_copy(sh.at[sidx_v.at[pl.ds(j * CHUNK, CHUNK)]], rows[j], gsem[j])

        def _round1(r, _):
            for b in range(NBUF):
                c = r * NBUF + b
                bn = (b + LA) % NBUF

                @pl.when(c >= NBUF - LA)
                def _():
                    cc = c - (NBUF - LA)
                    pltpu.make_async_copy(
                        rows[bn],
                        msgs_hbm.at[pl.ds(ebase + (h * HC + cc) * CHUNK,
                                          CHUNK)],
                        wsem[bn],
                    ).wait()

                @pl.when(c + LA < HC)
                def _():
                    pltpu.async_copy(
                        sh.at[sidx_v.at[pl.ds((c + LA) * CHUNK, CHUNK)]], rows[bn], gsem[bn]
                    )

                pltpu.make_async_copy(
                    sh.at[sidx_v.at[pl.ds(c * CHUNK, CHUNK)]], rows[b], gsem[b]
                ).wait()
                pltpu.async_copy(
                    rows[b],
                    msgs_hbm.at[pl.ds(ebase + (h * HC + c) * CHUNK, CHUNK)],
                    wsem[b],
                )
            return 0

        lax.fori_loop(0, HC // NBUF, _round1, 0)
        for j in range(NBUF - LA):
            cc = HC - (NBUF - LA) + j
            b = cc % NBUF
            pltpu.make_async_copy(
                rows[b],
                msgs_hbm.at[pl.ds(ebase + (h * HC + cc) * CHUNK, CHUNK)],
                wsem[b],
            ).wait()
    plsc.subcore_barrier()

    zeros = jnp.zeros((L,), jnp.float32)

    def _zero_row(i, _):
        for j in range(NHID // L):
            rows0[i, pl.ds(j * L, L)] = zeros
        return 0

    lax.fori_loop(0, CHUNK, _zero_row, 0)
    for k in range(ROWS_PER_TILE // CHUNK):
        r0 = sid * ROWS_PER_TILE + k * CHUNK
        pltpu.sync_copy(rows0, sh.at[pl.ds(r0, CHUNK)])
    plsc.subcore_barrier()

    for h in range(N_CHUNKS // HC):
        pltpu.sync_copy(dst_hbm.at[wid, pl.ds(h * HC * CHUNK, HC * CHUNK)], didx_v)

        for j in range(LA):
            pltpu.async_copy(
                msgs_hbm.at[pl.ds(ebase + (h * HC + j) * CHUNK, CHUNK)],
                rows[j], gsem[j],
            )

        def _round2(r, _):
            for b in range(NBUF):
                c = r * NBUF + b
                bn = (b + LA) % NBUF

                @pl.when(c >= NBUF - LA)
                def _():
                    pltpu.make_async_copy(
                        rows[bn], sh.at[didx_v.at[pl.ds((c - (NBUF - LA)) * CHUNK, CHUNK)]],
                        wsem[bn],
                    ).wait()

                @pl.when(c + LA < HC)
                def _():
                    pltpu.async_copy(
                        msgs_hbm.at[pl.ds(ebase + (h * HC + c + LA) * CHUNK,
                                          CHUNK)],
                        rows[bn], gsem[bn],
                    )

                pltpu.make_async_copy(
                    msgs_hbm.at[pl.ds(ebase + (h * HC + c) * CHUNK, CHUNK)],
                    rows[b], gsem[b],
                ).wait()
                pltpu.async_copy(
                    rows[b], sh.at[didx_v.at[pl.ds(c * CHUNK, CHUNK)]], wsem[b], add=True
                )
            return 0

        lax.fori_loop(0, HC // NBUF, _round2, 0)
        for j in range(NBUF - LA):
            b = (HC - (NBUF - LA) + j) % NBUF
            pltpu.make_async_copy(
                rows[b], sh.at[didx_v.at[pl.ds((HC - 1) * CHUNK, CHUNK)]], wsem[b]
            ).wait()
    plsc.subcore_barrier()

    for k in range(ROWS_PER_TILE // CHUNK):
        r0 = sid * ROWS_PER_TILE + k * CHUNK
        pltpu.sync_copy(sh.at[pl.ds(r0, CHUNK)], rows0)
        pltpu.sync_copy(rows0, part_hbm.at[cid, pl.ds(r0, CHUNK)])


_sc_scatter = functools.partial(
    pl.kernel,
    out_type=[
        jax.ShapeDtypeStruct((NC, TAB_ROWS, NHID), jnp.float32),
        jax.ShapeDtypeStruct((E_PAD, NHID), jnp.float32),
    ],
    mesh=plsc.VectorSubcoreMesh(core_axis_name="c", subcore_axis_name="s"),
    scratch_types=[
        pltpu.VMEM((HC * CHUNK,), jnp.int32),
        pltpu.VMEM((HC * CHUNK,), jnp.int32),
    ] + [pltpu.VMEM((CHUNK, NHID), jnp.float32)] * NBUF
    + [pltpu.VMEM_SHARED((TAB_ROWS, NHID), jnp.float32)]
    + [pltpu.SemaphoreType.DMA] * (2 * NBUF),
)(_sc_body)


def _combine_body(p0_ref, p1_ref, o_ref):
    o_ref[...] = jnp.maximum(p0_ref[0] + p1_ref[0], 0.0)


def _combine(part):
    B = 1000
    return pl.pallas_call(
        _combine_body,
        grid=(N_NODES // B,),
        in_specs=[
            pl.BlockSpec((1, B, NHID), lambda i: (0, i, 0)),
            pl.BlockSpec((1, B, NHID), lambda i: (1, i, 0)),
        ],
        out_specs=pl.BlockSpec((B, NHID), lambda i: (i, 0)),
        out_shape=jax.ShapeDtypeStruct((N_NODES, NHID), jnp.float32),
    )(part, part)


def kernel(x, edge_index, W, b):
    xp = jnp.pad(x, ((0, TAB_ROWS - N_NODES), (0, 0)))
    support = _support_matmul(xp, W, b)

    n_pad = E_PAD - N_EDGES
    src = jnp.concatenate(
        [edge_index[0].astype(jnp.int32), jnp.zeros((n_pad,), jnp.int32)]
    ).reshape(NW, N_CHUNKS * CHUNK)
    dst = jnp.concatenate(
        [edge_index[1].astype(jnp.int32),
         jnp.full((n_pad,), PAD_ROW, jnp.int32)]
    ).reshape(NW, N_CHUNKS * CHUNK)

    part, _ = _sc_scatter(support, src, dst)
    return _combine(part)

# --- scband reference (transcript-rebuilt; emitter-appended) ---
"""Pipeline reference for scband-gnn-encoder-21320217657349 (READ-ONLY COPY).

The authoritative reference and input builder live on the scoring server;
editing this copy changes nothing except your own understanding.
"""

import jax, jax.numpy as jnp
import numpy as np

N_NODES = 10000
N_EDGES = 320000
NFEAT = 128
NHID = 128

def setup_inputs(seed: int = 0) -> dict:
    key = jax.random.key(seed)
    k_x, k_e, k_w, k_b = jax.random.split(key, 4)
    x = jax.random.normal(k_x, (N_NODES, NFEAT), dtype=jnp.float32)
    edge_index = jax.random.randint(k_e, (2, N_EDGES), 0, N_NODES, dtype=jnp.int64)
    # GraphConvolution parameters (x @ W + b, then spmm(adj, support))
    W = jax.random.normal(k_w, (NFEAT, NHID), dtype=jnp.float32) * (1.0 / np.sqrt(NFEAT))
    b = jnp.zeros((NHID,), dtype=jnp.float32)
    return {"x": x, "edge_index": edge_index, "W": W, "b": b}

def reference(x, edge_index, W, b):
    # GraphConvolution: support = x @ W + b; out = spmm(adj, support)
    # adj is represented in COO form via edge_index (binary/normalized weights folded in as 1.0).
    support = x @ W + b
    src = edge_index[0]
    dst = edge_index[1]
    msgs = jnp.take(support, src, axis=0)          # gather (SparseCore)
    agg = jax.ops.segment_sum(msgs, dst, num_segments=N_NODES)  # scatter-add
    # GNN_Encoder: activation (ReLU for gcn) then dropout (identity at inference)
    out = jax.nn.relu(agg)
    return out

if __name__ == "__main__":
    import jax
    _d = setup_inputs()
    print(jax.jit(kernel)(*tuple(_d.values())))

</pallas_src>

<mosaic_0001>
#map = affine_map<(d0, d1) -> (0, 0)>
#map1 = affine_map<(d0, d1) -> (0, 0, 0)>
module attributes {stable_mosaic.version = 14 : i64} {
  func.func @_sc_body(%arg0: i32, %arg1: i32, %arg2: memref<10240x128xf32, #tpu.memory_space<hbm>>, %arg3: memref<32x10240xi32, #tpu.memory_space<hbm>>, %arg4: memref<32x10240xi32, #tpu.memory_space<hbm>>, %arg5: memref<2x10240x128xf32, #tpu.memory_space<hbm>>, %arg6: memref<327680x128xf32, #tpu.memory_space<hbm>>, %arg7: memref<2560xi32, #tpu.memory_space<vmem>>, %arg8: memref<2560xi32, #tpu.memory_space<vmem>>, %arg9: memref<160x128xf32, #tpu.memory_space<vmem>>, %arg10: memref<160x128xf32, #tpu.memory_space<vmem>>, %arg11: memref<10240x128xf32, #tpu.memory_space<vmem_shared>>, %arg12: memref<!tpu.dma_semaphore, #tpu.memory_space<semaphore_mem>>, %arg13: memref<!tpu.dma_semaphore, #tpu.memory_space<semaphore_mem>>, %arg14: memref<!tpu.dma_semaphore, #tpu.memory_space<semaphore_mem>>, %arg15: memref<!tpu.dma_semaphore, #tpu.memory_space<semaphore_mem>>) attributes {dimension_semantics = [#tpu.dimension_semantics<core_parallel>, #tpu.dimension_semantics<subcore_parallel>], iteration_bounds = array<i64: 2, 16>, scalar_prefetch = 0 : i64, scratch_operands = 9 : i64, tpu.core_type = #tpu.core_type<sc_vector_subcore>, window_params = [{transform_indices = #map}, {transform_indices = #map}, {transform_indices = #map}, {transform_indices = #map1}, {transform_indices = #map}]} {
    %mul3A = arith.constant 2 : i32
    %mul3A_0 = arith.muli %arg1, %mul3A : i32
    %add3A = arith.addi %mul3A_0, %arg0 : i32
    %mul3A_1 = arith.constant 10240 : i32
    %mul3A_2 = arith.muli %add3A, %mul3A_1 : i32
    %mul3A_3 = arith.constant 640 : i32
    %mul3A_4 = arith.muli %arg1, %mul3A_3 : i32
    %add3A_5 = arith.constant 0 : i32
    %add3A_6 = arith.addi %mul3A_4, %add3A_5 : i32
    "tpu.region"() ({
      %run_scoped3A = tpu.sem_alloc : memref<!tpu.dma_semaphore, #tpu.memory_space<semaphore_mem>>
      %dma_start3A_203 = arith.constant 0 : i32
      %dma_start3A_204 = tpu.memref_slice %arg2[%add3A_6, %dma_start3A_203] : memref<10240x128xf32, #tpu.memory_space<hbm>> -> memref<160x128xf32, #tpu.memory_space<hbm>>
      %dma_start3A_205 = arith.constant 0 : i32
      %dma_start3A_206 = tpu.memref_slice %arg2[%add3A_6, %dma_start3A_205] : memref<10240x128xf32, #tpu.memory_space<hbm>> -> memref<160x128xf32, #tpu.memory_space<hbm>>
      tpu.enqueue_dma source(%dma_start3A_206 : memref<160x128xf32, #tpu.memory_space<hbm>>) target(%arg9 : memref<160x128xf32, #tpu.memory_space<vmem>>) target_semaphore(%run_scoped3A : memref<!tpu.dma_semaphore, #tpu.memory_space<semaphore_mem>>)
      %dma_wait3A_207 = arith.constant 0 : i32
      %dma_wait3A_208 = tpu.memref_slice %arg2[%add3A_6, %dma_wait3A_207] : memref<10240x128xf32, #tpu.memory_space<hbm>> -> memref<160x128xf32, #tpu.memory_space<hbm>>
      %dma_wait3A_209 = arith.constant 0 : i32
      %dma_wait3A_210 = tpu.memref_slice %arg2[%add3A_6, %dma_wait3A_209] : memref<10240x128xf32, #tpu.memory_space<hbm>> -> memref<160x128xf32, #tpu.memory_space<hbm>>
      tpu.wait_dma2 semaphore(%run_scoped3A : memref<!tpu.dma_semaphore, #tpu.memory_space<semaphore_mem>>) src(%dma_wait3A_210 : memref<160x128xf32, #tpu.memory_space<hbm>>) dst(%arg9 : memref<160x128xf32, #tpu.memory_space<vmem>>)
      tpu.yield
    }) : () -> ()
    "tpu.region"() ({
      %run_scoped3A = tpu.sem_alloc : memref<!tpu.dma_semaphore, #tpu.memory_space<semaphore_mem>>
      %dma_start3A_203 = arith.constant 0 : i32
      %dma_start3A_204 = tpu.memref_slice %arg11[%add3A_6, %dma_start3A_203] : memref<10240x128xf32, #tpu.memory_space<vmem_shared>> -> memref<160x128xf32, #tpu.memory_space<vmem_shared>>
      %dma_start3A_205 = arith.constant 0 : i32
      %dma_start3A_206 = tpu.memref_slice %arg11[%add3A_6, %dma_start3A_205] : memref<10240x128xf32, #tpu.memory_space<vmem_shared>> -> memref<160x128xf32, #tpu.memory_space<vmem_shared>>
      tpu.enqueue_dma source(%arg9 : memref<160x128xf32, #tpu.memory_space<vmem>>) target(%dma_start3A_206 : memref<160x128xf32, #tpu.memory_space<vmem_shared>>) target_semaphore(%run_scoped3A : memref<!tpu.dma_semaphore, #tpu.memory_space<semaphore_mem>>)
      %dma_wait3A_207 = arith.constant 0 : i32
      %dma_wait3A_208 = tpu.memref_slice %arg11[%add3A_6, %dma_wait3A_207] : memref<10240x128xf32, #tpu.memory_space<vmem_shared>> -> memref<160x128xf32, #tpu.memory_space<vmem_shared>>
      %dma_wait3A_209 = arith.constant 0 : i32
      %dma_wait3A_210 = tpu.memref_slice %arg11[%add3A_6, %dma_wait3A_209] : memref<10240x128xf32, #tpu.memory_space<vmem_shared>> -> memref<160x128xf32, #tpu.memory_space<vmem_shared>>
      tpu.wait_dma2 semaphore(%run_scoped3A : memref<!tpu.dma_semaphore, #tpu.memory_space<semaphore_mem>>) src(%arg9 : memref<160x128xf32, #tpu.memory_space<vmem>>) dst(%dma_wait3A_210 : memref<160x128xf32, #tpu.memory_space<vmem_shared>>)
      tpu.yield
    }) : () -> ()
    %mul3A_7 = arith.constant 640 : i32
    %mul3A_8 = arith.muli %arg1, %mul3A_7 : i32
    %add3A_9 = arith.constant 160 : i32
    %add3A_10 = arith.addi %mul3A_8, %add3A_9 : i32
    "tpu.region"() ({
      %run_scoped3A = tpu.sem_alloc : memref<!tpu.dma_semaphore, #tpu.memory_space<semaphore_mem>>
      %dma_start3A_203 = arith.constant 0 : i32
      %dma_start3A_204 = tpu.memref_slice %arg2[%add3A_10, %dma_start3A_203] : memref<10240x128xf32, #tpu.memory_space<hbm>> -> memref<160x128xf32, #tpu.memory_space<hbm>>
      %dma_start3A_205 = arith.constant 0 : i32
      %dma_start3A_206 = tpu.memref_slice %arg2[%add3A_10, %dma_start3A_205] : memref<10240x128xf32, #tpu.memory_space<hbm>> -> memref<160x128xf32, #tpu.memory_space<hbm>>
      tpu.enqueue_dma source(%dma_start3A_206 : memref<160x128xf32, #tpu.memory_space<hbm>>) target(%arg9 : memref<160x128xf32, #tpu.memory_space<vmem>>) target_semaphore(%run_scoped3A : memref<!tpu.dma_semaphore, #tpu.memory_space<semaphore_mem>>)
      %dma_wait3A_207 = arith.constant 0 : i32
      %dma_wait3A_208 = tpu.memref_slice %arg2[%add3A_10, %dma_wait3A_207] : memref<10240x128xf32, #tpu.memory_space<hbm>> -> memref<160x128xf32, #tpu.memory_space<hbm>>
      %dma_wait3A_209 = arith.constant 0 : i32
      %dma_wait3A_210 = tpu.memref_slice %arg2[%add3A_10, %dma_wait3A_209] : memref<10240x128xf32, #tpu.memory_space<hbm>> -> memref<160x128xf32, #tpu.memory_space<hbm>>
      tpu.wait_dma2 semaphore(%run_scoped3A : memref<!tpu.dma_semaphore, #tpu.memory_space<semaphore_mem>>) src(%dma_wait3A_210 : memref<160x128xf32, #tpu.memory_space<hbm>>) dst(%arg9 : memref<160x128xf32, #tpu.memory_space<vmem>>)
      tpu.yield
    }) : () -> ()
    "tpu.region"() ({
      %run_scoped3A = tpu.sem_alloc : memref<!tpu.dma_semaphore, #tpu.memory_space<semaphore_mem>>
      %dma_start3A_203 = arith.constant 0 : i32
      %dma_start3A_204 = tpu.memref_slice %arg11[%add3A_10, %dma_start3A_203] : memref<10240x128xf32, #tpu.memory_space<vmem_shared>> -> memref<160x128xf32, #tpu.memory_space<vmem_shared>>
      %dma_start3A_205 = arith.constant 0 : i32
      %dma_start3A_206 = tpu.memref_slice %arg11[%add3A_10, %dma_start3A_205] : memref<10240x128xf32, #tpu.memory_space<vmem_shared>> -> memref<160x128xf32, #tpu.memory_space<vmem_shared>>
      tpu.enqueue_dma source(%arg9 : memref<160x128xf32, #tpu.memory_space<vmem>>) target(%dma_start3A_206 : memref<160x128xf32, #tpu.memory_space<vmem_shared>>) target_semaphore(%run_scoped3A : memref<!tpu.dma_semaphore, #tpu.memory_space<semaphore_mem>>)
      %dma_wait3A_207 = arith.constant 0 : i32
      %dma_wait3A_208 = tpu.memref_slice %arg11[%add3A_10, %dma_wait3A_207] : memref<10240x128xf32, #tpu.memory_space<vmem_shared>> -> memref<160x128xf32, #tpu.memory_space<vmem_shared>>
      %dma_wait3A_209 = arith.constant 0 : i32
      %dma_wait3A_210 = tpu.memref_slice %arg11[%add3A_10, %dma_wait3A_209] : memref<10240x128xf32, #tpu.memory_space<vmem_shared>> -> memref<160x128xf32, #tpu.memory_space<vmem_shared>>
      tpu.wait_dma2 semaphore(%run_scoped3A : memref<!tpu.dma_semaphore, #tpu.memory_space<semaphore_mem>>) src(%arg9 : memref<160x128xf32, #tpu.memory_space<vmem>>) dst(%dma_wait3A_210 : memref<160x128xf32, #tpu.memory_space<vmem_shared>>)
      tpu.yield
    }) : () -> ()
    %mul3A_11 = arith.constant 640 : i32
    %mul3A_12 = arith.muli %arg1, %mul3A_11 : i32
    %add3A_13 = arith.constant 320 : i32
    %add3A_14 = arith.addi %mul3A_12, %add3A_13 : i32
    "tpu.region"() ({
      %run_scoped3A = tpu.sem_alloc : memref<!tpu.dma_semaphore, #tpu.memory_space<semaphore_mem>>
      %dma_start3A_203 = arith.constant 0 : i32
      %dma_start3A_204 = tpu.memref_slice %arg2[%add3A_14, %dma_start3A_203] : memref<10240x128xf32, #tpu.memory_space<hbm>> -> memref<160x128xf32, #tpu.memory_space<hbm>>
      %dma_start3A_205 = arith.constant 0 : i32
      %dma_start3A_206 = tpu.memref_slice %arg2[%add3A_14, %dma_start3A_205] : memref<10240x128xf32, #tpu.memory_space<hbm>> -> memref<160x128xf32, #tpu.memory_space<hbm>>
      tpu.enqueue_dma source(%dma_start3A_206 : memref<160x128xf32, #tpu.memory_space<hbm>>) target(%arg9 : memref<160x128xf32, #tpu.memory_space<vmem>>) target_semaphore(%run_scoped3A : memref<!tpu.dma_semaphore, #tpu.memory_space<semaphore_mem>>)
      %dma_wait3A_207 = arith.constant 0 : i32
      %dma_wait3A_208 = tpu.memref_slice %arg2[%add3A_14, %dma_wait3A_207] : memref<10240x128xf32, #tpu.memory_space<hbm>> -> memref<160x128xf32, #tpu.memory_space<hbm>>
      %dma_wait3A_209 = arith.constant 0 : i32
      %dma_wait3A_210 = tpu.memref_slice %arg2[%add3A_14, %dma_wait3A_209] : memref<10240x128xf32, #tpu.memory_space<hbm>> -> memref<160x128xf32, #tpu.memory_space<hbm>>
      tpu.wait_dma2 semaphore(%run_scoped3A : memref<!tpu.dma_semaphore, #tpu.memory_space<semaphore_mem>>) src(%dma_wait3A_210 : memref<160x128xf32, #tpu.memory_space<hbm>>) dst(%arg9 : memref<160x128xf32, #tpu.memory_space<vmem>>)
      tpu.yield
    }) : () -> ()
    "tpu.region"() ({
      %run_scoped3A = tpu.sem_alloc : memref<!tpu.dma_semaphore, #tpu.memory_space<semaphore_mem>>
      %dma_start3A_203 = arith.constant 0 : i32
      %dma_start3A_204 = tpu.memref_slice %arg11[%add3A_14, %dma_start3A_203] : memref<10240x128xf32, #tpu.memory_space<vmem_shared>> -> memref<160x128xf32, #tpu.memory_space<vmem_shared>>
      %dma_start3A_205 = arith.constant 0 : i32
      %dma_start3A_206 = tpu.memref_slice %arg11[%add3A_14, %dma_start3A_205] : memref<10240x128xf32, #tpu.memory_space<vmem_shared>> -> memref<160x128xf32, #tpu.memory_space<vmem_shared>>
      tpu.enqueue_dma source(%arg9 : memref<160x128xf32, #tpu.memory_space<vmem>>) target(%dma_start3A_206 : memref<160x128xf32, #tpu.memory_space<vmem_shared>>) target_semaphore(%run_scoped3A : memref<!tpu.dma_semaphore, #tpu.memory_space<semaphore_mem>>)
      %dma_wait3A_207 = arith.constant 0 : i32
      %dma_wait3A_208 = tpu.memref_slice %arg11[%add3A_14, %dma_wait3A_207] : memref<10240x128xf32, #tpu.memory_space<vmem_shared>> -> memref<160x128xf32, #tpu.memory_space<vmem_shared>>
      %dma_wait3A_209 = arith.constant 0 : i32
      %dma_wait3A_210 = tpu.memref_slice %arg11[%add3A_14, %dma_wait3A_209] : memref<10240x128xf32, #tpu.memory_space<vmem_shared>> -> memref<160x128xf32, #tpu.memory_space<vmem_shared>>
      tpu.wait_dma2 semaphore(%run_scoped3A : memref<!tpu.dma_semaphore, #tpu.memory_space<semaphore_mem>>) src(%arg9 : memref<160x128xf32, #tpu.memory_space<vmem>>) dst(%dma_wait3A_210 : memref<160x128xf32, #tpu.memory_space<vmem_shared>>)
      tpu.yield
    }) : () -> ()
    %mul3A_15 = arith.constant 640 : i32
    %mul3A_16 = arith.muli %arg1, %mul3A_15 : i32
    %add3A_17 = arith.constant 480 : i32
    %add3A_18 = arith.addi %mul3A_16, %add3A_17 : i32
    "tpu.region"() ({
      %run_scoped3A = tpu.sem_alloc : memref<!tpu.dma_semaphore, #tpu.memory_space<semaphore_mem>>
      %dma_start3A_203 = arith.constant 0 : i32
      %dma_start3A_204 = tpu.memref_slice %arg2[%add3A_18, %dma_start3A_203] : memref<10240x128xf32, #tpu.memory_space<hbm>> -> memref<160x128xf32, #tpu.memory_space<hbm>>
      %dma_start3A_205 = arith.constant 0 : i32
      %dma_start3A_206 = tpu.memref_slice %arg2[%add3A_18, %dma_start3A_205] : memref<10240x128xf32, #tpu.memory_space<hbm>> -> memref<160x128xf32, #tpu.memory_space<hbm>>
      tpu.enqueue_dma source(%dma_start3A_206 : memref<160x128xf32, #tpu.memory_space<hbm>>) target(%arg9 : memref<160x128xf32, #tpu.memory_space<vmem>>) target_semaphore(%run_scoped3A : memref<!tpu.dma_semaphore, #tpu.memory_space<semaphore_mem>>)
      %dma_wait3A_207 = arith.constant 0 : i32
      %dma_wait3A_208 = tpu.memref_slice %arg2[%add3A_18, %dma_wait3A_207] : memref<10240x128xf32, #tpu.memory_space<hbm>> -> memref<160x128xf32, #tpu.memory_space<hbm>>
      %dma_wait3A_209 = arith.constant 0 : i32
      %dma_wait3A_210 = tpu.memref_slice %arg2[%add3A_18, %dma_wait3A_209] : memref<10240x128xf32, #tpu.memory_space<hbm>> -> memref<160x128xf32, #tpu.memory_space<hbm>>
      tpu.wait_dma2 semaphore(%run_scoped3A : memref<!tpu.dma_semaphore, #tpu.memory_space<semaphore_mem>>) src(%dma_wait3A_210 : memref<160x128xf32, #tpu.memory_space<hbm>>) dst(%arg9 : memref<160x128xf32, #tpu.memory_space<vmem>>)
      tpu.yield
    }) : () -> ()
    "tpu.region"() ({
      %run_scoped3A = tpu.sem_alloc : memref<!tpu.dma_semaphore, #tpu.memory_space<semaphore_mem>>
      %dma_start3A_203 = arith.constant 0 : i32
      %dma_start3A_204 = tpu.memref_slice %arg11[%add3A_18, %dma_start3A_203] : memref<10240x128xf32, #tpu.memory_space<vmem_shared>> -> memref<160x128xf32, #tpu.memory_space<vmem_shared>>
      %dma_start3A_205 = arith.constant 0 : i32
      %dma_start3A_206 = tpu.memref_slice %arg11[%add3A_18, %dma_start3A_205] : memref<10240x128xf32, #tpu.memory_space<vmem_shared>> -> memref<160x128xf32, #tpu.memory_space<vmem_shared>>
      tpu.enqueue_dma source(%arg9 : memref<160x128xf32, #tpu.memory_space<vmem>>) target(%dma_start3A_206 : memref<160x128xf32, #tpu.memory_space<vmem_shared>>) target_semaphore(%run_scoped3A : memref<!tpu.dma_semaphore, #tpu.memory_space<semaphore_mem>>)
      %dma_wait3A_207 = arith.constant 0 : i32
      %dma_wait3A_208 = tpu.memref_slice %arg11[%add3A_18, %dma_wait3A_207] : memref<10240x128xf32, #tpu.memory_space<vmem_shared>> -> memref<160x128xf32, #tpu.memory_space<vmem_shared>>
      %dma_wait3A_209 = arith.constant 0 : i32
      %dma_wait3A_210 = tpu.memref_slice %arg11[%add3A_18, %dma_wait3A_209] : memref<10240x128xf32, #tpu.memory_space<vmem_shared>> -> memref<160x128xf32, #tpu.memory_space<vmem_shared>>
      tpu.wait_dma2 semaphore(%run_scoped3A : memref<!tpu.dma_semaphore, #tpu.memory_space<semaphore_mem>>) src(%arg9 : memref<160x128xf32, #tpu.memory_space<vmem>>) dst(%dma_wait3A_210 : memref<160x128xf32, #tpu.memory_space<vmem_shared>>)
      tpu.yield
    }) : () -> ()
    %barrier3A = arith.constant 0 : index
    tpu.barrier barrier_id(%barrier3A)
    "tpu.region"() ({
      %run_scoped3A = tpu.sem_alloc : memref<!tpu.dma_semaphore, #tpu.memory_space<semaphore_mem>>
      %dma_start3A_203 = arith.constant 0 : i32
      %dma_start3A_204 = tpu.memref_slice %arg3[%add3A, %dma_start3A_203] : memref<32x10240xi32, #tpu.memory_space<hbm>> -> memref<1x2560xi32, #tpu.memory_space<hbm>>
      %dma_start3A_205 = tpu.memref_squeeze %dma_start3A_204 : memref<1x2560xi32, #tpu.memory_space<hbm>> -> memref<2560xi32, #tpu.memory_space<hbm>>
      %dma_start3A_206 = arith.constant 0 : i32
      %dma_start3A_207 = tpu.memref_slice %arg3[%add3A, %dma_start3A_206] : memref<32x10240xi32, #tpu.memory_space<hbm>> -> memref<1x2560xi32, #tpu.memory_space<hbm>>
      %dma_start3A_208 = tpu.memref_squeeze %dma_start3A_207 : memref<1x2560xi32, #tpu.memory_space<hbm>> -> memref<2560xi32, #tpu.memory_space<hbm>>
      tpu.enqueue_dma source(%dma_start3A_208 : memref<2560xi32, #tpu.memory_space<hbm>>) target(%arg7 : memref<2560xi32, #tpu.memory_space<vmem>>) target_semaphore(%run_scoped3A : memref<!tpu.dma_semaphore, #tpu.memory_space<semaphore_mem>>)
      %dma_wait3A_209 = arith.constant 0 : i32
      %dma_wait3A_210 = tpu.memref_slice %arg3[%add3A, %dma_wait3A_209] : memref<32x10240xi32, #tpu.memory_space<hbm>> -> memref<1x2560xi32, #tpu.memory_space<hbm>>
      %dma_wait3A_211 = tpu.memref_squeeze %dma_wait3A_210 : memref<1x2560xi32, #tpu.memory_space<hbm>> -> memref<2560xi32, #tpu.memory_space<hbm>>
      %dma_wait3A_212 = arith.constant 0 : i32
      %dma_wait3A_213 = tpu.memref_slice %arg3[%add3A, %dma_wait3A_212] : memref<32x10240xi32, #tpu.memory_space<hbm>> -> memref<1x2560xi32, #tpu.memory_space<hbm>>
      %dma_wait3A_214 = tpu.memref_squeeze %dma_wait3A_213 : memref<1x2560xi32, #tpu.memory_space<hbm>> -> memref<2560xi32, #tpu.memory_space<hbm>>
      tpu.wait_dma2 semaphore(%run_scoped3A : memref<!tpu.dma_semaphore, #tpu.memory_space<semaphore_mem>>) src(%dma_wait3A_214 : memref<2560xi32, #tpu.memory_space<hbm>>) dst(%arg7 : memref<2560xi32, #tpu.memory_space<vmem>>)
      tpu.yield
    }) : () -> ()
    %dma_start3A = arith.constant 0 : i32
    %dma_start3A_19 = tpu.memref_slice %arg7[%dma_start3A] : memref<2560xi32, #tpu.memory_space<vmem>> -> memref<160xi32, #tpu.memory_space<vmem>>
    %dma_start3A_20 = arith.constant 0 : i32
    %dma_start3A_21 = arith.constant 0 : i32
    %dma_start3A_22 = tpu.memref_slice %arg11[%dma_start3A_20, %dma_start3A_21] : memref<10240x128xf32, #tpu.memory_space<vmem_shared>> -> memref<10240x128xf32, #tpu.memory_space<vmem_shared>>
    tpu.enqueue_indirect_dma source(%dma_start3A_22 : memref<10240x128xf32, #tpu.memory_space<vmem_shared>>) target(%arg9 : memref<160x128xf32, #tpu.memory_space<vmem>>) offsets(%dma_start3A_19 : memref<160xi32, #tpu.memory_space<vmem>>) semaphore(%arg12 : memref<!tpu.dma_semaphore, #tpu.memory_space<semaphore_mem>>)
    %scan3A = arith.constant 0 : i32
    %scan3A_23 = arith.constant 0 : i32
    %scan3A_24 = arith.constant 8 : i32
    %scan3A_25 = arith.addi %scan3A_23, %scan3A_24 : i32
    %scan3A_26 = arith.constant 1 : i32
    %scan3A_27 = scf.for %scan3A_203 = %scan3A_23 to %scan3A_25 step %scan3A_26 iter_args(%scan3A_204 = %scan3A) -> (i32)  : i32 {
      %mul3A_205 = arith.constant 2 : i32
      %mul3A_206 = arith.muli %scan3A_203, %mul3A_205 : i32
      %add3A_207 = arith.constant 0 : i32
      %add3A_208 = arith.addi %mul3A_206, %add3A_207 : i32
      %ge3A = arith.constant 1 : i32
      %ge3A_209 = arith.cmpi sge, %add3A_208, %ge3A : i32
      %convert_element_type3A = arith.extui %ge3A_209 : i1 to i32
      %cond3A = arith.constant 0 : i32
      %cond3A_210 = arith.cmpi ne, %convert_element_type3A, %cond3A : i32
      scf.if %cond3A_210 {
        %sub3A = arith.constant 1 : i32
        %sub3A_264 = arith.subi %add3A_208, %sub3A : i32
        %add3A_265 = arith.constant 0 : i32
        %add3A_266 = arith.addi %add3A_265, %sub3A_264 : i32
        %mul3A_267 = arith.constant 160 : i32
        %mul3A_268 = arith.muli %add3A_266, %mul3A_267 : i32
        %add3A_269 = arith.addi %mul3A_2, %mul3A_268 : i32
        %dma_wait3A_270 = arith.constant 0 : i32
        %dma_wait3A_271 = tpu.memref_slice %arg6[%add3A_269, %dma_wait3A_270] : memref<327680x128xf32, #tpu.memory_space<hbm>> -> memref<160x128xf32, #tpu.memory_space<hbm>>
        %dma_wait3A_272 = arith.constant 0 : i32
        %dma_wait3A_273 = tpu.memref_slice %arg6[%add3A_269, %dma_wait3A_272] : memref<327680x128xf32, #tpu.memory_space<hbm>> -> memref<160x128xf32, #tpu.memory_space<hbm>>
        tpu.wait_dma2 semaphore(%arg15 : memref<!tpu.dma_semaphore, #tpu.memory_space<semaphore_mem>>) src(%arg10 : memref<160x128xf32, #tpu.memory_space<vmem>>) dst(%dma_wait3A_273 : memref<160x128xf32, #tpu.memory_space<hbm>>)
      } else {
      }
      %add3A_211 = arith.constant 1 : i32
      %add3A_212 = arith.addi %add3A_208, %add3A_211 : i32
      %lt3A = arith.constant 16 : i32
      %lt3A_213 = arith.cmpi slt, %add3A_212, %lt3A : i32
      %convert_element_type3A_214 = arith.extui %lt3A_213 : i1 to i32
      %cond3A_215 = arith.constant 0 : i32
      %cond3A_216 = arith.cmpi ne, %convert_element_type3A_214, %cond3A_215 : i32
      scf.if %cond3A_216 {
        %add3A_264 = arith.constant 1 : i32
        %add3A_265 = arith.addi %add3A_208, %add3A_264 : i32
        %mul3A_266 = arith.constant 160 : i32
        %mul3A_267 = arith.muli %add3A_265, %mul3A_266 : i32
        %dma_start3A_268 = tpu.memref_slice %arg7[%mul3A_267] : memref<2560xi32, #tpu.memory_space<vmem>> -> memref<160xi32, #tpu.memory_space<vmem>>
        %dma_start3A_269 = arith.constant 0 : i32
        %dma_start3A_270 = arith.constant 0 : i32
        %dma_start3A_271 = tpu.memref_slice %arg11[%dma_start3A_269, %dma_start3A_270] : memref<10240x128xf32, #tpu.memory_space<vmem_shared>> -> memref<10240x128xf32, #tpu.memory_space<vmem_shared>>
        tpu.enqueue_indirect_dma source(%dma_start3A_271 : memref<10240x128xf32, #tpu.memory_space<vmem_shared>>) target(%arg10 : memref<160x128xf32, #tpu.memory_space<vmem>>) offsets(%dma_start3A_268 : memref<160xi32, #tpu.memory_space<vmem>>) semaphore(%arg13 : memref<!tpu.dma_semaphore, #tpu.memory_space<semaphore_mem>>)
      } else {
      }
      %mul3A_217 = arith.constant 160 : i32
      %mul3A_218 = arith.muli %add3A_208, %mul3A_217 : i32
      %dma_wait3A_219 = tpu.memref_slice %arg7[%mul3A_218] : memref<2560xi32, #tpu.memory_space<vmem>> -> memref<160xi32, #tpu.memory_space<vmem>>
      %dma_wait3A_220 = arith.constant 0 : i32
      %dma_wait3A_221 = arith.constant 0 : i32
      %dma_wait3A_222 = tpu.memref_slice %arg11[%dma_wait3A_220, %dma_wait3A_221] : memref<10240x128xf32, #tpu.memory_space<vmem_shared>> -> memref<10240x128xf32, #tpu.memory_space<vmem_shared>>
      tpu.wait_indirect_dma semaphore(%arg12 : memref<!tpu.dma_semaphore, #tpu.memory_space<semaphore_mem>>) src(%dma_wait3A_222 : memref<10240x128xf32, #tpu.memory_space<vmem_shared>>) dst(%arg9 : memref<160x128xf32, #tpu.memory_space<vmem>>)
      %add3A_223 = arith.constant 0 : i32
      %add3A_224 = arith.addi %add3A_223, %add3A_208 : i32
      %mul3A_225 = arith.constant 160 : i32
      %mul3A_226 = arith.muli %add3A_224, %mul3A_225 : i32
      %add3A_227 = arith.addi %mul3A_2, %mul3A_226 : i32
      %dma_start3A_228 = arith.constant 0 : i32
      %dma_start3A_229 = tpu.memref_slice %arg6[%add3A_227, %dma_start3A_228] : memref<327680x128xf32, #tpu.memory_space<hbm>> -> memref<160x128xf32, #tpu.memory_space<hbm>>
      %dma_start3A_230 = arith.constant 0 : i32
      %dma_start3A_231 = tpu.memref_slice %arg6[%add3A_227, %dma_start3A_230] : memref<327680x128xf32, #tpu.memory_space<hbm>> -> memref<160x128xf32, #tpu.memory_space<hbm>>
      tpu.enqueue_dma source(%arg9 : memref<160x128xf32, #tpu.memory_space<vmem>>) target(%dma_start3A_231 : memref<160x128xf32, #tpu.memory_space<hbm>>) target_semaphore(%arg14 : memref<!tpu.dma_semaphore, #tpu.memory_space<semaphore_mem>>)
      %mul3A_232 = arith.constant 2 : i32
      %mul3A_233 = arith.muli %scan3A_203, %mul3A_232 : i32
      %add3A_234 = arith.constant 1 : i32
      %add3A_235 = arith.addi %mul3A_233, %add3A_234 : i32
      %ge3A_236 = arith.constant 1 : i32
      %ge3A_237 = arith.cmpi sge, %add3A_235, %ge3A_236 : i32
      %convert_element_type3A_238 = arith.extui %ge3A_237 : i1 to i32
      %cond3A_239 = arith.constant 0 : i32
      %cond3A_240 = arith.cmpi ne, %convert_element_type3A_238, %cond3A_239 : i32
      scf.if %cond3A_240 {
        %sub3A = arith.constant 1 : i32
        %sub3A_264 = arith.subi %add3A_235, %sub3A : i32
        %add3A_265 = arith.constant 0 : i32
        %add3A_266 = arith.addi %add3A_265, %sub3A_264 : i32
        %mul3A_267 = arith.constant 160 : i32
        %mul3A_268 = arith.muli %add3A_266, %mul3A_267 : i32
        %add3A_269 = arith.addi %mul3A_2, %mul3A_268 : i32
        %dma_wait3A_270 = arith.constant 0 : i32
        %dma_wait3A_271 = tpu.memref_slice %arg6[%add3A_269, %dma_wait3A_270] : memref<327680x128xf32, #tpu.memory_space<hbm>> -> memref<160x128xf32, #tpu.memory_space<hbm>>
        %dma_wait3A_272 = arith.constant 0 : i32
        %dma_wait3A_273 = tpu.memref_slice %arg6[%add3A_269, %dma_wait3A_272] : memref<327680x128xf32, #tpu.memory_space<hbm>> -> memref<160x128xf32, #tpu.memory_space<hbm>>
        tpu.wait_dma2 semaphore(%arg14 : memref<!tpu.dma_semaphore, #tpu.memory_space<semaphore_mem>>) src(%arg9 : memref<160x128xf32, #tpu.memory_space<vmem>>) dst(%dma_wait3A_273 : memref<160x128xf32, #tpu.memory_space<hbm>>)
      } else {
      }
      %add3A_241 = arith.constant 1 : i32
      %add3A_242 = arith.addi %add3A_235, %add3A_241 : i32
      %lt3A_243 = arith.constant 16 : i32
      %lt3A_244 = arith.cmpi slt, %add3A_242, %lt3A_243 : i32
      %convert_element_type3A_245 = arith.extui %lt3A_244 : i1 to i32
      %cond3A_246 = arith.constant 0 : i32
      %cond3A_247 = arith.cmpi ne, %convert_element_type3A_245, %cond3A_246 : i32
      scf.if %cond3A_247 {
        %add3A_264 = arith.constant 1 : i32
        %add3A_265 = arith.addi %add3A_235, %add3A_264 : i32
        %mul3A_266 = arith.constant 160 : i32
        %mul3A_267 = arith.muli %add3A_265, %mul3A_266 : i32
        %dma_start3A_268 = tpu.memref_slice %arg7[%mul3A_267] : memref<2560xi32, #tpu.memory_space<vmem>> -> memref<160xi32, #tpu.memory_space<vmem>>
        %dma_start3A_269 = arith.constant 0 : i32
        %dma_start3A_270 = arith.constant 0 : i32
        %dma_start3A_271 = tpu.memref_slice %arg11[%dma_start3A_269, %dma_start3A_270] : memref<10240x128xf32, #tpu.memory_space<vmem_shared>> -> memref<10240x128xf32, #tpu.memory_space<vmem_shared>>
        tpu.enqueue_indirect_dma source(%dma_start3A_271 : memref<10240x128xf32, #tpu.memory_space<vmem_shared>>) target(%arg9 : memref<160x128xf32, #tpu.memory_space<vmem>>) offsets(%dma_start3A_268 : memref<160xi32, #tpu.memory_space<vmem>>) semaphore(%arg12 : memref<!tpu.dma_semaphore, #tpu.memory_space<semaphore_mem>>)
      } else {
      }
      %mul3A_248 = arith.constant 160 : i32
      %mul3A_249 = arith.muli %add3A_235, %mul3A_248 : i32
      %dma_wait3A_250 = tpu.memref_slice %arg7[%mul3A_249] : memref<2560xi32, #tpu.memory_space<vmem>> -> memref<160xi32, #tpu.memory_space<vmem>>
      %dma_wait3A_251 = arith.constant 0 : i32
      %dma_wait3A_252 = arith.constant 0 : i32
      %dma_wait3A_253 = tpu.memref_slice %arg11[%dma_wait3A_251, %dma_wait3A_252] : memref<10240x128xf32, #tpu.memory_space<vmem_shared>> -> memref<10240x128xf32, #tpu.memory_space<vmem_shared>>
      tpu.wait_indirect_dma semaphore(%arg13 : memref<!tpu.dma_semaphore, #tpu.memory_space<semaphore_mem>>) src(%dma_wait3A_253 : memref<10240x128xf32, #tpu.memory_space<vmem_shared>>) dst(%arg10 : memref<160x128xf32, #tpu.memory_space<vmem>>)
      %add3A_254 = arith.constant 0 : i32
      %add3A_255 = arith.addi %add3A_254, %add3A_235 : i32
      %mul3A_256 = arith.constant 160 : i32
      %mul3A_257 = arith.muli %add3A_255, %mul3A_256 : i32
      %add3A_258 = arith.addi %mul3A_2, %mul3A_257 : i32
      %dma_start3A_259 = arith.constant 0 : i32
      %dma_start3A_260 = tpu.memref_slice %arg6[%add3A_258, %dma_start3A_259] : memref<327680x128xf32, #tpu.memory_space<hbm>> -> memref<160x128xf32, #tpu.memory_space<hbm>>
      %dma_start3A_261 = arith.constant 0 : i32
      %dma_start3A_262 = tpu.memref_slice %arg6[%add3A_258, %dma_start3A_261] : memref<327680x128xf32, #tpu.memory_space<hbm>> -> memref<160x128xf32, #tpu.memory_space<hbm>>
      tpu.enqueue_dma source(%arg10 : memref<160x128xf32, #tpu.memory_space<vmem>>) target(%dma_start3A_262 : memref<160x128xf32, #tpu.memory_space<hbm>>) target_semaphore(%arg15 : memref<!tpu.dma_semaphore, #tpu.memory_space<semaphore_mem>>)
      %scan3A_263 = arith.constant 0 : i32
      scf.yield %scan3A_263 : i32
    }
    %scan3A_28 = arith.constant 8 : i32
    %add3A_29 = arith.constant 2400 : i32
    %add3A_30 = arith.addi %mul3A_2, %add3A_29 : i32
    %dma_wait3A = arith.constant 0 : i32
    %dma_wait3A_31 = tpu.memref_slice %arg6[%add3A_30, %dma_wait3A] : memref<327680x128xf32, #tpu.memory_space<hbm>> -> memref<160x128xf32, #tpu.memory_space<hbm>>
    %dma_wait3A_32 = arith.constant 0 : i32
    %dma_wait3A_33 = tpu.memref_slice %arg6[%add3A_30, %dma_wait3A_32] : memref<327680x128xf32, #tpu.memory_space<hbm>> -> memref<160x128xf32, #tpu.memory_space<hbm>>
    tpu.wait_dma2 semaphore(%arg15 : memref<!tpu.dma_semaphore, #tpu.memory_space<semaphore_mem>>) src(%arg10 : memref<160x128xf32, #tpu.memory_space<vmem>>) dst(%dma_wait3A_33 : memref<160x128xf32, #tpu.memory_space<hbm>>)
    "tpu.region"() ({
      %run_scoped3A = tpu.sem_alloc : memref<!tpu.dma_semaphore, #tpu.memory_space<semaphore_mem>>
      %dma_start3A_203 = arith.constant 2560 : i32
      %dma_start3A_204 = tpu.memref_slice %arg3[%add3A, %dma_start3A_203] : memref<32x10240xi32, #tpu.memory_space<hbm>> -> memref<1x2560xi32, #tpu.memory_space<hbm>>
      %dma_start3A_205 = tpu.memref_squeeze %dma_start3A_204 : memref<1x2560xi32, #tpu.memory_space<hbm>> -> memref<2560xi32, #tpu.memory_space<hbm>>
      %dma_start3A_206 = arith.constant 2560 : i32
      %dma_start3A_207 = tpu.memref_slice %arg3[%add3A, %dma_start3A_206] : memref<32x10240xi32, #tpu.memory_space<hbm>> -> memref<1x2560xi32, #tpu.memory_space<hbm>>
      %dma_start3A_208 = tpu.memref_squeeze %dma_start3A_207 : memref<1x2560xi32, #tpu.memory_space<hbm>> -> memref<2560xi32, #tpu.memory_space<hbm>>
      tpu.enqueue_dma source(%dma_start3A_208 : memref<2560xi32, #tpu.memory_space<hbm>>) target(%arg7 : memref<2560xi32, #tpu.memory_space<vmem>>) target_semaphore(%run_scoped3A : memref<!tpu.dma_semaphore, #tpu.memory_space<semaphore_mem>>)
      %dma_wait3A_209 = arith.constant 2560 : i32
      %dma_wait3A_210 = tpu.memref_slice %arg3[%add3A, %dma_wait3A_209] : memref<32x10240xi32, #tpu.memory_space<hbm>> -> memref<1x2560xi32, #tpu.memory_space<hbm>>
      %dma_wait3A_211 = tpu.memref_squeeze %dma_wait3A_210 : memref<1x2560xi32, #tpu.memory_space<hbm>> -> memref<2560xi32, #tpu.memory_space<hbm>>
      %dma_wait3A_212 = arith.constant 2560 : i32
      %dma_wait3A_213 = tpu.memref_slice %arg3[%add3A, %dma_wait3A_212] : memref<32x10240xi32, #tpu.memory_space<hbm>> -> memref<1x2560xi32, #tpu.memory_space<hbm>>
      %dma_wait3A_214 = tpu.memref_squeeze %dma_wait3A_213 : memref<1x2560xi32, #tpu.memory_space<hbm>> -> memref<2560xi32, #tpu.memory_space<hbm>>
      tpu.wait_dma2 semaphore(%run_scoped3A : memref<!tpu.dma_semaphore, #tpu.memory_space<semaphore_mem>>) src(%dma_wait3A_214 : memref<2560xi32, #tpu.memory_space<hbm>>) dst(%arg7 : memref<2560xi32, #tpu.memory_space<vmem>>)
      tpu.yield
    }) : () -> ()
    %dma_start3A_34 = arith.constant 0 : i32
    %dma_start3A_35 = tpu.memref_slice %arg7[%dma_start3A_34] : memref<2560xi32, #tpu.memory_space<vmem>> -> memref<160xi32, #tpu.memory_space<vmem>>
    %dma_start3A_36 = arith.constant 0 : i32
    %dma_start3A_37 = arith.constant 0 : i32
    %dma_start3A_38 = tpu.memref_slice %arg11[%dma_start3A_36, %dma_start3A_37] : memref<10240x128xf32, #tpu.memory_space<vmem_shared>> -> memref<10240x128xf32, #tpu.memory_space<vmem_shared>>
    tpu.enqueue_indirect_dma source(%dma_start3A_38 : memref<10240x128xf32, #tpu.memory_space<vmem_shared>>) target(%arg9 : memref<160x128xf32, #tpu.memory_space<vmem>>) offsets(%dma_start3A_35 : memref<160xi32, #tpu.memory_space<vmem>>) semaphore(%arg12 : memref<!tpu.dma_semaphore, #tpu.memory_space<semaphore_mem>>)
    %scan3A_39 = arith.constant 0 : i32
    %scan3A_40 = arith.constant 0 : i32
    %scan3A_41 = arith.constant 8 : i32
    %scan3A_42 = arith.addi %scan3A_40, %scan3A_41 : i32
    %scan3A_43 = arith.constant 1 : i32
    %scan3A_44 = scf.for %scan3A_203 = %scan3A_40 to %scan3A_42 step %scan3A_43 iter_args(%scan3A_204 = %scan3A_39) -> (i32)  : i32 {
      %mul3A_205 = arith.constant 2 : i32
      %mul3A_206 = arith.muli %scan3A_203, %mul3A_205 : i32
      %add3A_207 = arith.constant 0 : i32
      %add3A_208 = arith.addi %mul3A_206, %add3A_207 : i32
      %ge3A = arith.constant 1 : i32
      %ge3A_209 = arith.cmpi sge, %add3A_208, %ge3A : i32
      %convert_element_type3A = arith.extui %ge3A_209 : i1 to i32
      %cond3A = arith.constant 0 : i32
      %cond3A_210 = arith.cmpi ne, %convert_element_type3A, %cond3A : i32
      scf.if %cond3A_210 {
        %sub3A = arith.constant 1 : i32
        %sub3A_264 = arith.subi %add3A_208, %sub3A : i32
        %add3A_265 = arith.constant 16 : i32
        %add3A_266 = arith.addi %add3A_265, %sub3A_264 : i32
        %mul3A_267 = arith.constant 160 : i32
        %mul3A_268 = arith.muli %add3A_266, %mul3A_267 : i32
        %add3A_269 = arith.addi %mul3A_2, %mul3A_268 : i32
        %dma_wait3A_270 = arith.constant 0 : i32
        %dma_wait3A_271 = tpu.memref_slice %arg6[%add3A_269, %dma_wait3A_270] : memref<327680x128xf32, #tpu.memory_space<hbm>> -> memref<160x128xf32, #tpu.memory_space<hbm>>
        %dma_wait3A_272 = arith.constant 0 : i32
        %dma_wait3A_273 = tpu.memref_slice %arg6[%add3A_269, %dma_wait3A_272] : memref<327680x128xf32, #tpu.memory_space<hbm>> -> memref<160x128xf32, #tpu.memory_space<hbm>>
        tpu.wait_dma2 semaphore(%arg15 : memref<!tpu.dma_semaphore, #tpu.memory_space<semaphore_mem>>) src(%arg10 : memref<160x128xf32, #tpu.memory_space<vmem>>) dst(%dma_wait3A_273 : memref<160x128xf32, #tpu.memory_space<hbm>>)
      } else {
      }
      %add3A_211 = arith.constant 1 : i32
      %add3A_212 = arith.addi %add3A_208, %add3A_211 : i32
      %lt3A = arith.constant 16 : i32
      %lt3A_213 = arith.cmpi slt, %add3A_212, %lt3A : i32
      %convert_element_type3A_214 = arith.extui %lt3A_213 : i1 to i32
      %cond3A_215 = arith.constant 0 : i32
      %cond3A_216 = arith.cmpi ne, %convert_element_type3A_214, %cond3A_215 : i32
      scf.if %cond3A_216 {
        %add3A_264 = arith.constant 1 : i32
        %add3A_265 = arith.addi %add3A_208, %add3A_264 : i32
        %mul3A_266 = arith.constant 160 : i32
        %mul3A_267 = arith.muli %add3A_265, %mul3A_266 : i32
        %dma_start3A_268 = tpu.memref_slice %arg7[%mul3A_267] : memref<2560xi32, #tpu.memory_space<vmem>> -> memref<160xi32, #tpu.memory_space<vmem>>
        %dma_start3A_269 = arith.constant 0 : i32
        %dma_start3A_270 = arith.constant 0 : i32
        %dma_start3A_271 = tpu.memref_slice %arg11[%dma_start3A_269, %dma_start3A_270] : memref<10240x128xf32, #tpu.memory_space<vmem_shared>> -> memref<10240x128xf32, #tpu.memory_space<vmem_shared>>
        tpu.enqueue_indirect_dma source(%dma_start3A_271 : memref<10240x128xf32, #tpu.memory_space<vmem_shared>>) target(%arg10 : memref<160x128xf32, #tpu.memory_space<vmem>>) offsets(%dma_start3A_268 : memref<160xi32, #tpu.memory_space<vmem>>) semaphore(%arg13 : memref<!tpu.dma_semaphore, #tpu.memory_space<semaphore_mem>>)
      } else {
      }
      %mul3A_217 = arith.constant 160 : i32
      %mul3A_218 = arith.muli %add3A_208, %mul3A_217 : i32
      %dma_wait3A_219 = tpu.memref_slice %arg7[%mul3A_218] : memref<2560xi32, #tpu.memory_space<vmem>> -> memref<160xi32, #tpu.memory_space<vmem>>
      %dma_wait3A_220 = arith.constant 0 : i32
      %dma_wait3A_221 = arith.constant 0 : i32
      %dma_wait3A_222 = tpu.memref_slice %arg11[%dma_wait3A_220, %dma_wait3A_221] : memref<10240x128xf32, #tpu.memory_space<vmem_shared>> -> memref<10240x128xf32, #tpu.memory_space<vmem_shared>>
      tpu.wait_indirect_dma semaphore(%arg12 : memref<!tpu.dma_semaphore, #tpu.memory_space<semaphore_mem>>) src(%dma_wait3A_222 : memref<10240x128xf32, #tpu.memory_space<vmem_shared>>) dst(%arg9 : memref<160x128xf32, #tpu.memory_space<vmem>>)
      %add3A_223 = arith.constant 16 : i32
      %add3A_224 = arith.addi %add3A_223, %add3A_208 : i32
      %mul3A_225 = arith.constant 160 : i32
      %mul3A_226 = arith.muli %add3A_224, %mul3A_225 : i32
      %add3A_227 = arith.addi %mul3A_2, %mul3A_226 : i32
      %dma_start3A_228 = arith.constant 0 : i32
      %dma_start3A_229 = tpu.memref_slice %arg6[%add3A_227, %dma_start3A_228] : memref<327680x128xf32, #tpu.memory_space<hbm>> -> memref<160x128xf32, #tpu.memory_space<hbm>>
      %dma_start3A_230 = arith.constant 0 : i32
      %dma_start3A_231 = tpu.memref_slice %arg6[%add3A_227, %dma_start3A_230] : memref<327680x128xf32, #tpu.memory_space<hbm>> -> memref<160x128xf32, #tpu.memory_space<hbm>>
      tpu.enqueue_dma source(%arg9 : memref<160x128xf32, #tpu.memory_space<vmem>>) target(%dma_start3A_231 : memref<160x128xf32, #tpu.memory_space<hbm>>) target_semaphore(%arg14 : memref<!tpu.dma_semaphore, #tpu.memory_space<semaphore_mem>>)
      %mul3A_232 = arith.constant 2 : i32
      %mul3A_233 = arith.muli %scan3A_203, %mul3A_232 : i32
      %add3A_234 = arith.constant 1 : i32
      %add3A_235 = arith.addi %mul3A_233, %add3A_234 : i32
      %ge3A_236 = arith.constant 1 : i32
      %ge3A_237 = arith.cmpi sge, %add3A_235, %ge3A_236 : i32
      %convert_element_type3A_238 = arith.extui %ge3A_237 : i1 to i32
      %cond3A_239 = arith.constant 0 : i32
      %cond3A_240 = arith.cmpi ne, %convert_element_type3A_238, %cond3A_239 : i32
      scf.if %cond3A_240 {
        %sub3A = arith.constant 1 : i32
        %sub3A_264 = arith.subi %add3A_235, %sub3A : i32
        %add3A_265 = arith.constant 16 : i32
        %add3A_266 = arith.addi %add3A_265, %sub3A_264 : i32
        %mul3A_267 = arith.constant 160 : i32
        %mul3A_268 = arith.muli %add3A_266, %mul3A_267 : i32
        %add3A_269 = arith.addi %mul3A_2, %mul3A_268 : i32
        %dma_wait3A_270 = arith.constant 0 : i32
        %dma_wait3A_271 = tpu.memref_slice %arg6[%add3A_269, %dma_wait3A_270] : memref<327680x128xf32, #tpu.memory_space<hbm>> -> memref<160x128xf32, #tpu.memory_space<hbm>>
        %dma_wait3A_272 = arith.constant 0 : i32
        %dma_wait3A_273 = tpu.memref_slice %arg6[%add3A_269, %dma_wait3A_272] : memref<327680x128xf32, #tpu.memory_space<hbm>> -> memref<160x128xf32, #tpu.memory_space<hbm>>
        tpu.wait_dma2 semaphore(%arg14 : memref<!tpu.dma_semaphore, #tpu.memory_space<semaphore_mem>>) src(%arg9 : memref<160x128xf32, #tpu.memory_space<vmem>>) dst(%dma_wait3A_273 : memref<160x128xf32, #tpu.memory_space<hbm>>)
      } else {
      }
      %add3A_241 = arith.constant 1 : i32
      %add3A_242 = arith.addi %add3A_235, %add3A_241 : i32
      %lt3A_243 = arith.constant 16 : i32
      %lt3A_244 = arith.cmpi slt, %add3A_242, %lt3A_243 : i32
      %convert_element_type3A_245 = arith.extui %lt3A_244 : i1 to i32
      %cond3A_246 = arith.constant 0 : i32
      %cond3A_247 = arith.cmpi ne, %convert_element_type3A_245, %cond3A_246 : i32
      scf.if %cond3A_247 {
        %add3A_264 = arith.constant 1 : i32
        %add3A_265 = arith.addi %add3A_235, %add3A_264 : i32
        %mul3A_266 = arith.constant 160 : i32
        %mul3A_267 = arith.muli %add3A_265, %mul3A_266 : i32
        %dma_start3A_268 = tpu.memref_slice %arg7[%mul3A_267] : memref<2560xi32, #tpu.memory_space<vmem>> -> memref<160xi32, #tpu.memory_space<vmem>>
        %dma_start3A_269 = arith.constant 0 : i32
        %dma_start3A_270 = arith.constant 0 : i32
        %dma_start3A_271 = tpu.memref_slice %arg11[%dma_start3A_269, %dma_start3A_270] : memref<10240x128xf32, #tpu.memory_space<vmem_shared>> -> memref<10240x128xf32, #tpu.memory_space<vmem_shared>>
        tpu.enqueue_indirect_dma source(%dma_start3A_271 : memref<10240x128xf32, #tpu.memory_space<vmem_shared>>) target(%arg9 : memref<160x128xf32, #tpu.memory_space<vmem>>) offsets(%dma_start3A_268 : memref<160xi32, #tpu.memory_space<vmem>>) semaphore(%arg12 : memref<!tpu.dma_semaphore, #tpu.memory_space<semaphore_mem>>)
      } else {
      }
      %mul3A_248 = arith.constant 160 : i32
      %mul3A_249 = arith.muli %add3A_235, %mul3A_248 : i32
      %dma_wait3A_250 = tpu.memref_slice %arg7[%mul3A_249] : memref<2560xi32, #tpu.memory_space<vmem>> -> memref<160xi32, #tpu.memory_space<vmem>>
      %dma_wait3A_251 = arith.constant 0 : i32
      %dma_wait3A_252 = arith.constant 0 : i32
      %dma_wait3A_253 = tpu.memref_slice %arg11[%dma_wait3A_251, %dma_wait3A_252] : memref<10240x128xf32, #tpu.memory_space<vmem_shared>> -> memref<10240x128xf32, #tpu.memory_space<vmem_shared>>
      tpu.wait_indirect_dma semaphore(%arg13 : memref<!tpu.dma_semaphore, #tpu.memory_space<semaphore_mem>>) src(%dma_wait3A_253 : memref<10240x128xf32, #tpu.memory_space<vmem_shared>>) dst(%arg10 : memref<160x128xf32, #tpu.memory_space<vmem>>)
      %add3A_254 = arith.constant 16 : i32
      %add3A_255 = arith.addi %add3A_254, %add3A_235 : i32
      %mul3A_256 = arith.constant 160 : i32
      %mul3A_257 = arith.muli %add3A_255, %mul3A_256 : i32
      %add3A_258 = arith.addi %mul3A_2, %mul3A_257 : i32
      %dma_start3A_259 = arith.constant 0 : i32
      %dma_start3A_260 = tpu.memref_slice %arg6[%add3A_258, %dma_start3A_259] : memref<327680x128xf32, #tpu.memory_space<hbm>> -> memref<160x128xf32, #tpu.memory_space<hbm>>
      %dma_start3A_261 = arith.constant 0 : i32
      %dma_start3A_262 = tpu.memref_slice %arg6[%add3A_258, %dma_start3A_261] : memref<327680x128xf32, #tpu.memory_space<hbm>> -> memref<160x128xf32, #tpu.memory_space<hbm>>
      tpu.enqueue_dma source(%arg10 : memref<160x128xf32, #tpu.memory_space<vmem>>) target(%dma_start3A_262 : memref<160x128xf32, #tpu.memory_space<hbm>>) target_semaphore(%arg15 : memref<!tpu.dma_semaphore, #tpu.memory_space<semaphore_mem>>)
      %scan3A_263 = arith.constant 0 : i32
      scf.yield %scan3A_263 : i32
    }
    %scan3A_45 = arith.constant 8 : i32
    %add3A_46 = arith.constant 4960 : i32
    %add3A_47 = arith.addi %mul3A_2, %add3A_46 : i32
    %dma_wait3A_48 = arith.constant 0 : i32
    %dma_wait3A_49 = tpu.memref_slice %arg6[%add3A_47, %dma_wait3A_48] : memref<327680x128xf32, #tpu.memory_space<hbm>> -> memref<160x128xf32, #tpu.memory_space<hbm>>
    %dma_wait3A_50 = arith.constant 0 : i32
    %dma_wait3A_51 = tpu.memref_slice %arg6[%add3A_47, %dma_wait3A_50] : memref<327680x128xf32, #tpu.memory_space<hbm>> -> memref<160x128xf32, #tpu.memory_space<hbm>>
    tpu.wait_dma2 semaphore(%arg15 : memref<!tpu.dma_semaphore, #tpu.memory_space<semaphore_mem>>) src(%arg10 : memref<160x128xf32, #tpu.memory_space<vmem>>) dst(%dma_wait3A_51 : memref<160x128xf32, #tpu.memory_space<hbm>>)
    "tpu.region"() ({
      %run_scoped3A = tpu.sem_alloc : memref<!tpu.dma_semaphore, #tpu.memory_space<semaphore_mem>>
      %dma_start3A_203 = arith.constant 5120 : i32
      %dma_start3A_204 = tpu.memref_slice %arg3[%add3A, %dma_start3A_203] : memref<32x10240xi32, #tpu.memory_space<hbm>> -> memref<1x2560xi32, #tpu.memory_space<hbm>>
      %dma_start3A_205 = tpu.memref_squeeze %dma_start3A_204 : memref<1x2560xi32, #tpu.memory_space<hbm>> -> memref<2560xi32, #tpu.memory_space<hbm>>
      %dma_start3A_206 = arith.constant 5120 : i32
      %dma_start3A_207 = tpu.memref_slice %arg3[%add3A, %dma_start3A_206] : memref<32x10240xi32, #tpu.memory_space<hbm>> -> memref<1x2560xi32, #tpu.memory_space<hbm>>
      %dma_start3A_208 = tpu.memref_squeeze %dma_start3A_207 : memref<1x2560xi32, #tpu.memory_space<hbm>> -> memref<2560xi32, #tpu.memory_space<hbm>>
      tpu.enqueue_dma source(%dma_start3A_208 : memref<2560xi32, #tpu.memory_space<hbm>>) target(%arg7 : memref<2560xi32, #tpu.memory_space<vmem>>) target_semaphore(%run_scoped3A : memref<!tpu.dma_semaphore, #tpu.memory_space<semaphore_mem>>)
      %dma_wait3A_209 = arith.constant 5120 : i32
      %dma_wait3A_210 = tpu.memref_slice %arg3[%add3A, %dma_wait3A_209] : memref<32x10240xi32, #tpu.memory_space<hbm>> -> memref<1x2560xi32, #tpu.memory_space<hbm>>
      %dma_wait3A_211 = tpu.memref_squeeze %dma_wait3A_210 : memref<1x2560xi32, #tpu.memory_space<hbm>> -> memref<2560xi32, #tpu.memory_space<hbm>>
      %dma_wait3A_212 = arith.constant 5120 : i32
      %dma_wait3A_213 = tpu.memref_slice %arg3[%add3A, %dma_wait3A_212] : memref<32x10240xi32, #tpu.memory_space<hbm>> -> memref<1x2560xi32, #tpu.memory_space<hbm>>
      %dma_wait3A_214 = tpu.memref_squeeze %dma_wait3A_213 : memref<1x2560xi32, #tpu.memory_space<hbm>> -> memref<2560xi32, #tpu.memory_space<hbm>>
      tpu.wait_dma2 semaphore(%run_scoped3A : memref<!tpu.dma_semaphore, #tpu.memory_space<semaphore_mem>>) src(%dma_wait3A_214 : memref<2560xi32, #tpu.memory_space<hbm>>) dst(%arg7 : memref<2560xi32, #tpu.memory_space<vmem>>)
      tpu.yield
    }) : () -> ()
    %dma_start3A_52 = arith.constant 0 : i32
    %dma_start3A_53 = tpu.memref_slice %arg7[%dma_start3A_52] : memref<2560xi32, #tpu.memory_space<vmem>> -> memref<160xi32, #tpu.memory_space<vmem>>
    %dma_start3A_54 = arith.constant 0 : i32
    %dma_start3A_55 = arith.constant 0 : i32
    %dma_start3A_56 = tpu.memref_slice %arg11[%dma_start3A_54, %dma_start3A_55] : memref<10240x128xf32, #tpu.memory_space<vmem_shared>> -> memref<10240x128xf32, #tpu.memory_space<vmem_shared>>
    tpu.enqueue_indirect_dma source(%dma_start3A_56 : memref<10240x128xf32, #tpu.memory_space<vmem_shared>>) target(%arg9 : memref<160x128xf32, #tpu.memory_space<vmem>>) offsets(%dma_start3A_53 : memref<160xi32, #tpu.memory_space<vmem>>) semaphore(%arg12 : memref<!tpu.dma_semaphore, #tpu.memory_space<semaphore_mem>>)
    %scan3A_57 = arith.constant 0 : i32
    %scan3A_58 = arith.constant 0 : i32
    %scan3A_59 = arith.constant 8 : i32
    %scan3A_60 = arith.addi %scan3A_58, %scan3A_59 : i32
    %scan3A_61 = arith.constant 1 : i32
    %scan3A_62 = scf.for %scan3A_203 = %scan3A_58 to %scan3A_60 step %scan3A_61 iter_args(%scan3A_204 = %scan3A_57) -> (i32)  : i32 {
      %mul3A_205 = arith.constant 2 : i32
      %mul3A_206 = arith.muli %scan3A_203, %mul3A_205 : i32
      %add3A_207 = arith.constant 0 : i32
      %add3A_208 = arith.addi %mul3A_206, %add3A_207 : i32
      %ge3A = arith.constant 1 : i32
      %ge3A_209 = arith.cmpi sge, %add3A_208, %ge3A : i32
      %convert_element_type3A = arith.extui %ge3A_209 : i1 to i32
      %cond3A = arith.constant 0 : i32
      %cond3A_210 = arith.cmpi ne, %convert_element_type3A, %cond3A : i32
      scf.if %cond3A_210 {
        %sub3A = arith.constant 1 : i32
        %sub3A_264 = arith.subi %add3A_208, %sub3A : i32
        %add3A_265 = arith.constant 32 : i32
        %add3A_266 = arith.addi %add3A_265, %sub3A_264 : i32
        %mul3A_267 = arith.constant 160 : i32
        %mul3A_268 = arith.muli %add3A_266, %mul3A_267 : i32
        %add3A_269 = arith.addi %mul3A_2, %mul3A_268 : i32
        %dma_wait3A_270 = arith.constant 0 : i32
        %dma_wait3A_271 = tpu.memref_slice %arg6[%add3A_269, %dma_wait3A_270] : memref<327680x128xf32, #tpu.memory_space<hbm>> -> memref<160x128xf32, #tpu.memory_space<hbm>>
        %dma_wait3A_272 = arith.constant 0 : i32
        %dma_wait3A_273 = tpu.memref_slice %arg6[%add3A_269, %dma_wait3A_272] : memref<327680x128xf32, #tpu.memory_space<hbm>> -> memref<160x128xf32, #tpu.memory_space<hbm>>
        tpu.wait_dma2 semaphore(%arg15 : memref<!tpu.dma_semaphore, #tpu.memory_space<semaphore_mem>>) src(%arg10 : memref<160x128xf32, #tpu.memory_space<vmem>>) dst(%dma_wait3A_273 : memref<160x128xf32, #tpu.memory_space<hbm>>)
      } else {
      }
      %add3A_211 = arith.constant 1 : i32
      %add3A_212 = arith.addi %add3A_208, %add3A_211 : i32
      %lt3A = arith.constant 16 : i32
      %lt3A_213 = arith.cmpi slt, %add3A_212, %lt3A : i32
      %convert_element_type3A_214 = arith.extui %lt3A_213 : i1 to i32
      %cond3A_215 = arith.constant 0 : i32
      %cond3A_216 = arith.cmpi ne, %convert_element_type3A_214, %cond3A_215 : i32
      scf.if %cond3A_216 {
        %add3A_264 = arith.constant 1 : i32
        %add3A_265 = arith.addi %add3A_208, %add3A_264 : i32
        %mul3A_266 = arith.constant 160 : i32
        %mul3A_267 = arith.muli %add3A_265, %mul3A_266 : i32
        %dma_start3A_268 = tpu.memref_slice %arg7[%mul3A_267] : memref<2560xi32, #tpu.memory_space<vmem>> -> memref<160xi32, #tpu.memory_space<vmem>>
        %dma_start3A_269 = arith.constant 0 : i32
        %dma_start3A_270 = arith.constant 0 : i32
        %dma_start3A_271 = tpu.memref_slice %arg11[%dma_start3A_269, %dma_start3A_270] : memref<10240x128xf32, #tpu.memory_space<vmem_shared>> -> memref<10240x128xf32, #tpu.memory_space<vmem_shared>>
        tpu.enqueue_indirect_dma source(%dma_start3A_271 : memref<10240x128xf32, #tpu.memory_space<vmem_shared>>) target(%arg10 : memref<160x128xf32, #tpu.memory_space<vmem>>) offsets(%dma_start3A_268 : memref<160xi32, #tpu.memory_space<vmem>>) semaphore(%arg13 : memref<!tpu.dma_semaphore, #tpu.memory_space<semaphore_mem>>)
      } else {
      }
      %mul3A_217 = arith.constant 160 : i32
      %mul3A_218 = arith.muli %add3A_208, %mul3A_217 : i32
      %dma_wait3A_219 = tpu.memref_slice %arg7[%mul3A_218] : memref<2560xi32, #tpu.memory_space<vmem>> -> memref<160xi32, #tpu.memory_space<vmem>>
      %dma_wait3A_220 = arith.constant 0 : i32
      %dma_wait3A_221 = arith.constant 0 : i32
      %dma_wait3A_222 = tpu.memref_slice %arg11[%dma_wait3A_220, %dma_wait3A_221] : memref<10240x128xf32, #tpu.memory_space<vmem_shared>> -> memref<10240x128xf32, #tpu.memory_space<vmem_shared>>
      tpu.wait_indirect_dma semaphore(%arg12 : memref<!tpu.dma_semaphore, #tpu.memory_space<semaphore_mem>>) src(%dma_wait3A_222 : memref<10240x128xf32, #tpu.memory_space<vmem_shared>>) dst(%arg9 : memref<160x128xf32, #tpu.memory_space<vmem>>)
      %add3A_223 = arith.constant 32 : i32
      %add3A_224 = arith.addi %add3A_223, %add3A_208 : i32
      %mul3A_225 = arith.constant 160 : i32
      %mul3A_226 = arith.muli %add3A_224, %mul3A_225 : i32
      %add3A_227 = arith.addi %mul3A_2, %mul3A_226 : i32
      %dma_start3A_228 = arith.constant 0 : i32
      %dma_start3A_229 = tpu.memref_slice %arg6[%add3A_227, %dma_start3A_228] : memref<327680x128xf32, #tpu.memory_space<hbm>> -> memref<160x128xf32, #tpu.memory_space<hbm>>
      %dma_start3A_230 = arith.constant 0 : i32
      %dma_start3A_231 = tpu.memref_slice %arg6[%add3A_227, %dma_start3A_230] : memref<327680x128xf32, #tpu.memory_space<hbm>> -> memref<160x128xf32, #tpu.memory_space<hbm>>
      tpu.enqueue_dma source(%arg9 : memref<160x128xf32, #tpu.memory_space<vmem>>) target(%dma_start3A_231 : memref<160x128xf32, #tpu.memory_space<hbm>>) target_semaphore(%arg14 : memref<!tpu.dma_semaphore, #tpu.memory_space<semaphore_mem>>)
      %mul3A_232 = arith.constant 2 : i32
      %mul3A_233 = arith.muli %scan3A_203, %mul3A_232 : i32
      %add3A_234 = arith.constant 1 : i32
      %add3A_235 = arith.addi %mul3A_233, %add3A_234 : i32
      %ge3A_236 = arith.constant 1 : i32
      %ge3A_237 = arith.cmpi sge, %add3A_235, %ge3A_236 : i32
      %convert_element_type3A_238 = arith.extui %ge3A_237 : i1 to i32
      %cond3A_239 = arith.constant 0 : i32
      %cond3A_240 = arith.cmpi ne, %convert_element_type3A_238, %cond3A_239 : i32
      scf.if %cond3A_240 {
        %sub3A = arith.constant 1 : i32
        %sub3A_264 = arith.subi %add3A_235, %sub3A : i32
        %add3A_265 = arith.constant 32 : i32
        %add3A_266 = arith.addi %add3A_265, %sub3A_264 : i32
        %mul3A_267 = arith.constant 160 : i32
        %mul3A_268 = arith.muli %add3A_266, %mul3A_267 : i32
        %add3A_269 = arith.addi %mul3A_2, %mul3A_268 : i32
        %dma_wait3A_270 = arith.constant 0 : i32
        %dma_wait3A_271 = tpu.memref_slice %arg6[%add3A_269, %dma_wait3A_270] : memref<327680x128xf32, #tpu.memory_space<hbm>> -> memref<160x128xf32, #tpu.memory_space<hbm>>
        %dma_wait3A_272 = arith.constant 0 : i32
        %dma_wait3A_273 = tpu.memref_slice %arg6[%add3A_269, %dma_wait3A_272] : memref<327680x128xf32, #tpu.memory_space<hbm>> -> memref<160x128xf32, #tpu.memory_space<hbm>>
        tpu.wait_dma2 semaphore(%arg14 : memref<!tpu.dma_semaphore, #tpu.memory_space<semaphore_mem>>) src(%arg9 : memref<160x128xf32, #tpu.memory_space<vmem>>) dst(%dma_wait3A_273 : memref<160x128xf32, #tpu.memory_space<hbm>>)
      } else {
      }
      %add3A_241 = arith.constant 1 : i32
      %add3A_242 = arith.addi %add3A_235, %add3A_241 : i32
      %lt3A_243 = arith.constant 16 : i32
      %lt3A_244 = arith.cmpi slt, %add3A_242, %lt3A_243 : i32
      %convert_element_type3A_245 = arith.extui %lt3A_244 : i1 to i32
      %cond3A_246 = arith.constant 0 : i32
      %cond3A_247 = arith.cmpi ne, %convert_element_type3A_245, %cond3A_246 : i32
      scf.if %cond3A_247 {
        %add3A_264 = arith.constant 1 : i32
        %add3A_265 = arith.addi %add3A_235, %add3A_264 : i32
        %mul3A_266 = arith.constant 160 : i32
        %mul3A_267 = arith.muli %add3A_265, %mul3A_266 : i32
        %dma_start3A_268 = tpu.memref_slice %arg7[%mul3A_267] : memref<2560xi32, #tpu.memory_space<vmem>> -> memref<160xi32, #tpu.memory_space<vmem>>
        %dma_start3A_269 = arith.constant 0 : i32
        %dma_start3A_270 = arith.constant 0 : i32
        %dma_start3A_271 = tpu.memref_slice %arg11[%dma_start3A_269, %dma_start3A_270] : memref<10240x128xf32, #tpu.memory_space<vmem_shared>> -> memref<10240x128xf32, #tpu.memory_space<vmem_shared>>
        tpu.enqueue_indirect_dma source(%dma_start3A_271 : memref<10240x128xf32, #tpu.memory_space<vmem_shared>>) target(%arg9 : memref<160x128xf32, #tpu.memory_space<vmem>>) offsets(%dma_start3A_268 : memref<160xi32, #tpu.memory_space<vmem>>) semaphore(%arg12 : memref<!tpu.dma_semaphore, #tpu.memory_space<semaphore_mem>>)
      } else {
      }
      %mul3A_248 = arith.constant 160 : i32
      %mul3A_249 = arith.muli %add3A_235, %mul3A_248 : i32
      %dma_wait3A_250 = tpu.memref_slice %arg7[%mul3A_249] : memref<2560xi32, #tpu.memory_space<vmem>> -> memref<160xi32, #tpu.memory_space<vmem>>
      %dma_wait3A_251 = arith.constant 0 : i32
      %dma_wait3A_252 = arith.constant 0 : i32
      %dma_wait3A_253 = tpu.memref_slice %arg11[%dma_wait3A_251, %dma_wait3A_252] : memref<10240x128xf32, #tpu.memory_space<vmem_shared>> -> memref<10240x128xf32, #tpu.memory_space<vmem_shared>>
      tpu.wait_indirect_dma semaphore(%arg13 : memref<!tpu.dma_semaphore, #tpu.memory_space<semaphore_mem>>) src(%dma_wait3A_253 : memref<10240x128xf32, #tpu.memory_space<vmem_shared>>) dst(%arg10 : memref<160x128xf32, #tpu.memory_space<vmem>>)
      %add3A_254 = arith.constant 32 : i32
      %add3A_255 = arith.addi %add3A_254, %add3A_235 : i32
      %mul3A_256 = arith.constant 160 : i32
      %mul3A_257 = arith.muli %add3A_255, %mul3A_256 : i32
      %add3A_258 = arith.addi %mul3A_2, %mul3A_257 : i32
      %dma_start3A_259 = arith.constant 0 : i32
      %dma_start3A_260 = tpu.memref_slice %arg6[%add3A_258, %dma_start3A_259] : memref<327680x128xf32, #tpu.memory_space<hbm>> -> memref<160x128xf32, #tpu.memory_space<hbm>>
      %dma_start3A_261 = arith.constant 0 : i32
      %dma_start3A_262 = tpu.memref_slice %arg6[%add3A_258, %dma_start3A_261] : memref<327680x128xf32, #tpu.memory_space<hbm>> -> memref<160x128xf32, #tpu.memory_space<hbm>>
      tpu.enqueue_dma source(%arg10 : memref<160x128xf32, #tpu.memory_space<vmem>>) target(%dma_start3A_262 : memref<160x128xf32, #tpu.memory_space<hbm>>) target_semaphore(%arg15 : memref<!tpu.dma_semaphore, #tpu.memory_space<semaphore_mem>>)
      %scan3A_263 = arith.constant 0 : i32
      scf.yield %scan3A_263 : i32
    }
    %scan3A_63 = arith.constant 8 : i32
    %add3A_64 = arith.constant 7520 : i32
    %add3A_65 = arith.addi %mul3A_2, %add3A_64 : i32
    %dma_wait3A_66 = arith.constant 0 : i32
    %dma_wait3A_67 = tpu.memref_slice %arg6[%add3A_65, %dma_wait3A_66] : memref<327680x128xf32, #tpu.memory_space<hbm>> -> memref<160x128xf32, #tpu.memory_space<hbm>>
    %dma_wait3A_68 = arith.constant 0 : i32
    %dma_wait3A_69 = tpu.memref_slice %arg6[%add3A_65, %dma_wait3A_68] : memref<327680x128xf32, #tpu.memory_space<hbm>> -> memref<160x128xf32, #tpu.memory_space<hbm>>
    tpu.wait_dma2 semaphore(%arg15 : memref<!tpu.dma_semaphore, #tpu.memory_space<semaphore_mem>>) src(%arg10 : memref<160x128xf32, #tpu.memory_space<vmem>>) dst(%dma_wait3A_69 : memref<160x128xf32, #tpu.memory_space<hbm>>)
    "tpu.region"() ({
      %run_scoped3A = tpu.sem_alloc : memref<!tpu.dma_semaphore, #tpu.memory_space<semaphore_mem>>
      %dma_start3A_203 = arith.constant 7680 : i32
      %dma_start3A_204 = tpu.memref_slice %arg3[%add3A, %dma_start3A_203] : memref<32x10240xi32, #tpu.memory_space<hbm>> -> memref<1x2560xi32, #tpu.memory_space<hbm>>
      %dma_start3A_205 = tpu.memref_squeeze %dma_start3A_204 : memref<1x2560xi32, #tpu.memory_space<hbm>> -> memref<2560xi32, #tpu.memory_space<hbm>>
      %dma_start3A_206 = arith.constant 7680 : i32
      %dma_start3A_207 = tpu.memref_slice %arg3[%add3A, %dma_start3A_206] : memref<32x10240xi32, #tpu.memory_space<hbm>> -> memref<1x2560xi32, #tpu.memory_space<hbm>>
      %dma_start3A_208 = tpu.memref_squeeze %dma_start3A_207 : memref<1x2560xi32, #tpu.memory_space<hbm>> -> memref<2560xi32, #tpu.memory_space<hbm>>
      tpu.enqueue_dma source(%dma_start3A_208 : memref<2560xi32, #tpu.memory_space<hbm>>) target(%arg7 : memref<2560xi32, #tpu.memory_space<vmem>>) target_semaphore(%run_scoped3A : memref<!tpu.dma_semaphore, #tpu.memory_space<semaphore_mem>>)
      %dma_wait3A_209 = arith.constant 7680 : i32
      %dma_wait3A_210 = tpu.memref_slice %arg3[%add3A, %dma_wait3A_209] : memref<32x10240xi32, #tpu.memory_space<hbm>> -> memref<1x2560xi32, #tpu.memory_space<hbm>>
      %dma_wait3A_211 = tpu.memref_squeeze %dma_wait3A_210 : memref<1x2560xi32, #tpu.memory_space<hbm>> -> memref<2560xi32, #tpu.memory_space<hbm>>
      %dma_wait3A_212 = arith.constant 7680 : i32
      %dma_wait3A_213 = tpu.memref_slice %arg3[%add3A, %dma_wait3A_212] : memref<32x10240xi32, #tpu.memory_space<hbm>> -> memref<1x2560xi32, #tpu.memory_space<hbm>>
      %dma_wait3A_214 = tpu.memref_squeeze %dma_wait3A_213 : memref<1x2560xi32, #tpu.memory_space<hbm>> -> memref<2560xi32, #tpu.memory_space<hbm>>
      tpu.wait_dma2 semaphore(%run_scoped3A : memref<!tpu.dma_semaphore, #tpu.memory_space<semaphore_mem>>) src(%dma_wait3A_214 : memref<2560xi32, #tpu.memory_space<hbm>>) dst(%arg7 : memref<2560xi32, #tpu.memory_space<vmem>>)
      tpu.yield
    }) : () -> ()
    %dma_start3A_70 = arith.constant 0 : i32
    %dma_start3A_71 = tpu.memref_slice %arg7[%dma_start3A_70] : memref<2560xi32, #tpu.memory_space<vmem>> -> memref<160xi32, #tpu.memory_space<vmem>>
    %dma_start3A_72 = arith.constant 0 : i32
    %dma_start3A_73 = arith.constant 0 : i32
    %dma_start3A_74 = tpu.memref_slice %arg11[%dma_start3A_72, %dma_start3A_73] : memref<10240x128xf32, #tpu.memory_space<vmem_shared>> -> memref<10240x128xf32, #tpu.memory_space<vmem_shared>>
    tpu.enqueue_indirect_dma source(%dma_start3A_74 : memref<10240x128xf32, #tpu.memory_space<vmem_shared>>) target(%arg9 : memref<160x128xf32, #tpu.memory_space<vmem>>) offsets(%dma_start3A_71 : memref<160xi32, #tpu.memory_space<vmem>>) semaphore(%arg12 : memref<!tpu.dma_semaphore, #tpu.memory_space<semaphore_mem>>)
    %scan3A_75 = arith.constant 0 : i32
    %scan3A_76 = arith.constant 0 : i32
    %scan3A_77 = arith.constant 8 : i32
    %scan3A_78 = arith.addi %scan3A_76, %scan3A_77 : i32
    %scan3A_79 = arith.constant 1 : i32
    %scan3A_80 = scf.for %scan3A_203 = %scan3A_76 to %scan3A_78 step %scan3A_79 iter_args(%scan3A_204 = %scan3A_75) -> (i32)  : i32 {
      %mul3A_205 = arith.constant 2 : i32
      %mul3A_206 = arith.muli %scan3A_203, %mul3A_205 : i32
      %add3A_207 = arith.constant 0 : i32
      %add3A_208 = arith.addi %mul3A_206, %add3A_207 : i32
      %ge3A = arith.constant 1 : i32
      %ge3A_209 = arith.cmpi sge, %add3A_208, %ge3A : i32
      %convert_element_type3A = arith.extui %ge3A_209 : i1 to i32
      %cond3A = arith.constant 0 : i32
      %cond3A_210 = arith.cmpi ne, %convert_element_type3A, %cond3A : i32
      scf.if %cond3A_210 {
        %sub3A = arith.constant 1 : i32
        %sub3A_264 = arith.subi %add3A_208, %sub3A : i32
        %add3A_265 = arith.constant 48 : i32
        %add3A_266 = arith.addi %add3A_265, %sub3A_264 : i32
        %mul3A_267 = arith.constant 160 : i32
        %mul3A_268 = arith.muli %add3A_266, %mul3A_267 : i32
        %add3A_269 = arith.addi %mul3A_2, %mul3A_268 : i32
        %dma_wait3A_270 = arith.constant 0 : i32
        %dma_wait3A_271 = tpu.memref_slice %arg6[%add3A_269, %dma_wait3A_270] : memref<327680x128xf32, #tpu.memory_space<hbm>> -> memref<160x128xf32, #tpu.memory_space<hbm>>
        %dma_wait3A_272 = arith.constant 0 : i32
        %dma_wait3A_273 = tpu.memref_slice %arg6[%add3A_269, %dma_wait3A_272] : memref<327680x128xf32, #tpu.memory_space<hbm>> -> memref<160x128xf32, #tpu.memory_space<hbm>>
        tpu.wait_dma2 semaphore(%arg15 : memref<!tpu.dma_semaphore, #tpu.memory_space<semaphore_mem>>) src(%arg10 : memref<160x128xf32, #tpu.memory_space<vmem>>) dst(%dma_wait3A_273 : memref<160x128xf32, #tpu.memory_space<hbm>>)
      } else {
      }
      %add3A_211 = arith.constant 1 : i32
      %add3A_212 = arith.addi %add3A_208, %add3A_211 : i32
      %lt3A = arith.constant 16 : i32
      %lt3A_213 = arith.cmpi slt, %add3A_212, %lt3A : i32
      %convert_element_type3A_214 = arith.extui %lt3A_213 : i1 to i32
      %cond3A_215 = arith.constant 0 : i32
      %cond3A_216 = arith.cmpi ne, %convert_element_type3A_214, %cond3A_215 : i32
      scf.if %cond3A_216 {
        %add3A_264 = arith.constant 1 : i32
        %add3A_265 = arith.addi %add3A_208, %add3A_264 : i32
        %mul3A_266 = arith.constant 160 : i32
        %mul3A_267 = arith.muli %add3A_265, %mul3A_266 : i32
        %dma_start3A_268 = tpu.memref_slice %arg7[%mul3A_267] : memref<2560xi32, #tpu.memory_space<vmem>> -> memref<160xi32, #tpu.memory_space<vmem>>
        %dma_start3A_269 = arith.constant 0 : i32
        %dma_start3A_270 = arith.constant 0 : i32
        %dma_start3A_271 = tpu.memref_slice %arg11[%dma_start3A_269, %dma_start3A_270] : memref<10240x128xf32, #tpu.memory_space<vmem_shared>> -> memref<10240x128xf32, #tpu.memory_space<vmem_shared>>
        tpu.enqueue_indirect_dma source(%dma_start3A_271 : memref<10240x128xf32, #tpu.memory_space<vmem_shared>>) target(%arg10 : memref<160x128xf32, #tpu.memory_space<vmem>>) offsets(%dma_start3A_268 : memref<160xi32, #tpu.memory_space<vmem>>) semaphore(%arg13 : memref<!tpu.dma_semaphore, #tpu.memory_space<semaphore_mem>>)
      } else {
      }
      %mul3A_217 = arith.constant 160 : i32
      %mul3A_218 = arith.muli %add3A_208, %mul3A_217 : i32
      %dma_wait3A_219 = tpu.memref_slice %arg7[%mul3A_218] : memref<2560xi32, #tpu.memory_space<vmem>> -> memref<160xi32, #tpu.memory_space<vmem>>
      %dma_wait3A_220 = arith.constant 0 : i32
      %dma_wait3A_221 = arith.constant 0 : i32
      %dma_wait3A_222 = tpu.memref_slice %arg11[%dma_wait3A_220, %dma_wait3A_221] : memref<10240x128xf32, #tpu.memory_space<vmem_shared>> -> memref<10240x128xf32, #tpu.memory_space<vmem_shared>>
      tpu.wait_indirect_dma semaphore(%arg12 : memref<!tpu.dma_semaphore, #tpu.memory_space<semaphore_mem>>) src(%dma_wait3A_222 : memref<10240x128xf32, #tpu.memory_space<vmem_shared>>) dst(%arg9 : memref<160x128xf32, #tpu.memory_space<vmem>>)
      %add3A_223 = arith.constant 48 : i32
      %add3A_224 = arith.addi %add3A_223, %add3A_208 : i32
      %mul3A_225 = arith.constant 160 : i32
      %mul3A_226 = arith.muli %add3A_224, %mul3A_225 : i32
      %add3A_227 = arith.addi %mul3A_2, %mul3A_226 : i32
      %dma_start3A_228 = arith.constant 0 : i32
      %dma_start3A_229 = tpu.memref_slice %arg6[%add3A_227, %dma_start3A_228] : memref<327680x128xf32, #tpu.memory_space<hbm>> -> memref<160x128xf32, #tpu.memory_space<hbm>>
      %dma_start3A_230 = arith.constant 0 : i32
      %dma_start3A_231 = tpu.memref_slice %arg6[%add3A_227, %dma_start3A_230] : memref<327680x128xf32, #tpu.memory_space<hbm>> -> memref<160x128xf32, #tpu.memory_space<hbm>>
      tpu.enqueue_dma source(%arg9 : memref<160x128xf32, #tpu.memory_space<vmem>>) target(%dma_start3A_231 : memref<160x128xf32, #tpu.memory_space<hbm>>) target_semaphore(%arg14 : memref<!tpu.dma_semaphore, #tpu.memory_space<semaphore_mem>>)
      %mul3A_232 = arith.constant 2 : i32
      %mul3A_233 = arith.muli %scan3A_203, %mul3A_232 : i32
      %add3A_234 = arith.constant 1 : i32
      %add3A_235 = arith.addi %mul3A_233, %add3A_234 : i32
      %ge3A_236 = arith.constant 1 : i32
      %ge3A_237 = arith.cmpi sge, %add3A_235, %ge3A_236 : i32
      %convert_element_type3A_238 = arith.extui %ge3A_237 : i1 to i32
      %cond3A_239 = arith.constant 0 : i32
      %cond3A_240 = arith.cmpi ne, %convert_element_type3A_238, %cond3A_239 : i32
      scf.if %cond3A_240 {
        %sub3A = arith.constant 1 : i32
        %sub3A_264 = arith.subi %add3A_235, %sub3A : i32
        %add3A_265 = arith.constant 48 : i32
        %add3A_266 = arith.addi %add3A_265, %sub3A_264 : i32
        %mul3A_267 = arith.constant 160 : i32
        %mul3A_268 = arith.muli %add3A_266, %mul3A_267 : i32
        %add3A_269 = arith.addi %mul3A_2, %mul3A_268 : i32
        %dma_wait3A_270 = arith.constant 0 : i32
        %dma_wait3A_271 = tpu.memref_slice %arg6[%add3A_269, %dma_wait3A_270] : memref<327680x128xf32, #tpu.memory_space<hbm>> -> memref<160x128xf32, #tpu.memory_space<hbm>>
        %dma_wait3A_272 = arith.constant 0 : i32
        %dma_wait3A_273 = tpu.memref_slice %arg6[%add3A_269, %dma_wait3A_272] : memref<327680x128xf32, #tpu.memory_space<hbm>> -> memref<160x128xf32, #tpu.memory_space<hbm>>
        tpu.wait_dma2 semaphore(%arg14 : memref<!tpu.dma_semaphore, #tpu.memory_space<semaphore_mem>>) src(%arg9 : memref<160x128xf32, #tpu.memory_space<vmem>>) dst(%dma_wait3A_273 : memref<160x128xf32, #tpu.memory_space<hbm>>)
      } else {
      }
      %add3A_241 = arith.constant 1 : i32
      %add3A_242 = arith.addi %add3A_235, %add3A_241 : i32
      %lt3A_243 = arith.constant 16 : i32
      %lt3A_244 = arith.cmpi slt, %add3A_242, %lt3A_243 : i32
      %convert_element_type3A_245 = arith.extui %lt3A_244 : i1 to i32
      %cond3A_246 = arith.constant 0 : i32
      %cond3A_247 = arith.cmpi ne, %convert_element_type3A_245, %cond3A_246 : i32
      scf.if %cond3A_247 {
        %add3A_264 = arith.constant 1 : i32
        %add3A_265 = arith.addi %add3A_235, %add3A_264 : i32
        %mul3A_266 = arith.constant 160 : i32
        %mul3A_267 = arith.muli %add3A_265, %mul3A_266 : i32
        %dma_start3A_268 = tpu.memref_slice %arg7[%mul3A_267] : memref<2560xi32, #tpu.memory_space<vmem>> -> memref<160xi32, #tpu.memory_space<vmem>>
        %dma_start3A_269 = arith.constant 0 : i32
        %dma_start3A_270 = arith.constant 0 : i32
        %dma_start3A_271 = tpu.memref_slice %arg11[%dma_start3A_269, %dma_start3A_270] : memref<10240x128xf32, #tpu.memory_space<vmem_shared>> -> memref<10240x128xf32, #tpu.memory_space<vmem_shared>>
        tpu.enqueue_indirect_dma source(%dma_start3A_271 : memref<10240x128xf32, #tpu.memory_space<vmem_shared>>) target(%arg9 : memref<160x128xf32, #tpu.memory_space<vmem>>) offsets(%dma_start3A_268 : memref<160xi32, #tpu.memory_space<vmem>>) semaphore(%arg12 : memref<!tpu.dma_semaphore, #tpu.memory_space<semaphore_mem>>)
      } else {
      }
      %mul3A_248 = arith.constant 160 : i32
      %mul3A_249 = arith.muli %add3A_235, %mul3A_248 : i32
      %dma_wait3A_250 = tpu.memref_slice %arg7[%mul3A_249] : memref<2560xi32, #tpu.memory_space<vmem>> -> memref<160xi32, #tpu.memory_space<vmem>>
      %dma_wait3A_251 = arith.constant 0 : i32
      %dma_wait3A_252 = arith.constant 0 : i32
      %dma_wait3A_253 = tpu.memref_slice %arg11[%dma_wait3A_251, %dma_wait3A_252] : memref<10240x128xf32, #tpu.memory_space<vmem_shared>> -> memref<10240x128xf32, #tpu.memory_space<vmem_shared>>
      tpu.wait_indirect_dma semaphore(%arg13 : memref<!tpu.dma_semaphore, #tpu.memory_space<semaphore_mem>>) src(%dma_wait3A_253 : memref<10240x128xf32, #tpu.memory_space<vmem_shared>>) dst(%arg10 : memref<160x128xf32, #tpu.memory_space<vmem>>)
      %add3A_254 = arith.constant 48 : i32
      %add3A_255 = arith.addi %add3A_254, %add3A_235 : i32
      %mul3A_256 = arith.constant 160 : i32
      %mul3A_257 = arith.muli %add3A_255, %mul3A_256 : i32
      %add3A_258 = arith.addi %mul3A_2, %mul3A_257 : i32
      %dma_start3A_259 = arith.constant 0 : i32
      %dma_start3A_260 = tpu.memref_slice %arg6[%add3A_258, %dma_start3A_259] : memref<327680x128xf32, #tpu.memory_space<hbm>> -> memref<160x128xf32, #tpu.memory_space<hbm>>
      %dma_start3A_261 = arith.constant 0 : i32
      %dma_start3A_262 = tpu.memref_slice %arg6[%add3A_258, %dma_start3A_261] : memref<327680x128xf32, #tpu.memory_space<hbm>> -> memref<160x128xf32, #tpu.memory_space<hbm>>
      tpu.enqueue_dma source(%arg10 : memref<160x128xf32, #tpu.memory_space<vmem>>) target(%dma_start3A_262 : memref<160x128xf32, #tpu.memory_space<hbm>>) target_semaphore(%arg15 : memref<!tpu.dma_semaphore, #tpu.memory_space<semaphore_mem>>)
      %scan3A_263 = arith.constant 0 : i32
      scf.yield %scan3A_263 : i32
    }
    %scan3A_81 = arith.constant 8 : i32
    %add3A_82 = arith.constant 10080 : i32
    %add3A_83 = arith.addi %mul3A_2, %add3A_82 : i32
    %dma_wait3A_84 = arith.constant 0 : i32
    %dma_wait3A_85 = tpu.memref_slice %arg6[%add3A_83, %dma_wait3A_84] : memref<327680x128xf32, #tpu.memory_space<hbm>> -> memref<160x128xf32, #tpu.memory_space<hbm>>
    %dma_wait3A_86 = arith.constant 0 : i32
    %dma_wait3A_87 = tpu.memref_slice %arg6[%add3A_83, %dma_wait3A_86] : memref<327680x128xf32, #tpu.memory_space<hbm>> -> memref<160x128xf32, #tpu.memory_space<hbm>>
    tpu.wait_dma2 semaphore(%arg15 : memref<!tpu.dma_semaphore, #tpu.memory_space<semaphore_mem>>) src(%arg10 : memref<160x128xf32, #tpu.memory_space<vmem>>) dst(%dma_wait3A_87 : memref<160x128xf32, #tpu.memory_space<hbm>>)
    %barrier3A_88 = arith.constant 0 : index
    tpu.barrier barrier_id(%barrier3A_88)
    %broadcast_in_dim3A = arith.constant 0.000000e+00 : f32
    %broadcast_in_dim3A_89 = vector.broadcast %broadcast_in_dim3A : f32 to vector<16xf32>
    %scan3A_90 = arith.constant 0 : i32
    %scan3A_91 = arith.constant 0 : i32
    %scan3A_92 = arith.constant 160 : i32
    %scan3A_93 = arith.addi %scan3A_91, %scan3A_92 : i32
    %scan3A_94 = arith.constant 1 : i32
    %scan3A_95 = scf.for %scan3A_203 = %scan3A_91 to %scan3A_93 step %scan3A_94 iter_args(%scan3A_204 = %scan3A_90) -> (i32)  : i32 {
      %swap3A = arith.index_cast %scan3A_203 : i32 to index
      %swap3A_205 = arith.constant 0 : index
      %swap3A_206 = tpu.vector_load %arg9[%swap3A, %swap3A_205] {strides = array<i32>} : memref<160x128xf32, #tpu.memory_space<vmem>>, vector<1x16xf32>,
      %swap3A_207 = vector.shape_cast %swap3A_206 : vector<1x16xf32> to vector<16xf32>
      %swap3A_208 = vector.shape_cast %broadcast_in_dim3A_89 : vector<16xf32> to vector<1x16xf32>
      tpu.vector_store %arg9[%swap3A, %swap3A_205], %swap3A_208 {strides = array<i32>} : memref<160x128xf32, #tpu.memory_space<vmem>>, vector<1x16xf32>,
      %swap3A_209 = arith.index_cast %scan3A_203 : i32 to index
      %swap3A_210 = arith.constant 16 : index
      %swap3A_211 = tpu.vector_load %arg9[%swap3A_209, %swap3A_210] {strides = array<i32>} : memref<160x128xf32, #tpu.memory_space<vmem>>, vector<1x16xf32>,
      %swap3A_212 = vector.shape_cast %swap3A_211 : vector<1x16xf32> to vector<16xf32>
      %swap3A_213 = vector.shape_cast %broadcast_in_dim3A_89 : vector<16xf32> to vector<1x16xf32>
      tpu.vector_store %arg9[%swap3A_209, %swap3A_210], %swap3A_213 {strides = array<i32>} : memref<160x128xf32, #tpu.memory_space<vmem>>, vector<1x16xf32>,
      %swap3A_214 = arith.index_cast %scan3A_203 : i32 to index
      %swap3A_215 = arith.constant 32 : index
      %swap3A_216 = tpu.vector_load %arg9[%swap3A_214, %swap3A_215] {strides = array<i32>} : memref<160x128xf32, #tpu.memory_space<vmem>>, vector<1x16xf32>,
      %swap3A_217 = vector.shape_cast %swap3A_216 : vector<1x16xf32> to vector<16xf32>
      %swap3A_218 = vector.shape_cast %broadcast_in_dim3A_89 : vector<16xf32> to vector<1x16xf32>
      tpu.vector_store %arg9[%swap3A_214, %swap3A_215], %swap3A_218 {strides = array<i32>} : memref<160x128xf32, #tpu.memory_space<vmem>>, vector<1x16xf32>,
      %swap3A_219 = arith.index_cast %scan3A_203 : i32 to index
      %swap3A_220 = arith.constant 48 : index
      %swap3A_221 = tpu.vector_load %arg9[%swap3A_219, %swap3A_220] {strides = array<i32>} : memref<160x128xf32, #tpu.memory_space<vmem>>, vector<1x16xf32>,
      %swap3A_222 = vector.shape_cast %swap3A_221 : vector<1x16xf32> to vector<16xf32>
      %swap3A_223 = vector.shape_cast %broadcast_in_dim3A_89 : vector<16xf32> to vector<1x16xf32>
      tpu.vector_store %arg9[%swap3A_219, %swap3A_220], %swap3A_223 {strides = array<i32>} : memref<160x128xf32, #tpu.memory_space<vmem>>, vector<1x16xf32>,
      %swap3A_224 = arith.index_cast %scan3A_203 : i32 to index
      %swap3A_225 = arith.constant 64 : index
      %swap3A_226 = tpu.vector_load %arg9[%swap3A_224, %swap3A_225] {strides = array<i32>} : memref<160x128xf32, #tpu.memory_space<vmem>>, vector<1x16xf32>,
      %swap3A_227 = vector.shape_cast %swap3A_226 : vector<1x16xf32> to vector<16xf32>
      %swap3A_228 = vector.shape_cast %broadcast_in_dim3A_89 : vector<16xf32> to vector<1x16xf32>
      tpu.vector_store %arg9[%swap3A_224, %swap3A_225], %swap3A_228 {strides = array<i32>} : memref<160x128xf32, #tpu.memory_space<vmem>>, vector<1x16xf32>,
      %swap3A_229 = arith.index_cast %scan3A_203 : i32 to index
      %swap3A_230 = arith.constant 80 : index
      %swap3A_231 = tpu.vector_load %arg9[%swap3A_229, %swap3A_230] {strides = array<i32>} : memref<160x128xf32, #tpu.memory_space<vmem>>, vector<1x16xf32>,
      %swap3A_232 = vector.shape_cast %swap3A_231 : vector<1x16xf32> to vector<16xf32>
      %swap3A_233 = vector.shape_cast %broadcast_in_dim3A_89 : vector<16xf32> to vector<1x16xf32>
      tpu.vector_store %arg9[%swap3A_229, %swap3A_230], %swap3A_233 {strides = array<i32>} : memref<160x128xf32, #tpu.memory_space<vmem>>, vector<1x16xf32>,
      %swap3A_234 = arith.index_cast %scan3A_203 : i32 to index
      %swap3A_235 = arith.constant 96 : index
      %swap3A_236 = tpu.vector_load %arg9[%swap3A_234, %swap3A_235] {strides = array<i32>} : memref<160x128xf32, #tpu.memory_space<vmem>>, vector<1x16xf32>,
      %swap3A_237 = vector.shape_cast %swap3A_236 : vector<1x16xf32> to vector<16xf32>
      %swap3A_238 = vector.shape_cast %broadcast_in_dim3A_89 : vector<16xf32> to vector<1x16xf32>
      tpu.vector_store %arg9[%swap3A_234, %swap3A_235], %swap3A_238 {strides = array<i32>} : memref<160x128xf32, #tpu.memory_space<vmem>>, vector<1x16xf32>,
      %swap3A_239 = arith.index_cast %scan3A_203 : i32 to index
      %swap3A_240 = arith.constant 112 : index
      %swap3A_241 = tpu.vector_load %arg9[%swap3A_239, %swap3A_240] {strides = array<i32>} : memref<160x128xf32, #tpu.memory_space<vmem>>, vector<1x16xf32>,
      %swap3A_242 = vector.shape_cast %swap3A_241 : vector<1x16xf32> to vector<16xf32>
      %swap3A_243 = vector.shape_cast %broadcast_in_dim3A_89 : vector<16xf32> to vector<1x16xf32>
      tpu.vector_store %arg9[%swap3A_239, %swap3A_240], %swap3A_243 {strides = array<i32>} : memref<160x128xf32, #tpu.memory_space<vmem>>, vector<1x16xf32>,
      %scan3A_244 = arith.constant 0 : i32
      scf.yield %scan3A_244 : i32
    }
    %scan3A_96 = arith.constant 160 : i32
    %mul3A_97 = arith.constant 640 : i32
    %mul3A_98 = arith.muli %arg1, %mul3A_97 : i32
    %add3A_99 = arith.constant 0 : i32
    %add3A_100 = arith.addi %mul3A_98, %add3A_99 : i32
    "tpu.region"() ({
      %run_scoped3A = tpu.sem_alloc : memref<!tpu.dma_semaphore, #tpu.memory_space<semaphore_mem>>
      %dma_start3A_203 = arith.constant 0 : i32
      %dma_start3A_204 = tpu.memref_slice %arg11[%add3A_100, %dma_start3A_203] : memref<10240x128xf32, #tpu.memory_space<vmem_shared>> -> memref<160x128xf32, #tpu.memory_space<vmem_shared>>
      %dma_start3A_205 = arith.constant 0 : i32
      %dma_start3A_206 = tpu.memref_slice %arg11[%add3A_100, %dma_start3A_205] : memref<10240x128xf32, #tpu.memory_space<vmem_shared>> -> memref<160x128xf32, #tpu.memory_space<vmem_shared>>
      tpu.enqueue_dma source(%arg9 : memref<160x128xf32, #tpu.memory_space<vmem>>) target(%dma_start3A_206 : memref<160x128xf32, #tpu.memory_space<vmem_shared>>) target_semaphore(%run_scoped3A : memref<!tpu.dma_semaphore, #tpu.memory_space<semaphore_mem>>)
      %dma_wait3A_207 = arith.constant 0 : i32
      %dma_wait3A_208 = tpu.memref_slice %arg11[%add3A_100, %dma_wait3A_207] : memref<10240x128xf32, #tpu.memory_space<vmem_shared>> -> memref<160x128xf32, #tpu.memory_space<vmem_shared>>
      %dma_wait3A_209 = arith.constant 0 : i32
      %dma_wait3A_210 = tpu.memref_slice %arg11[%add3A_100, %dma_wait3A_209] : memref<10240x128xf32, #tpu.memory_space<vmem_shared>> -> memref<160x128xf32, #tpu.memory_space<vmem_shared>>
      tpu.wait_dma2 semaphore(%run_scoped3A : memref<!tpu.dma_semaphore, #tpu.memory_space<semaphore_mem>>) src(%arg9 : memref<160x128xf32, #tpu.memory_space<vmem>>) dst(%dma_wait3A_210 : memref<160x128xf32, #tpu.memory_space<vmem_shared>>)
      tpu.yield
    }) : () -> ()
    %mul3A_101 = arith.constant 640 : i32
    %mul3A_102 = arith.muli %arg1, %mul3A_101 : i32
    %add3A_103 = arith.constant 160 : i32
    %add3A_104 = arith.addi %mul3A_102, %add3A_103 : i32
    "tpu.region"() ({
      %run_scoped3A = tpu.sem_alloc : memref<!tpu.dma_semaphore, #tpu.memory_space<semaphore_mem>>
      %dma_start3A_203 = arith.constant 0 : i32
      %dma_start3A_204 = tpu.memref_slice %arg11[%add3A_104, %dma_start3A_203] : memref<10240x128xf32, #tpu.memory_space<vmem_shared>> -> memref<160x128xf32, #tpu.memory_space<vmem_shared>>
      %dma_start3A_205 = arith.constant 0 : i32
      %dma_start3A_206 = tpu.memref_slice %arg11[%add3A_104, %dma_start3A_205] : memref<10240x128xf32, #tpu.memory_space<vmem_shared>> -> memref<160x128xf32, #tpu.memory_space<vmem_shared>>
      tpu.enqueue_dma source(%arg9 : memref<160x128xf32, #tpu.memory_space<vmem>>) target(%dma_start3A_206 : memref<160x128xf32, #tpu.memory_space<vmem_shared>>) target_semaphore(%run_scoped3A : memref<!tpu.dma_semaphore, #tpu.memory_space<semaphore_mem>>)
      %dma_wait3A_207 = arith.constant 0 : i32
      %dma_wait3A_208 = tpu.memref_slice %arg11[%add3A_104, %dma_wait3A_207] : memref<10240x128xf32, #tpu.memory_space<vmem_shared>> -> memref<160x128xf32, #tpu.memory_space<vmem_shared>>
      %dma_wait3A_209 = arith.constant 0 : i32
      %dma_wait3A_210 = tpu.memref_slice %arg11[%add3A_104, %dma_wait3A_209] : memref<10240x128xf32, #tpu.memory_space<vmem_shared>> -> memref<160x128xf32, #tpu.memory_space<vmem_shared>>
      tpu.wait_dma2 semaphore(%run_scoped3A : memref<!tpu.dma_semaphore, #tpu.memory_space<semaphore_mem>>) src(%arg9 : memref<160x128xf32, #tpu.memory_space<vmem>>) dst(%dma_wait3A_210 : memref<160x128xf32, #tpu.memory_space<vmem_shared>>)
      tpu.yield
    }) : () -> ()
    %mul3A_105 = arith.constant 640 : i32
    %mul3A_106 = arith.muli %arg1, %mul3A_105 : i32
    %add3A_107 = arith.constant 320 : i32
    %add3A_108 = arith.addi %mul3A_106, %add3A_107 : i32
    "tpu.region"() ({
      %run_scoped3A = tpu.sem_alloc : memref<!tpu.dma_semaphore, #tpu.memory_space<semaphore_mem>>
      %dma_start3A_203 = arith.constant 0 : i32
      %dma_start3A_204 = tpu.memref_slice %arg11[%add3A_108, %dma_start3A_203] : memref<10240x128xf32, #tpu.memory_space<vmem_shared>> -> memref<160x128xf32, #tpu.memory_space<vmem_shared>>
      %dma_start3A_205 = arith.constant 0 : i32
      %dma_start3A_206 = tpu.memref_slice %arg11[%add3A_108, %dma_start3A_205] : memref<10240x128xf32, #tpu.memory_space<vmem_shared>> -> memref<160x128xf32, #tpu.memory_space<vmem_shared>>
      tpu.enqueue_dma source(%arg9 : memref<160x128xf32, #tpu.memory_space<vmem>>) target(%dma_start3A_206 : memref<160x128xf32, #tpu.memory_space<vmem_shared>>) target_semaphore(%run_scoped3A : memref<!tpu.dma_semaphore, #tpu.memory_space<semaphore_mem>>)
      %dma_wait3A_207 = arith.constant 0 : i32
      %dma_wait3A_208 = tpu.memref_slice %arg11[%add3A_108, %dma_wait3A_207] : memref<10240x128xf32, #tpu.memory_space<vmem_shared>> -> memref<160x128xf32, #tpu.memory_space<vmem_shared>>
      %dma_wait3A_209 = arith.constant 0 : i32
      %dma_wait3A_210 = tpu.memref_slice %arg11[%add3A_108, %dma_wait3A_209] : memref<10240x128xf32, #tpu.memory_space<vmem_shared>> -> memref<160x128xf32, #tpu.memory_space<vmem_shared>>
      tpu.wait_dma2 semaphore(%run_scoped3A : memref<!tpu.dma_semaphore, #tpu.memory_space<semaphore_mem>>) src(%arg9 : memref<160x128xf32, #tpu.memory_space<vmem>>) dst(%dma_wait3A_210 : memref<160x128xf32, #tpu.memory_space<vmem_shared>>)
      tpu.yield
    }) : () -> ()
    %mul3A_109 = arith.constant 640 : i32
    %mul3A_110 = arith.muli %arg1, %mul3A_109 : i32
    %add3A_111 = arith.constant 480 : i32
    %add3A_112 = arith.addi %mul3A_110, %add3A_111 : i32
    "tpu.region"() ({
      %run_scoped3A = tpu.sem_alloc : memref<!tpu.dma_semaphore, #tpu.memory_space<semaphore_mem>>
      %dma_start3A_203 = arith.constant 0 : i32
      %dma_start3A_204 = tpu.memref_slice %arg11[%add3A_112, %dma_start3A_203] : memref<10240x128xf32, #tpu.memory_space<vmem_shared>> -> memref<160x128xf32, #tpu.memory_space<vmem_shared>>
      %dma_start3A_205 = arith.constant 0 : i32
      %dma_start3A_206 = tpu.memref_slice %arg11[%add3A_112, %dma_start3A_205] : memref<10240x128xf32, #tpu.memory_space<vmem_shared>> -> memref<160x128xf32, #tpu.memory_space<vmem_shared>>
      tpu.enqueue_dma source(%arg9 : memref<160x128xf32, #tpu.memory_space<vmem>>) target(%dma_start3A_206 : memref<160x128xf32, #tpu.memory_space<vmem_shared>>) target_semaphore(%run_scoped3A : memref<!tpu.dma_semaphore, #tpu.memory_space<semaphore_mem>>)
      %dma_wait3A_207 = arith.constant 0 : i32
      %dma_wait3A_208 = tpu.memref_slice %arg11[%add3A_112, %dma_wait3A_207] : memref<10240x128xf32, #tpu.memory_space<vmem_shared>> -> memref<160x128xf32, #tpu.memory_space<vmem_shared>>
      %dma_wait3A_209 = arith.constant 0 : i32
      %dma_wait3A_210 = tpu.memref_slice %arg11[%add3A_112, %dma_wait3A_209] : memref<10240x128xf32, #tpu.memory_space<vmem_shared>> -> memref<160x128xf32, #tpu.memory_space<vmem_shared>>
      tpu.wait_dma2 semaphore(%run_scoped3A : memref<!tpu.dma_semaphore, #tpu.memory_space<semaphore_mem>>) src(%arg9 : memref<160x128xf32, #tpu.memory_space<vmem>>) dst(%dma_wait3A_210 : memref<160x128xf32, #tpu.memory_space<vmem_shared>>)
      tpu.yield
    }) : () -> ()
    %barrier3A_113 = arith.constant 0 : index
    tpu.barrier barrier_id(%barrier3A_113)
    "tpu.region"() ({
      %run_scoped3A = tpu.sem_alloc : memref<!tpu.dma_semaphore, #tpu.memory_space<semaphore_mem>>
      %dma_start3A_203 = arith.constant 0 : i32
      %dma_start3A_204 = tpu.memref_slice %arg4[%add3A, %dma_start3A_203] : memref<32x10240xi32, #tpu.memory_space<hbm>> -> memref<1x2560xi32, #tpu.memory_space<hbm>>
      %dma_start3A_205 = tpu.memref_squeeze %dma_start3A_204 : memref<1x2560xi32, #tpu.memory_space<hbm>> -> memref<2560xi32, #tpu.memory_space<hbm>>
      %dma_start3A_206 = arith.constant 0 : i32
      %dma_start3A_207 = tpu.memref_slice %arg4[%add3A, %dma_start3A_206] : memref<32x10240xi32, #tpu.memory_space<hbm>> -> memref<1x2560xi32, #tpu.memory_space<hbm>>
      %dma_start3A_208 = tpu.memref_squeeze %dma_start3A_207 : memref<1x2560xi32, #tpu.memory_space<hbm>> -> memref<2560xi32, #tpu.memory_space<hbm>>
      tpu.enqueue_dma source(%dma_start3A_208 : memref<2560xi32, #tpu.memory_space<hbm>>) target(%arg8 : memref<2560xi32, #tpu.memory_space<vmem>>) target_semaphore(%run_scoped3A : memref<!tpu.dma_semaphore, #tpu.memory_space<semaphore_mem>>)
      %dma_wait3A_209 = arith.constant 0 : i32
      %dma_wait3A_210 = tpu.memref_slice %arg4[%add3A, %dma_wait3A_209] : memref<32x10240xi32, #tpu.memory_space<hbm>> -> memref<1x2560xi32, #tpu.memory_space<hbm>>
      %dma_wait3A_211 = tpu.memref_squeeze %dma_wait3A_210 : memref<1x2560xi32, #tpu.memory_space<hbm>> -> memref<2560xi32, #tpu.memory_space<hbm>>
      %dma_wait3A_212 = arith.constant 0 : i32
      %dma_wait3A_213 = tpu.memref_slice %arg4[%add3A, %dma_wait3A_212] : memref<32x10240xi32, #tpu.memory_space<hbm>> -> memref<1x2560xi32, #tpu.memory_space<hbm>>
      %dma_wait3A_214 = tpu.memref_squeeze %dma_wait3A_213 : memref<1x2560xi32, #tpu.memory_space<hbm>> -> memref<2560xi32, #tpu.memory_space<hbm>>
      tpu.wait_dma2 semaphore(%run_scoped3A : memref<!tpu.dma_semaphore, #tpu.memory_space<semaphore_mem>>) src(%dma_wait3A_214 : memref<2560xi32, #tpu.memory_space<hbm>>) dst(%arg8 : memref<2560xi32, #tpu.memory_space<vmem>>)
      tpu.yield
    }) : () -> ()
    %add3A_114 = arith.constant 0 : i32
    %add3A_115 = arith.addi %mul3A_2, %add3A_114 : i32
    %dma_start3A_116 = arith.constant 0 : i32
    %dma_start3A_117 = tpu.memref_slice %arg6[%add3A_115, %dma_start3A_116] : memref<327680x128xf32, #tpu.memory_space<hbm>> -> memref<160x128xf32, #tpu.memory_space<hbm>>
    %dma_start3A_118 = arith.constant 0 : i32
    %dma_start3A_119 = tpu.memref_slice %arg6[%add3A_115, %dma_start3A_118] : memref<327680x128xf32, #tpu.memory_space<hbm>> -> memref<160x128xf32, #tpu.memory_space<hbm>>
    tpu.enqueue_dma source(%dma_start3A_119 : memref<160x128xf32, #tpu.memory_space<hbm>>) target(%arg9 : memref<160x128xf32, #tpu.memory_space<vmem>>) target_semaphore(%arg12 : memref<!tpu.dma_semaphore, #tpu.memory_space<semaphore_mem>>)
    %scan3A_120 = arith.constant 0 : i32
    %scan3A_121 = arith.constant 0 : i32
    %scan3A_122 = arith.constant 8 : i32
    %scan3A_123 = arith.addi %scan3A_121, %scan3A_122 : i32
    %scan3A_124 = arith.constant 1 : i32
    %scan3A_125 = scf.for %scan3A_203 = %scan3A_121 to %scan3A_123 step %scan3A_124 iter_args(%scan3A_204 = %scan3A_120) -> (i32)  : i32 {
      %mul3A_205 = arith.constant 2 : i32
      %mul3A_206 = arith.muli %scan3A_203, %mul3A_205 : i32
      %add3A_207 = arith.constant 0 : i32
      %add3A_208 = arith.addi %mul3A_206, %add3A_207 : i32
      %ge3A = arith.constant 1 : i32
      %ge3A_209 = arith.cmpi sge, %add3A_208, %ge3A : i32
      %convert_element_type3A = arith.extui %ge3A_209 : i1 to i32
      %cond3A = arith.constant 0 : i32
      %cond3A_210 = arith.cmpi ne, %convert_element_type3A, %cond3A : i32
      scf.if %cond3A_210 {
        %sub3A = arith.constant 1 : i32
        %sub3A_264 = arith.subi %add3A_208, %sub3A : i32
        %mul3A_265 = arith.constant 160 : i32
        %mul3A_266 = arith.muli %sub3A_264, %mul3A_265 : i32
        %dma_wait3A_267 = tpu.memref_slice %arg8[%mul3A_266] : memref<2560xi32, #tpu.memory_space<vmem>> -> memref<160xi32, #tpu.memory_space<vmem>>
        %dma_wait3A_268 = arith.constant 0 : i32
        %dma_wait3A_269 = arith.constant 0 : i32
        %dma_wait3A_270 = tpu.memref_slice %arg11[%dma_wait3A_268, %dma_wait3A_269] : memref<10240x128xf32, #tpu.memory_space<vmem_shared>> -> memref<10240x128xf32, #tpu.memory_space<vmem_shared>>
        tpu.wait_indirect_dma semaphore(%arg15 : memref<!tpu.dma_semaphore, #tpu.memory_space<semaphore_mem>>) src(%arg10 : memref<160x128xf32, #tpu.memory_space<vmem>>) dst(%dma_wait3A_270 : memref<10240x128xf32, #tpu.memory_space<vmem_shared>>)
      } else {
      }
      %add3A_211 = arith.constant 1 : i32
      %add3A_212 = arith.addi %add3A_208, %add3A_211 : i32
      %lt3A = arith.constant 16 : i32
      %lt3A_213 = arith.cmpi slt, %add3A_212, %lt3A : i32
      %convert_element_type3A_214 = arith.extui %lt3A_213 : i1 to i32
      %cond3A_215 = arith.constant 0 : i32
      %cond3A_216 = arith.cmpi ne, %convert_element_type3A_214, %cond3A_215 : i32
      scf.if %cond3A_216 {
        %add3A_264 = arith.constant 0 : i32
        %add3A_265 = arith.addi %add3A_264, %add3A_208 : i32
        %add3A_266 = arith.constant 1 : i32
        %add3A_267 = arith.addi %add3A_265, %add3A_266 : i32
        %mul3A_268 = arith.constant 160 : i32
        %mul3A_269 = arith.muli %add3A_267, %mul3A_268 : i32
        %add3A_270 = arith.addi %mul3A_2, %mul3A_269 : i32
        %dma_start3A_271 = arith.constant 0 : i32
        %dma_start3A_272 = tpu.memref_slice %arg6[%add3A_270, %dma_start3A_271] : memref<327680x128xf32, #tpu.memory_space<hbm>> -> memref<160x128xf32, #tpu.memory_space<hbm>>
        %dma_start3A_273 = arith.constant 0 : i32
        %dma_start3A_274 = tpu.memref_slice %arg6[%add3A_270, %dma_start3A_273] : memref<327680x128xf32, #tpu.memory_space<hbm>> -> memref<160x128xf32, #tpu.memory_space<hbm>>
        tpu.enqueue_dma source(%dma_start3A_274 : memref<160x128xf32, #tpu.memory_space<hbm>>) target(%arg10 : memref<160x128xf32, #tpu.memory_space<vmem>>) target_semaphore(%arg13 : memref<!tpu.dma_semaphore, #tpu.memory_space<semaphore_mem>>)
      } else {
      }
      %add3A_217 = arith.constant 0 : i32
      %add3A_218 = arith.addi %add3A_217, %add3A_208 : i32
      %mul3A_219 = arith.constant 160 : i32
      %mul3A_220 = arith.muli %add3A_218, %mul3A_219 : i32
      %add3A_221 = arith.addi %mul3A_2, %mul3A_220 : i32
      %dma_wait3A_222 = arith.constant 0 : i32
      %dma_wait3A_223 = tpu.memref_slice %arg6[%add3A_221, %dma_wait3A_222] : memref<327680x128xf32, #tpu.memory_space<hbm>> -> memref<160x128xf32, #tpu.memory_space<hbm>>
      %dma_wait3A_224 = arith.constant 0 : i32
      %dma_wait3A_225 = tpu.memref_slice %arg6[%add3A_221, %dma_wait3A_224] : memref<327680x128xf32, #tpu.memory_space<hbm>> -> memref<160x128xf32, #tpu.memory_space<hbm>>
      tpu.wait_dma2 semaphore(%arg12 : memref<!tpu.dma_semaphore, #tpu.memory_space<semaphore_mem>>) src(%dma_wait3A_225 : memref<160x128xf32, #tpu.memory_space<hbm>>) dst(%arg9 : memref<160x128xf32, #tpu.memory_space<vmem>>)
      %mul3A_226 = arith.constant 160 : i32
      %mul3A_227 = arith.muli %add3A_208, %mul3A_226 : i32
      %dma_start3A_228 = tpu.memref_slice %arg8[%mul3A_227] : memref<2560xi32, #tpu.memory_space<vmem>> -> memref<160xi32, #tpu.memory_space<vmem>>
      %dma_start3A_229 = arith.constant 0 : i32
      %dma_start3A_230 = arith.constant 0 : i32
      %dma_start3A_231 = tpu.memref_slice %arg11[%dma_start3A_229, %dma_start3A_230] : memref<10240x128xf32, #tpu.memory_space<vmem_shared>> -> memref<10240x128xf32, #tpu.memory_space<vmem_shared>>
      tpu.enqueue_indirect_dma source(%arg9 : memref<160x128xf32, #tpu.memory_space<vmem>>) target(%dma_start3A_231 : memref<10240x128xf32, #tpu.memory_space<vmem_shared>>) offsets(%dma_start3A_228 : memref<160xi32, #tpu.memory_space<vmem>>) semaphore(%arg14 : memref<!tpu.dma_semaphore, #tpu.memory_space<semaphore_mem>>) {add = true}
      %mul3A_232 = arith.constant 2 : i32
      %mul3A_233 = arith.muli %scan3A_203, %mul3A_232 : i32
      %add3A_234 = arith.constant 1 : i32
      %add3A_235 = arith.addi %mul3A_233, %add3A_234 : i32
      %ge3A_236 = arith.constant 1 : i32
      %ge3A_237 = arith.cmpi sge, %add3A_235, %ge3A_236 : i32
      %convert_element_type3A_238 = arith.extui %ge3A_237 : i1 to i32
      %cond3A_239 = arith.constant 0 : i32
      %cond3A_240 = arith.cmpi ne, %convert_element_type3A_238, %cond3A_239 : i32
      scf.if %cond3A_240 {
        %sub3A = arith.constant 1 : i32
        %sub3A_264 = arith.subi %add3A_235, %sub3A : i32
        %mul3A_265 = arith.constant 160 : i32
        %mul3A_266 = arith.muli %sub3A_264, %mul3A_265 : i32
        %dma_wait3A_267 = tpu.memref_slice %arg8[%mul3A_266] : memref<2560xi32, #tpu.memory_space<vmem>> -> memref<160xi32, #tpu.memory_space<vmem>>
        %dma_wait3A_268 = arith.constant 0 : i32
        %dma_wait3A_269 = arith.constant 0 : i32
        %dma_wait3A_270 = tpu.memref_slice %arg11[%dma_wait3A_268, %dma_wait3A_269] : memref<10240x128xf32, #tpu.memory_space<vmem_shared>> -> memref<10240x128xf32, #tpu.memory_space<vmem_shared>>
        tpu.wait_indirect_dma semaphore(%arg14 : memref<!tpu.dma_semaphore, #tpu.memory_space<semaphore_mem>>) src(%arg9 : memref<160x128xf32, #tpu.memory_space<vmem>>) dst(%dma_wait3A_270 : memref<10240x128xf32, #tpu.memory_space<vmem_shared>>)
      } else {
      }
      %add3A_241 = arith.constant 1 : i32
      %add3A_242 = arith.addi %add3A_235, %add3A_241 : i32
      %lt3A_243 = arith.constant 16 : i32
      %lt3A_244 = arith.cmpi slt, %add3A_242, %lt3A_243 : i32
      %convert_element_type3A_245 = arith.extui %lt3A_244 : i1 to i32
      %cond3A_246 = arith.constant 0 : i32
      %cond3A_247 = arith.cmpi ne, %convert_element_type3A_245, %cond3A_246 : i32
      scf.if %cond3A_247 {
        %add3A_264 = arith.constant 0 : i32
        %add3A_265 = arith.addi %add3A_264, %add3A_235 : i32
        %add3A_266 = arith.constant 1 : i32
        %add3A_267 = arith.addi %add3A_265, %add3A_266 : i32
        %mul3A_268 = arith.constant 160 : i32
        %mul3A_269 = arith.muli %add3A_267, %mul3A_268 : i32
        %add3A_270 = arith.addi %mul3A_2, %mul3A_269 : i32
        %dma_start3A_271 = arith.constant 0 : i32
        %dma_start3A_272 = tpu.memref_slice %arg6[%add3A_270, %dma_start3A_271] : memref<327680x128xf32, #tpu.memory_space<hbm>> -> memref<160x128xf32, #tpu.memory_space<hbm>>
        %dma_start3A_273 = arith.constant 0 : i32
        %dma_start3A_274 = tpu.memref_slice %arg6[%add3A_270, %dma_start3A_273] : memref<327680x128xf32, #tpu.memory_space<hbm>> -> memref<160x128xf32, #tpu.memory_space<hbm>>
        tpu.enqueue_dma source(%dma_start3A_274 : memref<160x128xf32, #tpu.memory_space<hbm>>) target(%arg9 : memref<160x128xf32, #tpu.memory_space<vmem>>) target_semaphore(%arg12 : memref<!tpu.dma_semaphore, #tpu.memory_space<semaphore_mem>>)
      } else {
      }
      %add3A_248 = arith.constant 0 : i32
      %add3A_249 = arith.addi %add3A_248, %add3A_235 : i32
      %mul3A_250 = arith.constant 160 : i32
      %mul3A_251 = arith.muli %add3A_249, %mul3A_250 : i32
      %add3A_252 = arith.addi %mul3A_2, %mul3A_251 : i32
      %dma_wait3A_253 = arith.constant 0 : i32
      %dma_wait3A_254 = tpu.memref_slice %arg6[%add3A_252, %dma_wait3A_253] : memref<327680x128xf32, #tpu.memory_space<hbm>> -> memref<160x128xf32, #tpu.memory_space<hbm>>
      %dma_wait3A_255 = arith.constant 0 : i32
      %dma_wait3A_256 = tpu.memref_slice %arg6[%add3A_252, %dma_wait3A_255] : memref<327680x128xf32, #tpu.memory_space<hbm>> -> memref<160x128xf32, #tpu.memory_space<hbm>>
      tpu.wait_dma2 semaphore(%arg13 : memref<!tpu.dma_semaphore, #tpu.memory_space<semaphore_mem>>) src(%dma_wait3A_256 : memref<160x128xf32, #tpu.memory_space<hbm>>) dst(%arg10 : memref<160x128xf32, #tpu.memory_space<vmem>>)
      %mul3A_257 = arith.constant 160 : i32
      %mul3A_258 = arith.muli %add3A_235, %mul3A_257 : i32
      %dma_start3A_259 = tpu.memref_slice %arg8[%mul3A_258] : memref<2560xi32, #tpu.memory_space<vmem>> -> memref<160xi32, #tpu.memory_space<vmem>>
      %dma_start3A_260 = arith.constant 0 : i32
      %dma_start3A_261 = arith.constant 0 : i32
      %dma_start3A_262 = tpu.memref_slice %arg11[%dma_start3A_260, %dma_start3A_261] : memref<10240x128xf32, #tpu.memory_space<vmem_shared>> -> memref<10240x128xf32, #tpu.memory_space<vmem_shared>>
      tpu.enqueue_indirect_dma source(%arg10 : memref<160x128xf32, #tpu.memory_space<vmem>>) target(%dma_start3A_262 : memref<10240x128xf32, #tpu.memory_space<vmem_shared>>) offsets(%dma_start3A_259 : memref<160xi32, #tpu.memory_space<vmem>>) semaphore(%arg15 : memref<!tpu.dma_semaphore, #tpu.memory_space<semaphore_mem>>) {add = true}
      %scan3A_263 = arith.constant 0 : i32
      scf.yield %scan3A_263 : i32
    }
    %scan3A_126 = arith.constant 8 : i32
    %dma_wait3A_127 = arith.constant 2400 : i32
    %dma_wait3A_128 = tpu.memref_slice %arg8[%dma_wait3A_127] : memref<2560xi32, #tpu.memory_space<vmem>> -> memref<160xi32, #tpu.memory_space<vmem>>
    %dma_wait3A_129 = arith.constant 0 : i32
    %dma_wait3A_130 = arith.constant 0 : i32
    %dma_wait3A_131 = tpu.memref_slice %arg11[%dma_wait3A_129, %dma_wait3A_130] : memref<10240x128xf32, #tpu.memory_space<vmem_shared>> -> memref<10240x128xf32, #tpu.memory_space<vmem_shared>>
    tpu.wait_indirect_dma semaphore(%arg15 : memref<!tpu.dma_semaphore, #tpu.memory_space<semaphore_mem>>) src(%arg10 : memref<160x128xf32, #tpu.memory_space<vmem>>) dst(%dma_wait3A_131 : memref<10240x128xf32, #tpu.memory_space<vmem_shared>>)
    "tpu.region"() ({
      %run_scoped3A = tpu.sem_alloc : memref<!tpu.dma_semaphore, #tpu.memory_space<semaphore_mem>>
      %dma_start3A_203 = arith.constant 2560 : i32
      %dma_start3A_204 = tpu.memref_slice %arg4[%add3A, %dma_start3A_203] : memref<32x10240xi32, #tpu.memory_space<hbm>> -> memref<1x2560xi32, #tpu.memory_space<hbm>>
      %dma_start3A_205 = tpu.memref_squeeze %dma_start3A_204 : memref<1x2560xi32, #tpu.memory_space<hbm>> -> memref<2560xi32, #tpu.memory_space<hbm>>
      %dma_start3A_206 = arith.constant 2560 : i32
      %dma_start3A_207 = tpu.memref_slice %arg4[%add3A, %dma_start3A_206] : memref<32x10240xi32, #tpu.memory_space<hbm>> -> memref<1x2560xi32, #tpu.memory_space<hbm>>
      %dma_start3A_208 = tpu.memref_squeeze %dma_start3A_207 : memref<1x2560xi32, #tpu.memory_space<hbm>> -> memref<2560xi32, #tpu.memory_space<hbm>>
      tpu.enqueue_dma source(%dma_start3A_208 : memref<2560xi32, #tpu.memory_space<hbm>>) target(%arg8 : memref<2560xi32, #tpu.memory_space<vmem>>) target_semaphore(%run_scoped3A : memref<!tpu.dma_semaphore, #tpu.memory_space<semaphore_mem>>)
      %dma_wait3A_209 = arith.constant 2560 : i32
      %dma_wait3A_210 = tpu.memref_slice %arg4[%add3A, %dma_wait3A_209] : memref<32x10240xi32, #tpu.memory_space<hbm>> -> memref<1x2560xi32, #tpu.memory_space<hbm>>
      %dma_wait3A_211 = tpu.memref_squeeze %dma_wait3A_210 : memref<1x2560xi32, #tpu.memory_space<hbm>> -> memref<2560xi32, #tpu.memory_space<hbm>>
      %dma_wait3A_212 = arith.constant 2560 : i32
      %dma_wait3A_213 = tpu.memref_slice %arg4[%add3A, %dma_wait3A_212] : memref<32x10240xi32, #tpu.memory_space<hbm>> -> memref<1x2560xi32, #tpu.memory_space<hbm>>
      %dma_wait3A_214 = tpu.memref_squeeze %dma_wait3A_213 : memref<1x2560xi32, #tpu.memory_space<hbm>> -> memref<2560xi32, #tpu.memory_space<hbm>>
      tpu.wait_dma2 semaphore(%run_scoped3A : memref<!tpu.dma_semaphore, #tpu.memory_space<semaphore_mem>>) src(%dma_wait3A_214 : memref<2560xi32, #tpu.memory_space<hbm>>) dst(%arg8 : memref<2560xi32, #tpu.memory_space<vmem>>)
      tpu.yield
    }) : () -> ()
    %add3A_132 = arith.constant 2560 : i32
    %add3A_133 = arith.addi %mul3A_2, %add3A_132 : i32
    %dma_start3A_134 = arith.constant 0 : i32
    %dma_start3A_135 = tpu.memref_slice %arg6[%add3A_133, %dma_start3A_134] : memref<327680x128xf32, #tpu.memory_space<hbm>> -> memref<160x128xf32, #tpu.memory_space<hbm>>
    %dma_start3A_136 = arith.constant 0 : i32
    %dma_start3A_137 = tpu.memref_slice %arg6[%add3A_133, %dma_start3A_136] : memref<327680x128xf32, #tpu.memory_space<hbm>> -> memref<160x128xf32, #tpu.memory_space<hbm>>
    tpu.enqueue_dma source(%dma_start3A_137 : memref<160x128xf32, #tpu.memory_space<hbm>>) target(%arg9 : memref<160x128xf32, #tpu.memory_space<vmem>>) target_semaphore(%arg12 : memref<!tpu.dma_semaphore, #tpu.memory_space<semaphore_mem>>)
    %scan3A_138 = arith.constant 0 : i32
    %scan3A_139 = arith.constant 0 : i32
    %scan3A_140 = arith.constant 8 : i32
    %scan3A_141 = arith.addi %scan3A_139, %scan3A_140 : i32
    %scan3A_142 = arith.constant 1 : i32
    %scan3A_143 = scf.for %scan3A_203 = %scan3A_139 to %scan3A_141 step %scan3A_142 iter_args(%scan3A_204 = %scan3A_138) -> (i32)  : i32 {
      %mul3A_205 = arith.constant 2 : i32
      %mul3A_206 = arith.muli %scan3A_203, %mul3A_205 : i32
      %add3A_207 = arith.constant 0 : i32
      %add3A_208 = arith.addi %mul3A_206, %add3A_207 : i32
      %ge3A = arith.constant 1 : i32
      %ge3A_209 = arith.cmpi sge, %add3A_208, %ge3A : i32
      %convert_element_type3A = arith.extui %ge3A_209 : i1 to i32
      %cond3A = arith.constant 0 : i32
      %cond3A_210 = arith.cmpi ne, %convert_element_type3A, %cond3A : i32
      scf.if %cond3A_210 {
        %sub3A = arith.constant 1 : i32
        %sub3A_264 = arith.subi %add3A_208, %sub3A : i32
        %mul3A_265 = arith.constant 160 : i32
        %mul3A_266 = arith.muli %sub3A_264, %mul3A_265 : i32
        %dma_wait3A_267 = tpu.memref_slice %arg8[%mul3A_266] : memref<2560xi32, #tpu.memory_space<vmem>> -> memref<160xi32, #tpu.memory_space<vmem>>
        %dma_wait3A_268 = arith.constant 0 : i32
        %dma_wait3A_269 = arith.constant 0 : i32
        %dma_wait3A_270 = tpu.memref_slice %arg11[%dma_wait3A_268, %dma_wait3A_269] : memref<10240x128xf32, #tpu.memory_space<vmem_shared>> -> memref<10240x128xf32, #tpu.memory_space<vmem_shared>>
        tpu.wait_indirect_dma semaphore(%arg15 : memref<!tpu.dma_semaphore, #tpu.memory_space<semaphore_mem>>) src(%arg10 : memref<160x128xf32, #tpu.memory_space<vmem>>) dst(%dma_wait3A_270 : memref<10240x128xf32, #tpu.memory_space<vmem_shared>>)
      } else {
      }
      %add3A_211 = arith.constant 1 : i32
      %add3A_212 = arith.addi %add3A_208, %add3A_211 : i32
      %lt3A = arith.constant 16 : i32
      %lt3A_213 = arith.cmpi slt, %add3A_212, %lt3A : i32
      %convert_element_type3A_214 = arith.extui %lt3A_213 : i1 to i32
      %cond3A_215 = arith.constant 0 : i32
      %cond3A_216 = arith.cmpi ne, %convert_element_type3A_214, %cond3A_215 : i32
      scf.if %cond3A_216 {
        %add3A_264 = arith.constant 16 : i32
        %add3A_265 = arith.addi %add3A_264, %add3A_208 : i32
        %add3A_266 = arith.constant 1 : i32
        %add3A_267 = arith.addi %add3A_265, %add3A_266 : i32
        %mul3A_268 = arith.constant 160 : i32
        %mul3A_269 = arith.muli %add3A_267, %mul3A_268 : i32
        %add3A_270 = arith.addi %mul3A_2, %mul3A_269 : i32
        %dma_start3A_271 = arith.constant 0 : i32
        %dma_start3A_272 = tpu.memref_slice %arg6[%add3A_270, %dma_start3A_271] : memref<327680x128xf32, #tpu.memory_space<hbm>> -> memref<160x128xf32, #tpu.memory_space<hbm>>
        %dma_start3A_273 = arith.constant 0 : i32
        %dma_start3A_274 = tpu.memref_slice %arg6[%add3A_270, %dma_start3A_273] : memref<327680x128xf32, #tpu.memory_space<hbm>> -> memref<160x128xf32, #tpu.memory_space<hbm>>
        tpu.enqueue_dma source(%dma_start3A_274 : memref<160x128xf32, #tpu.memory_space<hbm>>) target(%arg10 : memref<160x128xf32, #tpu.memory_space<vmem>>) target_semaphore(%arg13 : memref<!tpu.dma_semaphore, #tpu.memory_space<semaphore_mem>>)
      } else {
      }
      %add3A_217 = arith.constant 16 : i32
      %add3A_218 = arith.addi %add3A_217, %add3A_208 : i32
      %mul3A_219 = arith.constant 160 : i32
      %mul3A_220 = arith.muli %add3A_218, %mul3A_219 : i32
      %add3A_221 = arith.addi %mul3A_2, %mul3A_220 : i32
      %dma_wait3A_222 = arith.constant 0 : i32
      %dma_wait3A_223 = tpu.memref_slice %arg6[%add3A_221, %dma_wait3A_222] : memref<327680x128xf32, #tpu.memory_space<hbm>> -> memref<160x128xf32, #tpu.memory_space<hbm>>
      %dma_wait3A_224 = arith.constant 0 : i32
      %dma_wait3A_225 = tpu.memref_slice %arg6[%add3A_221, %dma_wait3A_224] : memref<327680x128xf32, #tpu.memory_space<hbm>> -> memref<160x128xf32, #tpu.memory_space<hbm>>
      tpu.wait_dma2 semaphore(%arg12 : memref<!tpu.dma_semaphore, #tpu.memory_space<semaphore_mem>>) src(%dma_wait3A_225 : memref<160x128xf32, #tpu.memory_space<hbm>>) dst(%arg9 : memref<160x128xf32, #tpu.memory_space<vmem>>)
      %mul3A_226 = arith.constant 160 : i32
      %mul3A_227 = arith.muli %add3A_208, %mul3A_226 : i32
      %dma_start3A_228 = tpu.memref_slice %arg8[%mul3A_227] : memref<2560xi32, #tpu.memory_space<vmem>> -> memref<160xi32, #tpu.memory_space<vmem>>
      %dma_start3A_229 = arith.constant 0 : i32
      %dma_start3A_230 = arith.constant 0 : i32
      %dma_start3A_231 = tpu.memref_slice %arg11[%dma_start3A_229, %dma_start3A_230] : memref<10240x128xf32, #tpu.memory_space<vmem_shared>> -> memref<10240x128xf32, #tpu.memory_space<vmem_shared>>
      tpu.enqueue_indirect_dma source(%arg9 : memref<160x128xf32, #tpu.memory_space<vmem>>) target(%dma_start3A_231 : memref<10240x128xf32, #tpu.memory_space<vmem_shared>>) offsets(%dma_start3A_228 : memref<160xi32, #tpu.memory_space<vmem>>) semaphore(%arg14 : memref<!tpu.dma_semaphore, #tpu.memory_space<semaphore_mem>>) {add = true}
      %mul3A_232 = arith.constant 2 : i32
      %mul3A_233 = arith.muli %scan3A_203, %mul3A_232 : i32
      %add3A_234 = arith.constant 1 : i32
      %add3A_235 = arith.addi %mul3A_233, %add3A_234 : i32
      %ge3A_236 = arith.constant 1 : i32
      %ge3A_237 = arith.cmpi sge, %add3A_235, %ge3A_236 : i32
      %convert_element_type3A_238 = arith.extui %ge3A_237 : i1 to i32
      %cond3A_239 = arith.constant 0 : i32
      %cond3A_240 = arith.cmpi ne, %convert_element_type3A_238, %cond3A_239 : i32
      scf.if %cond3A_240 {
        %sub3A = arith.constant 1 : i32
        %sub3A_264 = arith.subi %add3A_235, %sub3A : i32
        %mul3A_265 = arith.constant 160 : i32
        %mul3A_266 = arith.muli %sub3A_264, %mul3A_265 : i32
        %dma_wait3A_267 = tpu.memref_slice %arg8[%mul3A_266] : memref<2560xi32, #tpu.memory_space<vmem>> -> memref<160xi32, #tpu.memory_space<vmem>>
        %dma_wait3A_268 = arith.constant 0 : i32
        %dma_wait3A_269 = arith.constant 0 : i32
        %dma_wait3A_270 = tpu.memref_slice %arg11[%dma_wait3A_268, %dma_wait3A_269] : memref<10240x128xf32, #tpu.memory_space<vmem_shared>> -> memref<10240x128xf32, #tpu.memory_space<vmem_shared>>
        tpu.wait_indirect_dma semaphore(%arg14 : memref<!tpu.dma_semaphore, #tpu.memory_space<semaphore_mem>>) src(%arg9 : memref<160x128xf32, #tpu.memory_space<vmem>>) dst(%dma_wait3A_270 : memref<10240x128xf32, #tpu.memory_space<vmem_shared>>)
      } else {
      }
      %add3A_241 = arith.constant 1 : i32
      %add3A_242 = arith.addi %add3A_235, %add3A_241 : i32
      %lt3A_243 = arith.constant 16 : i32
      %lt3A_244 = arith.cmpi slt, %add3A_242, %lt3A_243 : i32
      %convert_element_type3A_245 = arith.extui %lt3A_244 : i1 to i32
      %cond3A_246 = arith.constant 0 : i32
      %cond3A_247 = arith.cmpi ne, %convert_element_type3A_245, %cond3A_246 : i32
      scf.if %cond3A_247 {
        %add3A_264 = arith.constant 16 : i32
        %add3A_265 = arith.addi %add3A_264, %add3A_235 : i32
        %add3A_266 = arith.constant 1 : i32
        %add3A_267 = arith.addi %add3A_265, %add3A_266 : i32
        %mul3A_268 = arith.constant 160 : i32
        %mul3A_269 = arith.muli %add3A_267, %mul3A_268 : i32
        %add3A_270 = arith.addi %mul3A_2, %mul3A_269 : i32
        %dma_start3A_271 = arith.constant 0 : i32
        %dma_start3A_272 = tpu.memref_slice %arg6[%add3A_270, %dma_start3A_271] : memref<327680x128xf32, #tpu.memory_space<hbm>> -> memref<160x128xf32, #tpu.memory_space<hbm>>
        %dma_start3A_273 = arith.constant 0 : i32
        %dma_start3A_274 = tpu.memref_slice %arg6[%add3A_270, %dma_start3A_273] : memref<327680x128xf32, #tpu.memory_space<hbm>> -> memref<160x128xf32, #tpu.memory_space<hbm>>
        tpu.enqueue_dma source(%dma_start3A_274 : memref<160x128xf32, #tpu.memory_space<hbm>>) target(%arg9 : memref<160x128xf32, #tpu.memory_space<vmem>>) target_semaphore(%arg12 : memref<!tpu.dma_semaphore, #tpu.memory_space<semaphore_mem>>)
      } else {
      }
      %add3A_248 = arith.constant 16 : i32
      %add3A_249 = arith.addi %add3A_248, %add3A_235 : i32
      %mul3A_250 = arith.constant 160 : i32
      %mul3A_251 = arith.muli %add3A_249, %mul3A_250 : i32
      %add3A_252 = arith.addi %mul3A_2, %mul3A_251 : i32
      %dma_wait3A_253 = arith.constant 0 : i32
      %dma_wait3A_254 = tpu.memref_slice %arg6[%add3A_252, %dma_wait3A_253] : memref<327680x128xf32, #tpu.memory_space<hbm>> -> memref<160x128xf32, #tpu.memory_space<hbm>>
      %dma_wait3A_255 = arith.constant 0 : i32
      %dma_wait3A_256 = tpu.memref_slice %arg6[%add3A_252, %dma_wait3A_255] : memref<327680x128xf32, #tpu.memory_space<hbm>> -> memref<160x128xf32, #tpu.memory_space<hbm>>
      tpu.wait_dma2 semaphore(%arg13 : memref<!tpu.dma_semaphore, #tpu.memory_space<semaphore_mem>>) src(%dma_wait3A_256 : memref<160x128xf32, #tpu.memory_space<hbm>>) dst(%arg10 : memref<160x128xf32, #tpu.memory_space<vmem>>)
      %mul3A_257 = arith.constant 160 : i32
      %mul3A_258 = arith.muli %add3A_235, %mul3A_257 : i32
      %dma_start3A_259 = tpu.memref_slice %arg8[%mul3A_258] : memref<2560xi32, #tpu.memory_space<vmem>> -> memref<160xi32, #tpu.memory_space<vmem>>
      %dma_start3A_260 = arith.constant 0 : i32
      %dma_start3A_261 = arith.constant 0 : i32
      %dma_start3A_262 = tpu.memref_slice %arg11[%dma_start3A_260, %dma_start3A_261] : memref<10240x128xf32, #tpu.memory_space<vmem_shared>> -> memref<10240x128xf32, #tpu.memory_space<vmem_shared>>
      tpu.enqueue_indirect_dma source(%arg10 : memref<160x128xf32, #tpu.memory_space<vmem>>) target(%dma_start3A_262 : memref<10240x128xf32, #tpu.memory_space<vmem_shared>>) offsets(%dma_start3A_259 : memref<160xi32, #tpu.memory_space<vmem>>) semaphore(%arg15 : memref<!tpu.dma_semaphore, #tpu.memory_space<semaphore_mem>>) {add = true}
      %scan3A_263 = arith.constant 0 : i32
      scf.yield %scan3A_263 : i32
    }
    %scan3A_144 = arith.constant 8 : i32
    %dma_wait3A_145 = arith.constant 2400 : i32
    %dma_wait3A_146 = tpu.memref_slice %arg8[%dma_wait3A_145] : memref<2560xi32, #tpu.memory_space<vmem>> -> memref<160xi32, #tpu.memory_space<vmem>>
    %dma_wait3A_147 = arith.constant 0 : i32
    %dma_wait3A_148 = arith.constant 0 : i32
    %dma_wait3A_149 = tpu.memref_slice %arg11[%dma_wait3A_147, %dma_wait3A_148] : memref<10240x128xf32, #tpu.memory_space<vmem_shared>> -> memref<10240x128xf32, #tpu.memory_space<vmem_shared>>
    tpu.wait_indirect_dma semaphore(%arg15 : memref<!tpu.dma_semaphore, #tpu.memory_space<semaphore_mem>>) src(%arg10 : memref<160x128xf32, #tpu.memory_space<vmem>>) dst(%dma_wait3A_149 : memref<10240x128xf32, #tpu.memory_space<vmem_shared>>)
    "tpu.region"() ({
      %run_scoped3A = tpu.sem_alloc : memref<!tpu.dma_semaphore, #tpu.memory_space<semaphore_mem>>
      %dma_start3A_203 = arith.constant 5120 : i32
      %dma_start3A_204 = tpu.memref_slice %arg4[%add3A, %dma_start3A_203] : memref<32x10240xi32, #tpu.memory_space<hbm>> -> memref<1x2560xi32, #tpu.memory_space<hbm>>
      %dma_start3A_205 = tpu.memref_squeeze %dma_start3A_204 : memref<1x2560xi32, #tpu.memory_space<hbm>> -> memref<2560xi32, #tpu.memory_space<hbm>>
      %dma_start3A_206 = arith.constant 5120 : i32
      %dma_start3A_207 = tpu.memref_slice %arg4[%add3A, %dma_start3A_206] : memref<32x10240xi32, #tpu.memory_space<hbm>> -> memref<1x2560xi32, #tpu.memory_space<hbm>>
      %dma_start3A_208 = tpu.memref_squeeze %dma_start3A_207 : memref<1x2560xi32, #tpu.memory_space<hbm>> -> memref<2560xi32, #tpu.memory_space<hbm>>
      tpu.enqueue_dma source(%dma_start3A_208 : memref<2560xi32, #tpu.memory_space<hbm>>) target(%arg8 : memref<2560xi32, #tpu.memory_space<vmem>>) target_semaphore(%run_scoped3A : memref<!tpu.dma_semaphore, #tpu.memory_space<semaphore_mem>>)
      %dma_wait3A_209 = arith.constant 5120 : i32
      %dma_wait3A_210 = tpu.memref_slice %arg4[%add3A, %dma_wait3A_209] : memref<32x10240xi32, #tpu.memory_space<hbm>> -> memref<1x2560xi32, #tpu.memory_space<hbm>>
      %dma_wait3A_211 = tpu.memref_squeeze %dma_wait3A_210 : memref<1x2560xi32, #tpu.memory_space<hbm>> -> memref<2560xi32, #tpu.memory_space<hbm>>
      %dma_wait3A_212 = arith.constant 5120 : i32
      %dma_wait3A_213 = tpu.memref_slice %arg4[%add3A, %dma_wait3A_212] : memref<32x10240xi32, #tpu.memory_space<hbm>> -> memref<1x2560xi32, #tpu.memory_space<hbm>>
      %dma_wait3A_214 = tpu.memref_squeeze %dma_wait3A_213 : memref<1x2560xi32, #tpu.memory_space<hbm>> -> memref<2560xi32, #tpu.memory_space<hbm>>
      tpu.wait_dma2 semaphore(%run_scoped3A : memref<!tpu.dma_semaphore, #tpu.memory_space<semaphore_mem>>) src(%dma_wait3A_214 : memref<2560xi32, #tpu.memory_space<hbm>>) dst(%arg8 : memref<2560xi32, #tpu.memory_space<vmem>>)
      tpu.yield
    }) : () -> ()
    %add3A_150 = arith.constant 5120 : i32
    %add3A_151 = arith.addi %mul3A_2, %add3A_150 : i32
    %dma_start3A_152 = arith.constant 0 : i32
    %dma_start3A_153 = tpu.memref_slice %arg6[%add3A_151, %dma_start3A_152] : memref<327680x128xf32, #tpu.memory_space<hbm>> -> memref<160x128xf32, #tpu.memory_space<hbm>>
    %dma_start3A_154 = arith.constant 0 : i32
    %dma_start3A_155 = tpu.memref_slice %arg6[%add3A_151, %dma_start3A_154] : memref<327680x128xf32, #tpu.memory_space<hbm>> -> memref<160x128xf32, #tpu.memory_space<hbm>>
    tpu.enqueue_dma source(%dma_start3A_155 : memref<160x128xf32, #tpu.memory_space<hbm>>) target(%arg9 : memref<160x128xf32, #tpu.memory_space<vmem>>) target_semaphore(%arg12 : memref<!tpu.dma_semaphore, #tpu.memory_space<semaphore_mem>>)
    %scan3A_156 = arith.constant 0 : i32
    %scan3A_157 = arith.constant 0 : i32
    %scan3A_158 = arith.constant 8 : i32
    %scan3A_159 = arith.addi %scan3A_157, %scan3A_158 : i32
    %scan3A_160 = arith.constant 1 : i32
    %scan3A_161 = scf.for %scan3A_203 = %scan3A_157 to %scan3A_159 step %scan3A_160 iter_args(%scan3A_204 = %scan3A_156) -> (i32)  : i32 {
      %mul3A_205 = arith.constant 2 : i32
      %mul3A_206 = arith.muli %scan3A_203, %mul3A_205 : i32
      %add3A_207 = arith.constant 0 : i32
      %add3A_208 = arith.addi %mul3A_206, %add3A_207 : i32
      %ge3A = arith.constant 1 : i32
      %ge3A_209 = arith.cmpi sge, %add3A_208, %ge3A : i32
      %convert_element_type3A = arith.extui %ge3A_209 : i1 to i32
      %cond3A = arith.constant 0 : i32
      %cond3A_210 = arith.cmpi ne, %convert_element_type3A, %cond3A : i32
      scf.if %cond3A_210 {
        %sub3A = arith.constant 1 : i32
        %sub3A_264 = arith.subi %add3A_208, %sub3A : i32
        %mul3A_265 = arith.constant 160 : i32
        %mul3A_266 = arith.muli %sub3A_264, %mul3A_265 : i32
        %dma_wait3A_267 = tpu.memref_slice %arg8[%mul3A_266] : memref<2560xi32, #tpu.memory_space<vmem>> -> memref<160xi32, #tpu.memory_space<vmem>>
        %dma_wait3A_268 = arith.constant 0 : i32
        %dma_wait3A_269 = arith.constant 0 : i32
        %dma_wait3A_270 = tpu.memref_slice %arg11[%dma_wait3A_268, %dma_wait3A_269] : memref<10240x128xf32, #tpu.memory_space<vmem_shared>> -> memref<10240x128xf32, #tpu.memory_space<vmem_shared>>
        tpu.wait_indirect_dma semaphore(%arg15 : memref<!tpu.dma_semaphore, #tpu.memory_space<semaphore_mem>>) src(%arg10 : memref<160x128xf32, #tpu.memory_space<vmem>>) dst(%dma_wait3A_270 : memref<10240x128xf32, #tpu.memory_space<vmem_shared>>)
      } else {
      }
      %add3A_211 = arith.constant 1 : i32
      %add3A_212 = arith.addi %add3A_208, %add3A_211 : i32
      %lt3A = arith.constant 16 : i32
      %lt3A_213 = arith.cmpi slt, %add3A_212, %lt3A : i32
      %convert_element_type3A_214 = arith.extui %lt3A_213 : i1 to i32
      %cond3A_215 = arith.constant 0 : i32
      %cond3A_216 = arith.cmpi ne, %convert_element_type3A_214, %cond3A_215 : i32
      scf.if %cond3A_216 {
        %add3A_264 = arith.constant 32 : i32
        %add3A_265 = arith.addi %add3A_264, %add3A_208 : i32
        %add3A_266 = arith.constant 1 : i32
        %add3A_267 = arith.addi %add3A_265, %add3A_266 : i32
        %mul3A_268 = arith.constant 160 : i32
        %mul3A_269 = arith.muli %add3A_267, %mul3A_268 : i32
        %add3A_270 = arith.addi %mul3A_2, %mul3A_269 : i32
        %dma_start3A_271 = arith.constant 0 : i32
        %dma_start3A_272 = tpu.memref_slice %arg6[%add3A_270, %dma_start3A_271] : memref<327680x128xf32, #tpu.memory_space<hbm>> -> memref<160x128xf32, #tpu.memory_space<hbm>>
        %dma_start3A_273 = arith.constant 0 : i32
        %dma_start3A_274 = tpu.memref_slice %arg6[%add3A_270, %dma_start3A_273] : memref<327680x128xf32, #tpu.memory_space<hbm>> -> memref<160x128xf32, #tpu.memory_space<hbm>>
        tpu.enqueue_dma source(%dma_start3A_274 : memref<160x128xf32, #tpu.memory_space<hbm>>) target(%arg10 : memref<160x128xf32, #tpu.memory_space<vmem>>) target_semaphore(%arg13 : memref<!tpu.dma_semaphore, #tpu.memory_space<semaphore_mem>>)
      } else {
      }
      %add3A_217 = arith.constant 32 : i32
      %add3A_218 = arith.addi %add3A_217, %add3A_208 : i32
      %mul3A_219 = arith.constant 160 : i32
      %mul3A_220 = arith.muli %add3A_218, %mul3A_219 : i32
      %add3A_221 = arith.addi %mul3A_2, %mul3A_220 : i32
      %dma_wait3A_222 = arith.constant 0 : i32
      %dma_wait3A_223 = tpu.memref_slice %arg6[%add3A_221, %dma_wait3A_222] : memref<327680x128xf32, #tpu.memory_space<hbm>> -> memref<160x128xf32, #tpu.memory_space<hbm>>
      %dma_wait3A_224 = arith.constant 0 : i32
      %dma_wait3A_225 = tpu.memref_slice %arg6[%add3A_221, %dma_wait3A_224] : memref<327680x128xf32, #tpu.memory_space<hbm>> -> memref<160x128xf32, #tpu.memory_space<hbm>>
      tpu.wait_dma2 semaphore(%arg12 : memref<!tpu.dma_semaphore, #tpu.memory_space<semaphore_mem>>) src(%dma_wait3A_225 : memref<160x128xf32, #tpu.memory_space<hbm>>) dst(%arg9 : memref<160x128xf32, #tpu.memory_space<vmem>>)
      %mul3A_226 = arith.constant 160 : i32
      %mul3A_227 = arith.muli %add3A_208, %mul3A_226 : i32
      %dma_start3A_228 = tpu.memref_slice %arg8[%mul3A_227] : memref<2560xi32, #tpu.memory_space<vmem>> -> memref<160xi32, #tpu.memory_space<vmem>>
      %dma_start3A_229 = arith.constant 0 : i32
      %dma_start3A_230 = arith.constant 0 : i32
      %dma_start3A_231 = tpu.memref_slice %arg11[%dma_start3A_229, %dma_start3A_230] : memref<10240x128xf32, #tpu.memory_space<vmem_shared>> -> memref<10240x128xf32, #tpu.memory_space<vmem_shared>>
      tpu.enqueue_indirect_dma source(%arg9 : memref<160x128xf32, #tpu.memory_space<vmem>>) target(%dma_start3A_231 : memref<10240x128xf32, #tpu.memory_space<vmem_shared>>) offsets(%dma_start3A_228 : memref<160xi32, #tpu.memory_space<vmem>>) semaphore(%arg14 : memref<!tpu.dma_semaphore, #tpu.memory_space<semaphore_mem>>) {add = true}
      %mul3A_232 = arith.constant 2 : i32
      %mul3A_233 = arith.muli %scan3A_203, %mul3A_232 : i32
      %add3A_234 = arith.constant 1 : i32
      %add3A_235 = arith.addi %mul3A_233, %add3A_234 : i32
      %ge3A_236 = arith.constant 1 : i32
      %ge3A_237 = arith.cmpi sge, %add3A_235, %ge3A_236 : i32
      %convert_element_type3A_238 = arith.extui %ge3A_237 : i1 to i32
      %cond3A_239 = arith.constant 0 : i32
      %cond3A_240 = arith.cmpi ne, %convert_element_type3A_238, %cond3A_239 : i32
      scf.if %cond3A_240 {
        %sub3A = arith.constant 1 : i32
        %sub3A_264 = arith.subi %add3A_235, %sub3A : i32
        %mul3A_265 = arith.constant 160 : i32
        %mul3A_266 = arith.muli %sub3A_264, %mul3A_265 : i32
        %dma_wait3A_267 = tpu.memref_slice %arg8[%mul3A_266] : memref<2560xi32, #tpu.memory_space<vmem>> -> memref<160xi32, #tpu.memory_space<vmem>>
        %dma_wait3A_268 = arith.constant 0 : i32
        %dma_wait3A_269 = arith.constant 0 : i32
        %dma_wait3A_270 = tpu.memref_slice %arg11[%dma_wait3A_268, %dma_wait3A_269] : memref<10240x128xf32, #tpu.memory_space<vmem_shared>> -> memref<10240x128xf32, #tpu.memory_space<vmem_shared>>
        tpu.wait_indirect_dma semaphore(%arg14 : memref<!tpu.dma_semaphore, #tpu.memory_space<semaphore_mem>>) src(%arg9 : memref<160x128xf32, #tpu.memory_space<vmem>>) dst(%dma_wait3A_270 : memref<10240x128xf32, #tpu.memory_space<vmem_shared>>)
      } else {
      }
      %add3A_241 = arith.constant 1 : i32
      %add3A_242 = arith.addi %add3A_235, %add3A_241 : i32
      %lt3A_243 = arith.constant 16 : i32
      %lt3A_244 = arith.cmpi slt, %add3A_242, %lt3A_243 : i32
      %convert_element_type3A_245 = arith.extui %lt3A_244 : i1 to i32
      %cond3A_246 = arith.constant 0 : i32
      %cond3A_247 = arith.cmpi ne, %convert_element_type3A_245, %cond3A_246 : i32
      scf.if %cond3A_247 {
        %add3A_264 = arith.constant 32 : i32
        %add3A_265 = arith.addi %add3A_264, %add3A_235 : i32
        %add3A_266 = arith.constant 1 : i32
        %add3A_267 = arith.addi %add3A_265, %add3A_266 : i32
        %mul3A_268 = arith.constant 160 : i32
        %mul3A_269 = arith.muli %add3A_267, %mul3A_268 : i32
        %add3A_270 = arith.addi %mul3A_2, %mul3A_269 : i32
        %dma_start3A_271 = arith.constant 0 : i32
        %dma_start3A_272 = tpu.memref_slice %arg6[%add3A_270, %dma_start3A_271] : memref<327680x128xf32, #tpu.memory_space<hbm>> -> memref<160x128xf32, #tpu.memory_space<hbm>>
        %dma_start3A_273 = arith.constant 0 : i32
        %dma_start3A_274 = tpu.memref_slice %arg6[%add3A_270, %dma_start3A_273] : memref<327680x128xf32, #tpu.memory_space<hbm>> -> memref<160x128xf32, #tpu.memory_space<hbm>>
        tpu.enqueue_dma source(%dma_start3A_274 : memref<160x128xf32, #tpu.memory_space<hbm>>) target(%arg9 : memref<160x128xf32, #tpu.memory_space<vmem>>) target_semaphore(%arg12 : memref<!tpu.dma_semaphore, #tpu.memory_space<semaphore_mem>>)
      } else {
      }
      %add3A_248 = arith.constant 32 : i32
      %add3A_249 = arith.addi %add3A_248, %add3A_235 : i32
      %mul3A_250 = arith.constant 160 : i32
      %mul3A_251 = arith.muli %add3A_249, %mul3A_250 : i32
      %add3A_252 = arith.addi %mul3A_2, %mul3A_251 : i32
      %dma_wait3A_253 = arith.constant 0 : i32
      %dma_wait3A_254 = tpu.memref_slice %arg6[%add3A_252, %dma_wait3A_253] : memref<327680x128xf32, #tpu.memory_space<hbm>> -> memref<160x128xf32, #tpu.memory_space<hbm>>
      %dma_wait3A_255 = arith.constant 0 : i32
      %dma_wait3A_256 = tpu.memref_slice %arg6[%add3A_252, %dma_wait3A_255] : memref<327680x128xf32, #tpu.memory_space<hbm>> -> memref<160x128xf32, #tpu.memory_space<hbm>>
      tpu.wait_dma2 semaphore(%arg13 : memref<!tpu.dma_semaphore, #tpu.memory_space<semaphore_mem>>) src(%dma_wait3A_256 : memref<160x128xf32, #tpu.memory_space<hbm>>) dst(%arg10 : memref<160x128xf32, #tpu.memory_space<vmem>>)
      %mul3A_257 = arith.constant 160 : i32
      %mul3A_258 = arith.muli %add3A_235, %mul3A_257 : i32
      %dma_start3A_259 = tpu.memref_slice %arg8[%mul3A_258] : memref<2560xi32, #tpu.memory_space<vmem>> -> memref<160xi32, #tpu.memory_space<vmem>>
      %dma_start3A_260 = arith.constant 0 : i32
      %dma_start3A_261 = arith.constant 0 : i32
      %dma_start3A_262 = tpu.memref_slice %arg11[%dma_start3A_260, %dma_start3A_261] : memref<10240x128xf32, #tpu.memory_space<vmem_shared>> -> memref<10240x128xf32, #tpu.memory_space<vmem_shared>>
      tpu.enqueue_indirect_dma source(%arg10 : memref<160x128xf32, #tpu.memory_space<vmem>>) target(%dma_start3A_262 : memref<10240x128xf32, #tpu.memory_space<vmem_shared>>) offsets(%dma_start3A_259 : memref<160xi32, #tpu.memory_space<vmem>>) semaphore(%arg15 : memref<!tpu.dma_semaphore, #tpu.memory_space<semaphore_mem>>) {add = true}
      %scan3A_263 = arith.constant 0 : i32
      scf.yield %scan3A_263 : i32
    }
    %scan3A_162 = arith.constant 8 : i32
    %dma_wait3A_163 = arith.constant 2400 : i32
    %dma_wait3A_164 = tpu.memref_slice %arg8[%dma_wait3A_163] : memref<2560xi32, #tpu.memory_space<vmem>> -> memref<160xi32, #tpu.memory_space<vmem>>
    %dma_wait3A_165 = arith.constant 0 : i32
    %dma_wait3A_166 = arith.constant 0 : i32
    %dma_wait3A_167 = tpu.memref_slice %arg11[%dma_wait3A_165, %dma_wait3A_166] : memref<10240x128xf32, #tpu.memory_space<vmem_shared>> -> memref<10240x128xf32, #tpu.memory_space<vmem_shared>>
    tpu.wait_indirect_dma semaphore(%arg15 : memref<!tpu.dma_semaphore, #tpu.memory_space<semaphore_mem>>) src(%arg10 : memref<160x128xf32, #tpu.memory_space<vmem>>) dst(%dma_wait3A_167 : memref<10240x128xf32, #tpu.memory_space<vmem_shared>>)
    "tpu.region"() ({
      %run_scoped3A = tpu.sem_alloc : memref<!tpu.dma_semaphore, #tpu.memory_space<semaphore_mem>>
      %dma_start3A_203 = arith.constant 7680 : i32
      %dma_start3A_204 = tpu.memref_slice %arg4[%add3A, %dma_start3A_203] : memref<32x10240xi32, #tpu.memory_space<hbm>> -> memref<1x2560xi32, #tpu.memory_space<hbm>>
      %dma_start3A_205 = tpu.memref_squeeze %dma_start3A_204 : memref<1x2560xi32, #tpu.memory_space<hbm>> -> memref<2560xi32, #tpu.memory_space<hbm>>
      %dma_start3A_206 = arith.constant 7680 : i32
      %dma_start3A_207 = tpu.memref_slice %arg4[%add3A, %dma_start3A_206] : memref<32x10240xi32, #tpu.memory_space<hbm>> -> memref<1x2560xi32, #tpu.memory_space<hbm>>
      %dma_start3A_208 = tpu.memref_squeeze %dma_start3A_207 : memref<1x2560xi32, #tpu.memory_space<hbm>> -> memref<2560xi32, #tpu.memory_space<hbm>>
      tpu.enqueue_dma source(%dma_start3A_208 : memref<2560xi32, #tpu.memory_space<hbm>>) target(%arg8 : memref<2560xi32, #tpu.memory_space<vmem>>) target_semaphore(%run_scoped3A : memref<!tpu.dma_semaphore, #tpu.memory_space<semaphore_mem>>)
      %dma_wait3A_209 = arith.constant 7680 : i32
      %dma_wait3A_210 = tpu.memref_slice %arg4[%add3A, %dma_wait3A_209] : memref<32x10240xi32, #tpu.memory_space<hbm>> -> memref<1x2560xi32, #tpu.memory_space<hbm>>
      %dma_wait3A_211 = tpu.memref_squeeze %dma_wait3A_210 : memref<1x2560xi32, #tpu.memory_space<hbm>> -> memref<2560xi32, #tpu.memory_space<hbm>>
      %dma_wait3A_212 = arith.constant 7680 : i32
      %dma_wait3A_213 = tpu.memref_slice %arg4[%add3A, %dma_wait3A_212] : memref<32x10240xi32, #tpu.memory_space<hbm>> -> memref<1x2560xi32, #tpu.memory_space<hbm>>
      %dma_wait3A_214 = tpu.memref_squeeze %dma_wait3A_213 : memref<1x2560xi32, #tpu.memory_space<hbm>> -> memref<2560xi32, #tpu.memory_space<hbm>>
      tpu.wait_dma2 semaphore(%run_scoped3A : memref<!tpu.dma_semaphore, #tpu.memory_space<semaphore_mem>>) src(%dma_wait3A_214 : memref<2560xi32, #tpu.memory_space<hbm>>) dst(%arg8 : memref<2560xi32, #tpu.memory_space<vmem>>)
      tpu.yield
    }) : () -> ()
    %add3A_168 = arith.constant 7680 : i32
    %add3A_169 = arith.addi %mul3A_2, %add3A_168 : i32
    %dma_start3A_170 = arith.constant 0 : i32
    %dma_start3A_171 = tpu.memref_slice %arg6[%add3A_169, %dma_start3A_170] : memref<327680x128xf32, #tpu.memory_space<hbm>> -> memref<160x128xf32, #tpu.memory_space<hbm>>
    %dma_start3A_172 = arith.constant 0 : i32
    %dma_start3A_173 = tpu.memref_slice %arg6[%add3A_169, %dma_start3A_172] : memref<327680x128xf32, #tpu.memory_space<hbm>> -> memref<160x128xf32, #tpu.memory_space<hbm>>
    tpu.enqueue_dma source(%dma_start3A_173 : memref<160x128xf32, #tpu.memory_space<hbm>>) target(%arg9 : memref<160x128xf32, #tpu.memory_space<vmem>>) target_semaphore(%arg12 : memref<!tpu.dma_semaphore, #tpu.memory_space<semaphore_mem>>)
    %scan3A_174 = arith.constant 0 : i32
    %scan3A_175 = arith.constant 0 : i32
    %scan3A_176 = arith.constant 8 : i32
    %scan3A_177 = arith.addi %scan3A_175, %scan3A_176 : i32
    %scan3A_178 = arith.constant 1 : i32
    %scan3A_179 = scf.for %scan3A_203 = %scan3A_175 to %scan3A_177 step %scan3A_178 iter_args(%scan3A_204 = %scan3A_174) -> (i32)  : i32 {
      %mul3A_205 = arith.constant 2 : i32
      %mul3A_206 = arith.muli %scan3A_203, %mul3A_205 : i32
      %add3A_207 = arith.constant 0 : i32
      %add3A_208 = arith.addi %mul3A_206, %add3A_207 : i32
      %ge3A = arith.constant 1 : i32
      %ge3A_209 = arith.cmpi sge, %add3A_208, %ge3A : i32
      %convert_element_type3A = arith.extui %ge3A_209 : i1 to i32
      %cond3A = arith.constant 0 : i32
      %cond3A_210 = arith.cmpi ne, %convert_element_type3A, %cond3A : i32
      scf.if %cond3A_210 {
        %sub3A = arith.constant 1 : i32
        %sub3A_264 = arith.subi %add3A_208, %sub3A : i32
        %mul3A_265 = arith.constant 160 : i32
        %mul3A_266 = arith.muli %sub3A_264, %mul3A_265 : i32
        %dma_wait3A_267 = tpu.memref_slice %arg8[%mul3A_266] : memref<2560xi32, #tpu.memory_space<vmem>> -> memref<160xi32, #tpu.memory_space<vmem>>
        %dma_wait3A_268 = arith.constant 0 : i32
        %dma_wait3A_269 = arith.constant 0 : i32
        %dma_wait3A_270 = tpu.memref_slice %arg11[%dma_wait3A_268, %dma_wait3A_269] : memref<10240x128xf32, #tpu.memory_space<vmem_shared>> -> memref<10240x128xf32, #tpu.memory_space<vmem_shared>>
        tpu.wait_indirect_dma semaphore(%arg15 : memref<!tpu.dma_semaphore, #tpu.memory_space<semaphore_mem>>) src(%arg10 : memref<160x128xf32, #tpu.memory_space<vmem>>) dst(%dma_wait3A_270 : memref<10240x128xf32, #tpu.memory_space<vmem_shared>>)
      } else {
      }
      %add3A_211 = arith.constant 1 : i32
      %add3A_212 = arith.addi %add3A_208, %add3A_211 : i32
      %lt3A = arith.constant 16 : i32
      %lt3A_213 = arith.cmpi slt, %add3A_212, %lt3A : i32
      %convert_element_type3A_214 = arith.extui %lt3A_213 : i1 to i32
      %cond3A_215 = arith.constant 0 : i32
      %cond3A_216 = arith.cmpi ne, %convert_element_type3A_214, %cond3A_215 : i32
      scf.if %cond3A_216 {
        %add3A_264 = arith.constant 48 : i32
        %add3A_265 = arith.addi %add3A_264, %add3A_208 : i32
        %add3A_266 = arith.constant 1 : i32
        %add3A_267 = arith.addi %add3A_265, %add3A_266 : i32
        %mul3A_268 = arith.constant 160 : i32
        %mul3A_269 = arith.muli %add3A_267, %mul3A_268 : i32
        %add3A_270 = arith.addi %mul3A_2, %mul3A_269 : i32
        %dma_start3A_271 = arith.constant 0 : i32
        %dma_start3A_272 = tpu.memref_slice %arg6[%add3A_270, %dma_start3A_271] : memref<327680x128xf32, #tpu.memory_space<hbm>> -> memref<160x128xf32, #tpu.memory_space<hbm>>
        %dma_start3A_273 = arith.constant 0 : i32
        %dma_start3A_274 = tpu.memref_slice %arg6[%add3A_270, %dma_start3A_273] : memref<327680x128xf32, #tpu.memory_space<hbm>> -> memref<160x128xf32, #tpu.memory_space<hbm>>
        tpu.enqueue_dma source(%dma_start3A_274 : memref<160x128xf32, #tpu.memory_space<hbm>>) target(%arg10 : memref<160x128xf32, #tpu.memory_space<vmem>>) target_semaphore(%arg13 : memref<!tpu.dma_semaphore, #tpu.memory_space<semaphore_mem>>)
      } else {
      }
      %add3A_217 = arith.constant 48 : i32
      %add3A_218 = arith.addi %add3A_217, %add3A_208 : i32
      %mul3A_219 = arith.constant 160 : i32
      %mul3A_220 = arith.muli %add3A_218, %mul3A_219 : i32
      %add3A_221 = arith.addi %mul3A_2, %mul3A_220 : i32
      %dma_wait3A_222 = arith.constant 0 : i32
      %dma_wait3A_223 = tpu.memref_slice %arg6[%add3A_221, %dma_wait3A_222] : memref<327680x128xf32, #tpu.memory_space<hbm>> -> memref<160x128xf32, #tpu.memory_space<hbm>>
      %dma_wait3A_224 = arith.constant 0 : i32
      %dma_wait3A_225 = tpu.memref_slice %arg6[%add3A_221, %dma_wait3A_224] : memref<327680x128xf32, #tpu.memory_space<hbm>> -> memref<160x128xf32, #tpu.memory_space<hbm>>
      tpu.wait_dma2 semaphore(%arg12 : memref<!tpu.dma_semaphore, #tpu.memory_space<semaphore_mem>>) src(%dma_wait3A_225 : memref<160x128xf32, #tpu.memory_space<hbm>>) dst(%arg9 : memref<160x128xf32, #tpu.memory_space<vmem>>)
      %mul3A_226 = arith.constant 160 : i32
      %mul3A_227 = arith.muli %add3A_208, %mul3A_226 : i32
      %dma_start3A_228 = tpu.memref_slice %arg8[%mul3A_227] : memref<2560xi32, #tpu.memory_space<vmem>> -> memref<160xi32, #tpu.memory_space<vmem>>
      %dma_start3A_229 = arith.constant 0 : i32
      %dma_start3A_230 = arith.constant 0 : i32
      %dma_start3A_231 = tpu.memref_slice %arg11[%dma_start3A_229, %dma_start3A_230] : memref<10240x128xf32, #tpu.memory_space<vmem_shared>> -> memref<10240x128xf32, #tpu.memory_space<vmem_shared>>
      tpu.enqueue_indirect_dma source(%arg9 : memref<160x128xf32, #tpu.memory_space<vmem>>) target(%dma_start3A_231 : memref<10240x128xf32, #tpu.memory_space<vmem_shared>>) offsets(%dma_start3A_228 : memref<160xi32, #tpu.memory_space<vmem>>) semaphore(%arg14 : memref<!tpu.dma_semaphore, #tpu.memory_space<semaphore_mem>>) {add = true}
      %mul3A_232 = arith.constant 2 : i32
      %mul3A_233 = arith.muli %scan3A_203, %mul3A_232 : i32
      %add3A_234 = arith.constant 1 : i32
      %add3A_235 = arith.addi %mul3A_233, %add3A_234 : i32
      %ge3A_236 = arith.constant 1 : i32
      %ge3A_237 = arith.cmpi sge, %add3A_235, %ge3A_236 : i32
      %convert_element_type3A_238 = arith.extui %ge3A_237 : i1 to i32
      %cond3A_239 = arith.constant 0 : i32
      %cond3A_240 = arith.cmpi ne, %convert_element_type3A_238, %cond3A_239 : i32
      scf.if %cond3A_240 {
        %sub3A = arith.constant 1 : i32
        %sub3A_264 = arith.subi %add3A_235, %sub3A : i32
        %mul3A_265 = arith.constant 160 : i32
        %mul3A_266 = arith.muli %sub3A_264, %mul3A_265 : i32
        %dma_wait3A_267 = tpu.memref_slice %arg8[%mul3A_266] : memref<2560xi32, #tpu.memory_space<vmem>> -> memref<160xi32, #tpu.memory_space<vmem>>
        %dma_wait3A_268 = arith.constant 0 : i32
        %dma_wait3A_269 = arith.constant 0 : i32
        %dma_wait3A_270 = tpu.memref_slice %arg11[%dma_wait3A_268, %dma_wait3A_269] : memref<10240x128xf32, #tpu.memory_space<vmem_shared>> -> memref<10240x128xf32, #tpu.memory_space<vmem_shared>>
        tpu.wait_indirect_dma semaphore(%arg14 : memref<!tpu.dma_semaphore, #tpu.memory_space<semaphore_mem>>) src(%arg9 : memref<160x128xf32, #tpu.memory_space<vmem>>) dst(%dma_wait3A_270 : memref<10240x128xf32, #tpu.memory_space<vmem_shared>>)
      } else {
      }
      %add3A_241 = arith.constant 1 : i32
      %add3A_242 = arith.addi %add3A_235, %add3A_241 : i32
      %lt3A_243 = arith.constant 16 : i32
      %lt3A_244 = arith.cmpi slt, %add3A_242, %lt3A_243 : i32
      %convert_element_type3A_245 = arith.extui %lt3A_244 : i1 to i32
      %cond3A_246 = arith.constant 0 : i32
      %cond3A_247 = arith.cmpi ne, %convert_element_type3A_245, %cond3A_246 : i32
      scf.if %cond3A_247 {
        %add3A_264 = arith.constant 48 : i32
        %add3A_265 = arith.addi %add3A_264, %add3A_235 : i32
        %add3A_266 = arith.constant 1 : i32
        %add3A_267 = arith.addi %add3A_265, %add3A_266 : i32
        %mul3A_268 = arith.constant 160 : i32
        %mul3A_269 = arith.muli %add3A_267, %mul3A_268 : i32
        %add3A_270 = arith.addi %mul3A_2, %mul3A_269 : i32
        %dma_start3A_271 = arith.constant 0 : i32
        %dma_start3A_272 = tpu.memref_slice %arg6[%add3A_270, %dma_start3A_271] : memref<327680x128xf32, #tpu.memory_space<hbm>> -> memref<160x128xf32, #tpu.memory_space<hbm>>
        %dma_start3A_273 = arith.constant 0 : i32
        %dma_start3A_274 = tpu.memref_slice %arg6[%add3A_270, %dma_start3A_273] : memref<327680x128xf32, #tpu.memory_space<hbm>> -> memref<160x128xf32, #tpu.memory_space<hbm>>
        tpu.enqueue_dma source(%dma_start3A_274 : memref<160x128xf32, #tpu.memory_space<hbm>>) target(%arg9 : memref<160x128xf32, #tpu.memory_space<vmem>>) target_semaphore(%arg12 : memref<!tpu.dma_semaphore, #tpu.memory_space<semaphore_mem>>)
      } else {
      }
      %add3A_248 = arith.constant 48 : i32
      %add3A_249 = arith.addi %add3A_248, %add3A_235 : i32
      %mul3A_250 = arith.constant 160 : i32
      %mul3A_251 = arith.muli %add3A_249, %mul3A_250 : i32
      %add3A_252 = arith.addi %mul3A_2, %mul3A_251 : i32
      %dma_wait3A_253 = arith.constant 0 : i32
      %dma_wait3A_254 = tpu.memref_slice %arg6[%add3A_252, %dma_wait3A_253] : memref<327680x128xf32, #tpu.memory_space<hbm>> -> memref<160x128xf32, #tpu.memory_space<hbm>>
      %dma_wait3A_255 = arith.constant 0 : i32
      %dma_wait3A_256 = tpu.memref_slice %arg6[%add3A_252, %dma_wait3A_255] : memref<327680x128xf32, #tpu.memory_space<hbm>> -> memref<160x128xf32, #tpu.memory_space<hbm>>
      tpu.wait_dma2 semaphore(%arg13 : memref<!tpu.dma_semaphore, #tpu.memory_space<semaphore_mem>>) src(%dma_wait3A_256 : memref<160x128xf32, #tpu.memory_space<hbm>>) dst(%arg10 : memref<160x128xf32, #tpu.memory_space<vmem>>)
      %mul3A_257 = arith.constant 160 : i32
      %mul3A_258 = arith.muli %add3A_235, %mul3A_257 : i32
      %dma_start3A_259 = tpu.memref_slice %arg8[%mul3A_258] : memref<2560xi32, #tpu.memory_space<vmem>> -> memref<160xi32, #tpu.memory_space<vmem>>
      %dma_start3A_260 = arith.constant 0 : i32
      %dma_start3A_261 = arith.constant 0 : i32
      %dma_start3A_262 = tpu.memref_slice %arg11[%dma_start3A_260, %dma_start3A_261] : memref<10240x128xf32, #tpu.memory_space<vmem_shared>> -> memref<10240x128xf32, #tpu.memory_space<vmem_shared>>
      tpu.enqueue_indirect_dma source(%arg10 : memref<160x128xf32, #tpu.memory_space<vmem>>) target(%dma_start3A_262 : memref<10240x128xf32, #tpu.memory_space<vmem_shared>>) offsets(%dma_start3A_259 : memref<160xi32, #tpu.memory_space<vmem>>) semaphore(%arg15 : memref<!tpu.dma_semaphore, #tpu.memory_space<semaphore_mem>>) {add = true}
      %scan3A_263 = arith.constant 0 : i32
      scf.yield %scan3A_263 : i32
    }
    %scan3A_180 = arith.constant 8 : i32
    %dma_wait3A_181 = arith.constant 2400 : i32
    %dma_wait3A_182 = tpu.memref_slice %arg8[%dma_wait3A_181] : memref<2560xi32, #tpu.memory_space<vmem>> -> memref<160xi32, #tpu.memory_space<vmem>>
    %dma_wait3A_183 = arith.constant 0 : i32
    %dma_wait3A_184 = arith.constant 0 : i32
    %dma_wait3A_185 = tpu.memref_slice %arg11[%dma_wait3A_183, %dma_wait3A_184] : memref<10240x128xf32, #tpu.memory_space<vmem_shared>> -> memref<10240x128xf32, #tpu.memory_space<vmem_shared>>
    tpu.wait_indirect_dma semaphore(%arg15 : memref<!tpu.dma_semaphore, #tpu.memory_space<semaphore_mem>>) src(%arg10 : memref<160x128xf32, #tpu.memory_space<vmem>>) dst(%dma_wait3A_185 : memref<10240x128xf32, #tpu.memory_space<vmem_shared>>)
    %barrier3A_186 = arith.constant 0 : index
    tpu.barrier barrier_id(%barrier3A_186)
    %mul3A_187 = arith.constant 640 : i32
    %mul3A_188 = arith.muli %arg1, %mul3A_187 : i32
    %add3A_189 = arith.constant 0 : i32
    %add3A_190 = arith.addi %mul3A_188, %add3A_189 : i32
    "tpu.region"() ({
      %run_scoped3A = tpu.sem_alloc : memref<!tpu.dma_semaphore, #tpu.memory_space<semaphore_mem>>
      %dma_start3A_203 = arith.constant 0 : i32
      %dma_start3A_204 = tpu.memref_slice %arg11[%add3A_190, %dma_start3A_203] : memref<10240x128xf32, #tpu.memory_space<vmem_shared>> -> memref<160x128xf32, #tpu.memory_space<vmem_shared>>
      %dma_start3A_205 = arith.constant 0 : i32
      %dma_start3A_206 = tpu.memref_slice %arg11[%add3A_190, %dma_start3A_205] : memref<10240x128xf32, #tpu.memory_space<vmem_shared>> -> memref<160x128xf32, #tpu.memory_space<vmem_shared>>
      tpu.enqueue_dma source(%dma_start3A_206 : memref<160x128xf32, #tpu.memory_space<vmem_shared>>) target(%arg9 : memref<160x128xf32, #tpu.memory_space<vmem>>) target_semaphore(%run_scoped3A : memref<!tpu.dma_semaphore, #tpu.memory_space<semaphore_mem>>)
      %dma_wait3A_207 = arith.constant 0 : i32
      %dma_wait3A_208 = tpu.memref_slice %arg11[%add3A_190, %dma_wait3A_207] : memref<10240x128xf32, #tpu.memory_space<vmem_shared>> -> memref<160x128xf32, #tpu.memory_space<vmem_shared>>
      %dma_wait3A_209 = arith.constant 0 : i32
      %dma_wait3A_210 = tpu.memref_slice %arg11[%add3A_190, %dma_wait3A_209] : memref<10240x128xf32, #tpu.memory_space<vmem_shared>> -> memref<160x128xf32, #tpu.memory_space<vmem_shared>>
      tpu.wait_dma2 semaphore(%run_scoped3A : memref<!tpu.dma_semaphore, #tpu.memory_space<semaphore_mem>>) src(%dma_wait3A_210 : memref<160x128xf32, #tpu.memory_space<vmem_shared>>) dst(%arg9 : memref<160x128xf32, #tpu.memory_space<vmem>>)
      tpu.yield
    }) : () -> ()
    "tpu.region"() ({
      %run_scoped3A = tpu.sem_alloc : memref<!tpu.dma_semaphore, #tpu.memory_space<semaphore_mem>>
      %dma_start3A_203 = arith.constant 0 : i32
      %dma_start3A_204 = tpu.memref_slice %arg5[%arg0, %add3A_190, %dma_start3A_203] : memref<2x10240x128xf32, #tpu.memory_space<hbm>> -> memref<1x160x128xf32, #tpu.memory_space<hbm>>
      %dma_start3A_205 = tpu.memref_squeeze %dma_start3A_204 : memref<1x160x128xf32, #tpu.memory_space<hbm>> -> memref<160x128xf32, #tpu.memory_space<hbm>>
      %dma_start3A_206 = arith.constant 0 : i32
      %dma_start3A_207 = tpu.memref_slice %arg5[%arg0, %add3A_190, %dma_start3A_206] : memref<2x10240x128xf32, #tpu.memory_space<hbm>> -> memref<1x160x128xf32, #tpu.memory_space<hbm>>
      %dma_start3A_208 = tpu.memref_squeeze %dma_start3A_207 : memref<1x160x128xf32, #tpu.memory_space<hbm>> -> memref<160x128xf32, #tpu.memory_space<hbm>>
      tpu.enqueue_dma source(%arg9 : memref<160x128xf32, #tpu.memory_space<vmem>>) target(%dma_start3A_208 : memref<160x128xf32, #tpu.memory_space<hbm>>) target_semaphore(%run_scoped3A : memref<!tpu.dma_semaphore, #tpu.memory_space<semaphore_mem>>)
      %dma_wait3A_209 = arith.constant 0 : i32
      %dma_wait3A_210 = tpu.memref_slice %arg5[%arg0, %add3A_190, %dma_wait3A_209] : memref<2x10240x128xf32, #tpu.memory_space<hbm>> -> memref<1x160x128xf32, #tpu.memory_space<hbm>>
      %dma_wait3A_211 = tpu.memref_squeeze %dma_wait3A_210 : memref<1x160x128xf32, #tpu.memory_space<hbm>> -> memref<160x128xf32, #tpu.memory_space<hbm>>
      %dma_wait3A_212 = arith.constant 0 : i32
      %dma_wait3A_213 = tpu.memref_slice %arg5[%arg0, %add3A_190, %dma_wait3A_212] : memref<2x10240x128xf32, #tpu.memory_space<hbm>> -> memref<1x160x128xf32, #tpu.memory_space<hbm>>
      %dma_wait3A_214 = tpu.memref_squeeze %dma_wait3A_213 : memref<1x160x128xf32, #tpu.memory_space<hbm>> -> memref<160x128xf32, #tpu.memory_space<hbm>>
      tpu.wait_dma2 semaphore(%run_scoped3A : memref<!tpu.dma_semaphore, #tpu.memory_space<semaphore_mem>>) src(%arg9 : memref<160x128xf32, #tpu.memory_space<vmem>>) dst(%dma_wait3A_214 : memref<160x128xf32, #tpu.memory_space<hbm>>)
      tpu.yield
    }) : () -> ()
    %mul3A_191 = arith.constant 640 : i32
    %mul3A_192 = arith.muli %arg1, %mul3A_191 : i32
    %add3A_193 = arith.constant 160 : i32
    %add3A_194 = arith.addi %mul3A_192, %add3A_193 : i32
    "tpu.region"() ({
      %run_scoped3A = tpu.sem_alloc : memref<!tpu.dma_semaphore, #tpu.memory_space<semaphore_mem>>
      %dma_start3A_203 = arith.constant 0 : i32
      %dma_start3A_204 = tpu.memref_slice %arg11[%add3A_194, %dma_start3A_203] : memref<10240x128xf32, #tpu.memory_space<vmem_shared>> -> memref<160x128xf32, #tpu.memory_space<vmem_shared>>
      %dma_start3A_205 = arith.constant 0 : i32
      %dma_start3A_206 = tpu.memref_slice %arg11[%add3A_194, %dma_start3A_205] : memref<10240x128xf32, #tpu.memory_space<vmem_shared>> -> memref<160x128xf32, #tpu.memory_space<vmem_shared>>
      tpu.enqueue_dma source(%dma_start3A_206 : memref<160x128xf32, #tpu.memory_space<vmem_shared>>) target(%arg9 : memref<160x128xf32, #tpu.memory_space<vmem>>) target_semaphore(%run_scoped3A : memref<!tpu.dma_semaphore, #tpu.memory_space<semaphore_mem>>)
      %dma_wait3A_207 = arith.constant 0 : i32
      %dma_wait3A_208 = tpu.memref_slice %arg11[%add3A_194, %dma_wait3A_207] : memref<10240x128xf32, #tpu.memory_space<vmem_shared>> -> memref<160x128xf32, #tpu.memory_space<vmem_shared>>
      %dma_wait3A_209 = arith.constant 0 : i32
      %dma_wait3A_210 = tpu.memref_slice %arg11[%add3A_194, %dma_wait3A_209] : memref<10240x128xf32, #tpu.memory_space<vmem_shared>> -> memref<160x128xf32, #tpu.memory_space<vmem_shared>>
      tpu.wait_dma2 semaphore(%run_scoped3A : memref<!tpu.dma_semaphore, #tpu.memory_space<semaphore_mem>>) src(%dma_wait3A_210 : memref<160x128xf32, #tpu.memory_space<vmem_shared>>) dst(%arg9 : memref<160x128xf32, #tpu.memory_space<vmem>>)
      tpu.yield
    }) : () -> ()
    "tpu.region"() ({
      %run_scoped3A = tpu.sem_alloc : memref<!tpu.dma_semaphore, #tpu.memory_space<semaphore_mem>>
      %dma_start3A_203 = arith.constant 0 : i32
      %dma_start3A_204 = tpu.memref_slice %arg5[%arg0, %add3A_194, %dma_start3A_203] : memref<2x10240x128xf32, #tpu.memory_space<hbm>> -> memref<1x160x128xf32, #tpu.memory_space<hbm>>
      %dma_start3A_205 = tpu.memref_squeeze %dma_start3A_204 : memref<1x160x128xf32, #tpu.memory_space<hbm>> -> memref<160x128xf32, #tpu.memory_space<hbm>>
      %dma_start3A_206 = arith.constant 0 : i32
      %dma_start3A_207 = tpu.memref_slice %arg5[%arg0, %add3A_194, %dma_start3A_206] : memref<2x10240x128xf32, #tpu.memory_space<hbm>> -> memref<1x160x128xf32, #tpu.memory_space<hbm>>
      %dma_start3A_208 = tpu.memref_squeeze %dma_start3A_207 : memref<1x160x128xf32, #tpu.memory_space<hbm>> -> memref<160x128xf32, #tpu.memory_space<hbm>>
      tpu.enqueue_dma source(%arg9 : memref<160x128xf32, #tpu.memory_space<vmem>>) target(%dma_start3A_208 : memref<160x128xf32, #tpu.memory_space<hbm>>) target_semaphore(%run_scoped3A : memref<!tpu.dma_semaphore, #tpu.memory_space<semaphore_mem>>)
      %dma_wait3A_209 = arith.constant 0 : i32
      %dma_wait3A_210 = tpu.memref_slice %arg5[%arg0, %add3A_194, %dma_wait3A_209] : memref<2x10240x128xf32, #tpu.memory_space<hbm>> -> memref<1x160x128xf32, #tpu.memory_space<hbm>>
      %dma_wait3A_211 = tpu.memref_squeeze %dma_wait3A_210 : memref<1x160x128xf32, #tpu.memory_space<hbm>> -> memref<160x128xf32, #tpu.memory_space<hbm>>
      %dma_wait3A_212 = arith.constant 0 : i32
      %dma_wait3A_213 = tpu.memref_slice %arg5[%arg0, %add3A_194, %dma_wait3A_212] : memref<2x10240x128xf32, #tpu.memory_space<hbm>> -> memref<1x160x128xf32, #tpu.memory_space<hbm>>
      %dma_wait3A_214 = tpu.memref_squeeze %dma_wait3A_213 : memref<1x160x128xf32, #tpu.memory_space<hbm>> -> memref<160x128xf32, #tpu.memory_space<hbm>>
      tpu.wait_dma2 semaphore(%run_scoped3A : memref<!tpu.dma_semaphore, #tpu.memory_space<semaphore_mem>>) src(%arg9 : memref<160x128xf32, #tpu.memory_space<vmem>>) dst(%dma_wait3A_214 : memref<160x128xf32, #tpu.memory_space<hbm>>)
      tpu.yield
    }) : () -> ()
    %mul3A_195 = arith.constant 640 : i32
    %mul3A_196 = arith.muli %arg1, %mul3A_195 : i32
    %add3A_197 = arith.constant 320 : i32
    %add3A_198 = arith.addi %mul3A_196, %add3A_197 : i32
    "tpu.region"() ({
      %run_scoped3A = tpu.sem_alloc : memref<!tpu.dma_semaphore, #tpu.memory_space<semaphore_mem>>
      %dma_start3A_203 = arith.constant 0 : i32
      %dma_start3A_204 = tpu.memref_slice %arg11[%add3A_198, %dma_start3A_203] : memref<10240x128xf32, #tpu.memory_space<vmem_shared>> -> memref<160x128xf32, #tpu.memory_space<vmem_shared>>
      %dma_start3A_205 = arith.constant 0 : i32
      %dma_start3A_206 = tpu.memref_slice %arg11[%add3A_198, %dma_start3A_205] : memref<10240x128xf32, #tpu.memory_space<vmem_shared>> -> memref<160x128xf32, #tpu.memory_space<vmem_shared>>
      tpu.enqueue_dma source(%dma_start3A_206 : memref<160x128xf32, #tpu.memory_space<vmem_shared>>) target(%arg9 : memref<160x128xf32, #tpu.memory_space<vmem>>) target_semaphore(%run_scoped3A : memref<!tpu.dma_semaphore, #tpu.memory_space<semaphore_mem>>)
      %dma_wait3A_207 = arith.constant 0 : i32
      %dma_wait3A_208 = tpu.memref_slice %arg11[%add3A_198, %dma_wait3A_207] : memref<10240x128xf32, #tpu.memory_space<vmem_shared>> -> memref<160x128xf32, #tpu.memory_space<vmem_shared>>
      %dma_wait3A_209 = arith.constant 0 : i32
      %dma_wait3A_210 = tpu.memref_slice %arg11[%add3A_198, %dma_wait3A_209] : memref<10240x128xf32, #tpu.memory_space<vmem_shared>> -> memref<160x128xf32, #tpu.memory_space<vmem_shared>>
      tpu.wait_dma2 semaphore(%run_scoped3A : memref<!tpu.dma_semaphore, #tpu.memory_space<semaphore_mem>>) src(%dma_wait3A_210 : memref<160x128xf32, #tpu.memory_space<vmem_shared>>) dst(%arg9 : memref<160x128xf32, #tpu.memory_space<vmem>>)
      tpu.yield
    }) : () -> ()
    "tpu.region"() ({
      %run_scoped3A = tpu.sem_alloc : memref<!tpu.dma_semaphore, #tpu.memory_space<semaphore_mem>>
      %dma_start3A_203 = arith.constant 0 : i32
      %dma_start3A_204 = tpu.memref_slice %arg5[%arg0, %add3A_198, %dma_start3A_203] : memref<2x10240x128xf32, #tpu.memory_space<hbm>> -> memref<1x160x128xf32, #tpu.memory_space<hbm>>
      %dma_start3A_205 = tpu.memref_squeeze %dma_start3A_204 : memref<1x160x128xf32, #tpu.memory_space<hbm>> -> memref<160x128xf32, #tpu.memory_space<hbm>>
      %dma_start3A_206 = arith.constant 0 : i32
      %dma_start3A_207 = tpu.memref_slice %arg5[%arg0, %add3A_198, %dma_start3A_206] : memref<2x10240x128xf32, #tpu.memory_space<hbm>> -> memref<1x160x128xf32, #tpu.memory_space<hbm>>
      %dma_start3A_208 = tpu.memref_squeeze %dma_start3A_207 : memref<1x160x128xf32, #tpu.memory_space<hbm>> -> memref<160x128xf32, #tpu.memory_space<hbm>>
      tpu.enqueue_dma source(%arg9 : memref<160x128xf32, #tpu.memory_space<vmem>>) target(%dma_start3A_208 : memref<160x128xf32, #tpu.memory_space<hbm>>) target_semaphore(%run_scoped3A : memref<!tpu.dma_semaphore, #tpu.memory_space<semaphore_mem>>)
      %dma_wait3A_209 = arith.constant 0 : i32
      %dma_wait3A_210 = tpu.memref_slice %arg5[%arg0, %add3A_198, %dma_wait3A_209] : memref<2x10240x128xf32, #tpu.memory_space<hbm>> -> memref<1x160x128xf32, #tpu.memory_space<hbm>>
      %dma_wait3A_211 = tpu.memref_squeeze %dma_wait3A_210 : memref<1x160x128xf32, #tpu.memory_space<hbm>> -> memref<160x128xf32, #tpu.memory_space<hbm>>
      %dma_wait3A_212 = arith.constant 0 : i32
      %dma_wait3A_213 = tpu.memref_slice %arg5[%arg0, %add3A_198, %dma_wait3A_212] : memref<2x10240x128xf32, #tpu.memory_space<hbm>> -> memref<1x160x128xf32, #tpu.memory_space<hbm>>
      %dma_wait3A_214 = tpu.memref_squeeze %dma_wait3A_213 : memref<1x160x128xf32, #tpu.memory_space<hbm>> -> memref<160x128xf32, #tpu.memory_space<hbm>>
      tpu.wait_dma2 semaphore(%run_scoped3A : memref<!tpu.dma_semaphore, #tpu.memory_space<semaphore_mem>>) src(%arg9 : memref<160x128xf32, #tpu.memory_space<vmem>>) dst(%dma_wait3A_214 : memref<160x128xf32, #tpu.memory_space<hbm>>)
      tpu.yield
    }) : () -> ()
    %mul3A_199 = arith.constant 640 : i32
    %mul3A_200 = arith.muli %arg1, %mul3A_199 : i32
    %add3A_201 = arith.constant 480 : i32
    %add3A_202 = arith.addi %mul3A_200, %add3A_201 : i32
    "tpu.region"() ({
      %run_scoped3A = tpu.sem_alloc : memref<!tpu.dma_semaphore, #tpu.memory_space<semaphore_mem>>
      %dma_start3A_203 = arith.constant 0 : i32
      %dma_start3A_204 = tpu.memref_slice %arg11[%add3A_202, %dma_start3A_203] : memref<10240x128xf32, #tpu.memory_space<vmem_shared>> -> memref<160x128xf32, #tpu.memory_space<vmem_shared>>
      %dma_start3A_205 = arith.constant 0 : i32
      %dma_start3A_206 = tpu.memref_slice %arg11[%add3A_202, %dma_start3A_205] : memref<10240x128xf32, #tpu.memory_space<vmem_shared>> -> memref<160x128xf32, #tpu.memory_space<vmem_shared>>
      tpu.enqueue_dma source(%dma_start3A_206 : memref<160x128xf32, #tpu.memory_space<vmem_shared>>) target(%arg9 : memref<160x128xf32, #tpu.memory_space<vmem>>) target_semaphore(%run_scoped3A : memref<!tpu.dma_semaphore, #tpu.memory_space<semaphore_mem>>)
      %dma_wait3A_207 = arith.constant 0 : i32
      %dma_wait3A_208 = tpu.memref_slice %arg11[%add3A_202, %dma_wait3A_207] : memref<10240x128xf32, #tpu.memory_space<vmem_shared>> -> memref<160x128xf32, #tpu.memory_space<vmem_shared>>
      %dma_wait3A_209 = arith.constant 0 : i32
      %dma_wait3A_210 = tpu.memref_slice %arg11[%add3A_202, %dma_wait3A_209] : memref<10240x128xf32, #tpu.memory_space<vmem_shared>> -> memref<160x128xf32, #tpu.memory_space<vmem_shared>>
      tpu.wait_dma2 semaphore(%run_scoped3A : memref<!tpu.dma_semaphore, #tpu.memory_space<semaphore_mem>>) src(%dma_wait3A_210 : memref<160x128xf32, #tpu.memory_space<vmem_shared>>) dst(%arg9 : memref<160x128xf32, #tpu.memory_space<vmem>>)
      tpu.yield
    }) : () -> ()
    "tpu.region"() ({
      %run_scoped3A = tpu.sem_alloc : memref<!tpu.dma_semaphore, #tpu.memory_space<semaphore_mem>>
      %dma_start3A_203 = arith.constant 0 : i32
      %dma_start3A_204 = tpu.memref_slice %arg5[%arg0, %add3A_202, %dma_start3A_203] : memref<2x10240x128xf32, #tpu.memory_space<hbm>> -> memref<1x160x128xf32, #tpu.memory_space<hbm>>
      %dma_start3A_205 = tpu.memref_squeeze %dma_start3A_204 : memref<1x160x128xf32, #tpu.memory_space<hbm>> -> memref<160x128xf32, #tpu.memory_space<hbm>>
      %dma_start3A_206 = arith.constant 0 : i32
      %dma_start3A_207 = tpu.memref_slice %arg5[%arg0, %add3A_202, %dma_start3A_206] : memref<2x10240x128xf32, #tpu.memory_space<hbm>> -> memref<1x160x128xf32, #tpu.memory_space<hbm>>
      %dma_start3A_208 = tpu.memref_squeeze %dma_start3A_207 : memref<1x160x128xf32, #tpu.memory_space<hbm>> -> memref<160x128xf32, #tpu.memory_space<hbm>>
      tpu.enqueue_dma source(%arg9 : memref<160x128xf32, #tpu.memory_space<vmem>>) target(%dma_start3A_208 : memref<160x128xf32, #tpu.memory_space<hbm>>) target_semaphore(%run_scoped3A : memref<!tpu.dma_semaphore, #tpu.memory_space<semaphore_mem>>)
      %dma_wait3A_209 = arith.constant 0 : i32
      %dma_wait3A_210 = tpu.memref_slice %arg5[%arg0, %add3A_202, %dma_wait3A_209] : memref<2x10240x128xf32, #tpu.memory_space<hbm>> -> memref<1x160x128xf32, #tpu.memory_space<hbm>>
      %dma_wait3A_211 = tpu.memref_squeeze %dma_wait3A_210 : memref<1x160x128xf32, #tpu.memory_space<hbm>> -> memref<160x128xf32, #tpu.memory_space<hbm>>
      %dma_wait3A_212 = arith.constant 0 : i32
      %dma_wait3A_213 = tpu.memref_slice %arg5[%arg0, %add3A_202, %dma_wait3A_212] : memref<2x10240x128xf32, #tpu.memory_space<hbm>> -> memref<1x160x128xf32, #tpu.memory_space<hbm>>
      %dma_wait3A_214 = tpu.memref_squeeze %dma_wait3A_213 : memref<1x160x128xf32, #tpu.memory_space<hbm>> -> memref<160x128xf32, #tpu.memory_space<hbm>>
      tpu.wait_dma2 semaphore(%run_scoped3A : memref<!tpu.dma_semaphore, #tpu.memory_space<semaphore_mem>>) src(%arg9 : memref<160x128xf32, #tpu.memory_space<vmem>>) dst(%dma_wait3A_214 : memref<160x128xf32, #tpu.memory_space<hbm>>)
      tpu.yield
    }) : () -> ()
    return
  }
}

module attributes {stable_mosaic.version = 14 : i64} {
  func.func @_matmul_body(%arg0: i32, %arg1: memref<1024x128xf32, #tpu.memory_space<vmem>>, %arg2: memref<128x128xf32, #tpu.memory_space<vmem>>, %arg3: memref<1x128xf32, #tpu.memory_space<vmem>>, %arg4: memref<1024x128xf32, #tpu.memory_space<vmem>>) attributes {dimension_semantics = [#tpu.dimension_semantics<arbitrary>], iteration_bounds = array<i64: 10>, scalar_prefetch = 0 : i64, scratch_operands = 0 : i64, tpu.core_type = #tpu.core_type<tc>, window_params = [{transform_indices = @transform_0, window_bounds = array<i64: 1024, 128>}, {pipeline_mode = #tpu.pipeline_mode<synchronous>, transform_indices = @transform_1, window_bounds = array<i64: 128, 128>}, {pipeline_mode = #tpu.pipeline_mode<synchronous>, transform_indices = @transform_2, window_bounds = array<i64: 1, 128>}, {transform_indices = @transform_3, window_bounds = array<i64: 1024, 128>}]} {
    %get3A = arith.constant 0 : index
    %get3A_0 = arith.constant 0 : index
    %get3A_1 = vector.load %arg1[%get3A, %get3A_0] : memref<1024x128xf32, #tpu.memory_space<vmem>>, vector<1024x128xf32>
    %get3A_2 = arith.constant 0 : index
    %get3A_3 = arith.constant 0 : index
    %get3A_4 = vector.load %arg2[%get3A_2, %get3A_3] : memref<128x128xf32, #tpu.memory_space<vmem>>, vector<128x128xf32>
    %dot_general3A = arith.constant dense<0.000000e+00> : vector<1024x128xf32>
    %dot_general3A_5 = tpu.matmul %get3A_1, %get3A_4, %dot_general3A {dimension_numbers = #tpu.dot_dimension_numbers<[1], [0], [0], [1], [0, 0, 1, 1], [], []>, transpose_lhs_hint = false} : vector<1024x128xf32>, vector<128x128xf32>, vector<1024x128xf32> -> vector<1024x128xf32>
    %get3A_6 = arith.constant 0 : index
    %get3A_7 = arith.constant 0 : index
    %get3A_8 = vector.load %arg3[%get3A_6, %get3A_7] : memref<1x128xf32, #tpu.memory_space<vmem>>, vector<1x128xf32>
    %add3A = vector.broadcast %get3A_8 : vector<1x128xf32> to vector<1024x128xf32>
    %add3A_9 = arith.addf %dot_general3A_5, %add3A : vector<1024x128xf32>
    %swap3A = arith.constant 0 : index
    %swap3A_10 = arith.constant 0 : index
    %swap3A_11 = vector.load %arg4[%swap3A, %swap3A_10] : memref<1024x128xf32, #tpu.memory_space<vmem>>, vector<1024x128xf32>
    tpu.vector_store %arg4[%swap3A, %swap3A_10], %add3A_9 {strides = array<i32>} : memref<1024x128xf32, #tpu.memory_space<vmem>>, vector<1024x128xf32>,
    return
  }
  func.func @transform_0(%arg0: i32) -> (i32, i32) {
    %c0_i32 = arith.constant 0 : i32
    %c0_i32_0 = arith.constant 0 : i32
    return %arg0, %c0_i32 : i32, i32
  }
  func.func @transform_1(%arg0: i32) -> (i32, i32) {
    %c0_i32 = arith.constant 0 : i32
    %c0_i32_0 = arith.constant 0 : i32
    %c0_i32_1 = arith.constant 0 : i32
    return %c0_i32, %c0_i32_0 : i32, i32
  }
  func.func @transform_2(%arg0: i32) -> (i32, i32) {
    %c0_i32 = arith.constant 0 : i32
    %c0_i32_0 = arith.constant 0 : i32
    %c0_i32_1 = arith.constant 0 : i32
    return %c0_i32, %c0_i32_0 : i32, i32
  }
  func.func @transform_3(%arg0: i32) -> (i32, i32) {
    %c0_i32 = arith.constant 0 : i32
    %c0_i32_0 = arith.constant 0 : i32
    return %arg0, %c0_i32 : i32, i32
  }
}

module attributes {stable_mosaic.version = 14 : i64} {
  func.func @_combine_body(%arg0: i32, %arg1: memref<1x1000x128xf32, #tpu.memory_space<vmem>>, %arg2: memref<1x1000x128xf32, #tpu.memory_space<vmem>>, %arg3: memref<1000x128xf32, #tpu.memory_space<vmem>>) attributes {dimension_semantics = [#tpu.dimension_semantics<arbitrary>], iteration_bounds = array<i64: 10>, scalar_prefetch = 0 : i64, scratch_operands = 0 : i64, tpu.core_type = #tpu.core_type<tc>, window_params = [{transform_indices = @transform_0, window_bounds = array<i64: 1, 1000, 128>}, {transform_indices = @transform_1, window_bounds = array<i64: 1, 1000, 128>}, {transform_indices = @transform_2, window_bounds = array<i64: 1000, 128>}]} {
    %get3A = arith.constant 0 : index
    %get3A_0 = arith.constant 0 : index
    %get3A_1 = arith.constant 0 : index
    %get3A_2 = vector.load %arg1[%get3A, %get3A_0, %get3A_1] : memref<1x1000x128xf32, #tpu.memory_space<vmem>>, vector<1x1000x128xf32>
    %get3A_3 = vector.shape_cast %get3A_2 : vector<1x1000x128xf32> to vector<1000x128xf32>
    %get3A_4 = arith.constant 0 : index
    %get3A_5 = arith.constant 0 : index
    %get3A_6 = arith.constant 0 : index
    %get3A_7 = vector.load %arg2[%get3A_4, %get3A_5, %get3A_6] : memref<1x1000x128xf32, #tpu.memory_space<vmem>>, vector<1x1000x128xf32>
    %get3A_8 = vector.shape_cast %get3A_7 : vector<1x1000x128xf32> to vector<1000x128xf32>
    %add3A = arith.addf %get3A_3, %get3A_8 : vector<1000x128xf32>
    %max3A = arith.constant 0.000000e+00 : f32
    %max3A_9 = vector.broadcast %max3A : f32 to vector<1000x128xf32>
    %max3A_10 = arith.maximumf %add3A, %max3A_9 : vector<1000x128xf32>
    %swap3A = arith.constant 0 : index
    %swap3A_11 = arith.constant 0 : index
    %swap3A_12 = vector.load %arg3[%swap3A, %swap3A_11] : memref<1000x128xf32, #tpu.memory_space<vmem>>, vector<1000x128xf32>
    tpu.vector_store %arg3[%swap3A, %swap3A_11], %max3A_10 {strides = array<i32>} : memref<1000x128xf32, #tpu.memory_space<vmem>>, vector<1000x128xf32>,
    return
  }
  func.func @transform_0(%arg0: i32) -> (i32, i32, i32) {
    %c0_i32 = arith.constant 0 : i32
    %c0_i32_0 = arith.constant 0 : i32
    %c0_i32_1 = arith.constant 0 : i32
    return %c0_i32, %arg0, %c0_i32_0 : i32, i32, i32
  }
  func.func @transform_1(%arg0: i32) -> (i32, i32, i32) {
    %c1_i32 = arith.constant 1 : i32
    %c0_i32 = arith.constant 0 : i32
    %c0_i32_0 = arith.constant 0 : i32
    return %c1_i32, %arg0, %c0_i32 : i32, i32, i32
  }
  func.func @transform_2(%arg0: i32) -> (i32, i32) {
    %c0_i32 = arith.constant 0 : i32
    %c0_i32_0 = arith.constant 0 : i32
    return %arg0, %c0_i32 : i32, i32
  }
}

</mosaic_0001>

<sc_bundles>
// kernel: kernel.5.cloned.1.call-start
scs
__scs_entry_jumppad:
0x0: {  	(pc) =	sbr.rel $0x88, $3  }
0x1: {  	(tag) =	ssettag $0x0;
	lr =	simm.s32 $0x1  }
0x2: {  	[smem:$0x3F9D] =	sst lr;
	_ =	strace $0xD0000000  }
0x3: {  	_ = 	snop  }
0x4: {  	_ = 	snop  }
0x5: {  	_ = 	snop  }
0x6: {  	_ = 	snop  }
0x7: {  	_ = 	snop  }
__scs_overlays_trampoline_lowered:
0x8: {  	[smem:$0x3FAC] =	sst s0  }
0x9: {  	[smem:$0x3FAD] =	sst s1  }
0xa: {  	[smem:$0x3FAE] =	sst s2  }
0xb: {  	[smem:$0x3FAF] =	sst s3  }
0xc: {  	[smem:$0x3FB0] =	sst s4  }
0xd: {  	[smem:$0x3FB1] =	sst s5  }
0xe: {  	[smem:$0x3FB2] =	sst s6  }
0xf: {  	[smem:$0x3FB3] =	sst s7  }
0x10: {  	[smem:$0x3FB4] =	sst s8  }
0x11: {  	[smem:$0x3FB5] =	sst s9;
	s0 =	simm.s32 @!p0 $0x0  }
0x12: {  	s1 =	sld [smem:$0x3F9B];
	s0 =	simm.s32 @p0 $0x1  }
0x13: {  	[smem:$0x3FB6] =	sst s0;
	s0 =	simm.s32 @!p1 $0x0  }
0x14: {  	s2 =	sld [smem:$0x3F9A];
	s0 =	simm.s32 @p1 $0x1  }
0x15: {  	[smem:$0x3FB7] =	sst s0;
	s0 =	simm.s32 @!p2 $0x0  }
0x16: {  	s3 =	sld [smem:$0x3FDB];
	s0 =	simm.s32 @p2 $0x1  }
0x17: {  	s4 =	simm.s32 $0x1BF5;
	[smem:$0x3FB9] =	sst s0  }
0x18: {  	s0 =	sld [smem:$0x3F9C];
	_ =	swait.ge [sflag:s4], $0x0  }
0x19: {  	s7 =	sld [smem:$0x3F9D]  }
0x1a: {  	s8 =	sadd.s32 $0xFFFFE003, lr  }
0x1b: {  	s9 =	sadd.s32 $0xFFFFFEF7, lr;
	s5 =	simm.s32 $0xFFFFFFFF;
	p2 =	slt.u32 s8, $0xFFFFF086  }
0x1c: {  	p1 =	slt.u32 s9, $0xF7A;
	s5 =	simm.s32 @!p2 $0x0  }
0x1d: {  	s5 =	simm.s32 @p1 $0x1;
	p0 =	seq.s32 s7, s2  }
0x1e: {  	s7 =	smul.u32 @!p0 $0xF7A, s2;
	p2 =	seq.s32 @!p0 s5, $0x0  }
0x1f: {  	s9 =	smul.u32 $0xF7A, s1;
	s8 =	simm.s32 @!p0 $0x1BF5;
	p2 =	por !p2, p0  }
0x20: {  	[sflag:s8] =	ssyncset.s32 @!p0 $0xFFFFF086;
	s6 =	sadd.s32 @!p0 s3, s7;
	s7 =	simm.s32 @!p0 $0x108  }
0x21: {  	s3 =	sadd.s32 s3, s9;
	s6 =	sadd.s32 @!p0 $0x88, s6;
	s7 =	simm.s32 @p2 $0x1082  }
0x22: {  	[simem:s7], [sflag:s8] =	dma.local @!p0 [hbm:s6], $0xF7A  }
0x23: {  	s9 =	sor.u32 $0xD0000000, s2;
	s6 =	simm.s32 $0x108;
	_ =	swait.ge @!p0 [sflag:s8], $0x0  }
0x24: {  	s3 =	sadd.s32 $0x88, s3;
	s6 =	simm.s32 @!p1 $0x1082;
	[sflag:s4] =	ssyncset.s32 $0xFFFFF086  }
0x25: {  	[simem:s6], [sflag:s4] =	dma.local [hbm:s3], $0xF7A  }
0x26: {  	[smem:$0x3F9D] =	sst s1;
	(tag) =	ssettag s2;
	_ =	strace s9  }
0x27: {  	s1 =	sld [smem:$0x3FAD]  }
0x28: {  	s2 =	sld [smem:$0x3FAE]  }
0x29: {  	s4 =	sld [smem:$0x3FB0]  }
0x2a: {  	p0 =	seq.s32 s5, $0x0;
	s5 =	sld [smem:$0x3FB1]  }
0x2b: {  	s6 =	sld [smem:$0x3FB2]  }
0x2c: {  	s7 =	sld [smem:$0x3FB3]  }
0x2d: {  	s3 =	simm.s32 $0x108;
	s8 =	sld [smem:$0x3FB4]  }
0x2e: {  	s3 =	simm.s32 @!p0 $0x1082;
	s9 =	sld [smem:$0x3FB5]  }
0x2f: {  	lr =	sadd.s32 s0, s3;
	s0 =	sld [smem:$0x3FAC]  }
0x30: {  	s3 =	sld [smem:$0x3FAF]  }
0x31: {  	[smem:$0x3FB8] =	sst s10  }
0x32: {  	s10 =	sld [smem:$0x3FB6];
	_ =	sdelay $0x3  }
0x33: {  	p0 =	seq.s32 s10, $0x1;
	s10 =	sld [smem:$0x3FB8];
	_ =	sdelay $0x3  }
0x34: {  	[smem:$0x3FB8] =	sst s10  }
0x35: {  	s10 =	sld [smem:$0x3FB7];
	_ =	sdelay $0x3  }
0x36: {  	p1 =	seq.s32 s10, $0x1;
	s10 =	sld [smem:$0x3FB8];
	_ =	sdelay $0x3  }
0x37: {  	[smem:$0x3FB8] =	sst s10  }
0x38: {  	s10 =	sld [smem:$0x3FB9]  }
0x39: {  	_ = 	snop;
	(pc) =	sbr.ind lr, $3  }
0x3a: {  	_ = 	snop  }
0x3b: {  	_ = 	snop  }
0x3c: {  	p2 =	seq.s32 s10, $0x1;
	s10 =	sld [smem:$0x3FB8]  }
0x3d: {  	_ =	shalt  }
0x3e: {  	_ =	shalt  }
0x3f: {  	_ =	shalt  }
0x40: {  	_ =	shalt  }
0x41: {  	_ =	shalt  }
0x42: {  	_ =	shalt  }
0x43: {  	_ =	shalt  }
0x44: {  	_ =	shalt  }
0x45: {  	_ =	shalt  }
0x46: {  	_ =	shalt  }
0x47: {  	_ =	shalt  }
0x48: {  	_ =	shalt  }
0x49: {  	_ =	shalt  }
0x4a: {  	_ =	shalt  }
0x4b: {  	_ =	shalt  }
0x4c: {  	_ =	shalt  }
0x4d: {  	_ =	shalt  }
0x4e: {  	_ =	shalt  }
0x4f: {  	_ =	shalt  }
0x50: {  	_ =	shalt  }
0x51: {  	_ =	shalt  }
0x52: {  	_ =	shalt  }
0x53: {  	_ =	shalt  }
0x54: {  	_ =	shalt  }
0x55: {  	_ =	shalt  }
0x56: {  	_ =	shalt  }
0x57: {  	_ =	shalt  }
0x58: {  	_ =	shalt  }
0x59: {  	_ =	shalt  }
0x5a: {  	_ =	shalt  }
0x5b: {  	_ =	shalt  }
0x5c: {  	_ =	shalt  }
0x5d: {  	_ =	shalt  }
0x5e: {  	_ =	shalt  }
0x5f: {  	_ =	shalt  }
0x60: {  	_ =	shalt  }
0x61: {  	_ =	shalt  }
0x62: {  	_ =	shalt  }
0x63: {  	_ =	shalt  }
0x64: {  	_ =	shalt  }
0x65: {  	_ =	shalt  }
0x66: {  	_ =	shalt  }
0x67: {  	_ =	shalt  }
0x68: {  	_ =	shalt  }
0x69: {  	_ =	shalt  }
0x6a: {  	_ =	shalt  }
0x6b: {  	_ =	shalt  }
0x6c: {  	_ =	shalt  }
0x6d: {  	_ =	shalt  }
0x6e: {  	_ =	shalt  }
0x6f: {  	_ =	shalt  }
0x70: {  	_ =	shalt  }
0x71: {  	_ =	shalt  }
0x72: {  	_ =	shalt  }
0x73: {  	_ =	shalt  }
0x74: {  	_ =	shalt  }
0x75: {  	_ =	shalt  }
0x76: {  	_ =	shalt  }
0x77: {  	_ =	shalt  }
0x78: {  	_ =	shalt  }
0x79: {  	_ =	shalt  }
0x7a: {  	_ =	shalt  }
0x7b: {  	_ =	shalt  }
0x7c: {  	_ =	shalt  }
0x7d: {  	_ =	shalt  }
0x7e: {  	_ =	shalt  }
0x7f: {  	_ =	shalt  }
0x80: {  	_ =	shalt  }
0x81: {  	_ =	shalt  }
0x82: {  	_ =	shalt  }
0x83: {  	_ =	shalt  }
0x84: {  	_ =	shalt  }
0x85: {  	_ =	shalt  }
0x86: {  	_ =	shalt  }
0x87: {  	_ =	shalt  }
.Lfunc_end0:
.L_simem_size_0:
called_computation_lowered:
.L_overlay_start_0:
0x88: {  	s2 =	sld [smem:$0x3FD9]  }
0x89: {  	s3 =	sld [smem:$0x3FFE];
	_ =	sdelay $0x1  }
0x8a: {  	s1 =	srdreg.scid  }
0x8b: {  	s0 =	sand.u32 $0x1, s1  }
0x8c: {  	s17 =	sshll.u32 s0, $0xA;
	s2 =	sadd.s32 s3, s2  }
0x8d: {  	s2 =	sadd.s32 s2, s17  }
0x8e: {  	[smem:$0x3FC4] =	sst s2  }
0x8f: {  	_ = 	snop  }
0x90: {  	s2 =	sld [smem:$0x3FD0];
	(tm) =	ssettm $0x1  }
0x91: {  	s18 =	sld [smem:$0x3FFB];
	_ =	sdelay $0x3  }
0x92: {  	_ =	strace s18  }
0x93: {  	s3 =	sld [smem:$0x3FFC];
	_ =	sdelay $0x3  }
0x94: {  	_ =	strace s3  }
0x95: {  	s3 =	sld [smem:$0x3FFD];
	_ =	sdelay $0x3  }
0x96: {  	_ =	strace s3  }
0x97: {  	_ =	strace $0x8FFFFFFF  }
0x98: {  	s19 =	sld [smem:$0x3FDB];
	_ =	sdelay $0x1  }
0x99: {  	s4 =	simm.s32 $_scs_section_size  }
0x9a: {  	s5 =	simm.s32 $_size__tile_overlayer_lowered;
	s6 =	simm.s32 $_tile_overlayer_lowered  }
0x9b: {  	s22 =	simm.s32 $0x1BFF;
	s21 =	sshll.u32 s6, $0x1;
	s3 =	sadd.s32 s4, s19  }
0x9c: {  	s7 =	simm.s32 $0x0;
	s20 =	sshll.u32 s5, $0x1;
	s5 =	sadd.s32 s21, s3  }
0x9d: {  	[timem:s7], [sflag:s22] =	dma.local [hbm:s5], s20  }
0x9e: {  	_ =	swait.ge [sflag:s22], s20  }
0x9f: {  	s4 =	ssub.s32 $0x0, s20;
	[sflag:s22] =	ssyncset.done $0x0  }
0xa0: {  	[sflag:s22] =	ssyncadd.s32 s4;
	_ =	sdelay $0x1  }
0xa1: {  	s23 =	simm.s32 $0x1B8B  }
0xa2: {  	_ =	swait.ge [sflag:s23], $0x1  }
0xa3: {  	[sflag:s23] =	ssyncset.done $0x0  }
0xa4: {  	s25 =	simm.s32 $0x1B8E;
	s24 =	sld [smem:$0x3FFE];
	[sflag:s23] =	ssyncadd.s32 $0xFFFFFFFF  }
0xa5: {  	s26 =	simm.s32 $execute0_lowered;
	[smem:$0x3FD2] =	sst s25  }
0xa6: {  	s5 =	sshll.u32 s26, $0x1;
	_ =	strace $0x80000046;
	[dreg:$0x1] =	wrdreg $0xFFFFFFFF  }
0xa7: {  	s28 =	simm.s32 $_size_execute0_lowered;
	s3 =	sadd.s32 s3, s5;
	[dreg:$0x0] =	wrdreg $0x0  }
0xa8: {  	s5 =	sshll.u32 s28, $0x1;
	[dreg:$0x2] =	wrdreg s3  }
0xa9: {  	[dreg:$0x3] =	wrdreg s5  }
0xaa: {  	[dreg:$0x4] =	wrdreg $0xC0  }
0xab: {  	_ =	task [dreg:s7], $0x5FFFF  }
0xac: {  	[dreg:$0x1] =	wrdreg $0xFFFFFFFF  }
0xad: {  	[dreg:$0x0] =	wrdreg $0x60  }
0xae: {  	[dreg:$0x2] =	wrdreg s24  }
0xaf: {  	[dreg:$0x3] =	wrdreg s2  }
0xb0: {  	[dreg:$0x4] =	wrdreg $0xB4000  }
0xb1: {  	[dreg:$0x5] =	wrdreg $0x9  }
0xb2: {  	_ =	task.clear_ibuf [dreg:s7], $0x6FFFF;
	_ =	strace $0x90000046  }
0xb3: {  	s29 =	simm.s32 $0x9;
	_ =	strace $0x80000048  }
0xb4: {  	_ =	swait.ge [sflag:s29], $0x1  }
0xb5: {  	[sflag:s29] =	ssyncadd.s32 $0xFFFFFFFF  }
0xb6: {  	_ =	strace $0x90000048  }
0xb7: {  	_ =	sfence  }
0xb8: {  	s30 =	sld [smem:$0x0];
	_ =	sdelay $0x2  }
0xb9: {  	s31 =	sshll.u32 s1, $0xD;
	s1 =	sshrl.u32 s1, $0x2  }
0xba: {  	s3 =	sand.u32 $0x4000, s31;
	s1 =	sadd.s32 s1, s30  }
0xbb: {  	s0 =	sor.u32 s3, s0;
	s1 =	sshll.u32 s1, $0x11  }
0xbc: {  	s0 =	sor.u32 s1, s0  }
0xbd: {  	s0 =	sadd.s32 $0x8F2B, s0  }
0xbe: {  	[sflag:s0] =	ssyncadd.remote.s32 $0x1  }
0xbf: {  	_ =	sfence.sel $0xFFFF  }
0xc0: {  	[dreg:$0x0] =	wrdreg $0xFFFFFFFF;
	(pc) =	sbr.abs _section_cstart, $3  }
0xc1: {  	[dreg:$0x1] =	wrdreg $0xFFFFFFFF  }
0xc2: {  	_ =	task.clear_ibuf [dreg:s7], $0x2FFFF;
	_ =	strace $0x9FFFFFFF  }
0xc3: {  	(tm) =	ssettm $0x7FFFFFFF  }
tec
execute0_lowered:
.L_overlay_start_1:
0x0: {  	(tag) =	ssettag $0x1  }
0x1: {  	s0 =	srdreg.scid  }
0x2: {  	s2 =	rddreg [dreg:$0x0];
	s15 =	stileid.u32  }
0x3: {  	s3 =	rddreg [dreg:$0x1];
	s1 =	sand.u32 $0x1, s0;
	s4 =	smul.u32 $0x280, s15  }
0x4: {  	s5 =	sadd.s32 $0xB000, s2;
	s7 =	smul.u32 $0x14000, s15;
	s8 =	sadd.s32 $0x1000, s2  }
0x5: {  	s9 =	sadd.s32 $0x533000, s2;
	s23 =	sshll.u32 s15, $0x1;
	s25 =	sshrl.u32 s15, $0x2  }
0x6: {  	s2 =	sadd.s32 $0x33000, s2;
	s0 =	ssub.s32 $0x2, s1;
	s18 =	smul.u32 $0x140000, s1  }
0x7: {  	s6 =	sshrl.u32 s0, $0x1;
	s10 =	sshrl.u32 s7, $0x3;
	s11 =	sadd.s32 $0xA0, s4  }
0x8: {  	s12 =	sadd.s32 $0x140, s4;
	s4 =	sadd.s32 $0x1E0, s4;
	s0 =	ssub.s32 s0, s6  }
0x9: {  	s6 =	sor.u32 s1, s23;
	s10 =	sadd.s32 s5, s10;
	s24 =	sshll.u32 s11, $0x4  }
0xa: {  	s11 =	sshll.u32 s11, $0x7;
	s14 =	sshll.u32 s12, $0x7;
	s12 =	sshll.u32 s12, $0x4  }
0xb: {  	s21 =	sadd.s32 s7, s18;
	[dreg:$0x4] =	wrdreg s10;
	s10 =	sadd.s32 s5, s24  }
0xc: {  	s13 =	sshll.u32 s6, $0x7;
	s12 =	sadd.s32 s5, s12;
	s19 =	smul.u32 $0x28000, s6  }
0xd: {  	[dreg:$0x5] =	wrdreg s10;
	s10 =	smul.u32 $0x14000, s25;
	s13 =	sand.u32 $0x380, s13  }
0xe: {  	[dreg:$0x6] =	wrdreg s12;
	s12 =	sshll.u32 s4, $0x7;
	s4 =	sshll.u32 s4, $0x4  }
0xf: {  	s20 =	smul.u32 $0x140000, s6;
	s4 =	sadd.s32 s5, s4;
	s10 =	sor.u32 s10, s13  }
0x10: {  	s23 =	sadd.s32 s18, s11;
	[dreg:$0x7] =	wrdreg s4;
	s13 =	sshrl.u32 s10, $0x3  }
0x11: {  	s29 =	sadd.s32 $0x5000, s10;
	s30 =	sadd.s32 $0xA000, s10;
	s26 =	sadd.s32 s3, s13  }
0x12: {  	s4 =	sshrl.u32 s29, $0x3;
	s29 =	sshrl.u32 s20, $0x3;
	s20 =	rddreg [dreg:$0x2]  }
0x13: {  	s10 =	sadd.s32 $0xF000, s10;
	s13 =	sadd.s32 s8, s13;
	[dreg:$0x8] =	wrdreg s26  }
0x14: {  	s5 =	sshrl.u32 s30, $0x3;
	s16 =	sadd.s32 s3, s4;
	[dreg:$0xc] =	wrdreg s13  }
0x15: {  	s10 =	sshrl.u32 s10, $0x3;
	s17 =	sadd.s32 s3, s5;
	[dreg:$0x9] =	wrdreg s16  }
0x16: {  	s24 =	sshrl.u32 s23, $0x3;
	s3 =	sadd.s32 s3, s10;
	[dreg:$0xa] =	wrdreg s17  }
0x17: {  	s25 =	sadd.s32 s18, s14;
	s4 =	sadd.s32 s8, s4;
	[dreg:$0xb] =	wrdreg s3  }
0x18: {  	s30 =	smul.u32 $0x50000, s15;
	s5 =	sadd.s32 s8, s5;
	[dreg:$0xd] =	wrdreg s4  }
0x19: {  	s22 =	sadd.s32 s8, s10;
	s26 =	sshrl.u32 s25, $0x3;
	[dreg:$0xe] =	wrdreg s5  }
0x1a: {  	[dreg:$0xf] =	wrdreg s22;
	s5 =	sshrl.u32 s21, $0x3;
	s16 =	simm.s32 $0x0  }
0x1b: {  	s3 =	sadd.s32 s18, s12;
	s5 =	sadd.s32 s9, s5;
	[smem:$0x7FF] =	sst s16  }
0x1c: {  	s3 =	sshrl.u32 s3, $0x3;
	[dreg:$0x10] =	wrdreg s5;
	s5 =	sadd.s32 s9, s24  }
0x1d: {  	s4 =	sshrl.u32 s30, $0x2;
	s3 =	sadd.s32 s9, s3;
	[dreg:$0x11] =	wrdreg s5  }
0x1e: {  	s5 =	sadd.s32 s9, s26;
	[dreg:$0x13] =	wrdreg s3;
	s3 =	sadd.s32 s2, s29  }
0x1f: {  	s21 =	sadd.s32 s4, s20;
	[dreg:$0x12] =	wrdreg s5;
	s4 =	sadd.s32 $0xA000, s3  }
0x20: {  	s5 =	sadd.s32 $0x14000, s3;
	_ =	strace $0x80000047;
	[dreg:$0x14] =	wrdreg s4  }
0x21: {  	s6 =	sadd.s32 $0x1E000, s3;
	[dreg:$0x15] =	wrdreg s5  }
0x22: {  	s0 =	smax.u32 s0, $0x1;
	s18 =	sadd.s32 s2, s19;
	[dreg:$0x16] =	wrdreg s6  }
0x23: {  	s7 =	sadd.s32 $0xA00, s18;
	[dreg:$0x17] =	wrdreg s0  }
0x24: {  	s8 =	sadd.s32 $0xA000, s18;
	[dreg:$0x18] =	wrdreg s7  }
0x25: {  	s9 =	sadd.s32 $0xAA00, s18;
	[dreg:$0x19] =	wrdreg s8  }
0x26: {  	s10 =	sadd.s32 $0x14000, s18;
	[dreg:$0x1a] =	wrdreg s9  }
0x27: {  	s22 =	sadd.s32 s11, s20;
	s11 =	sadd.s32 $0x14A00, s18;
	[dreg:$0x1b] =	wrdreg s10  }
0x28: {  	s24 =	sadd.s32 s12, s20;
	s12 =	sadd.s32 $0x1E000, s18;
	[dreg:$0x1c] =	wrdreg s11  }
0x29: {  	s13 =	sadd.s32 $0x1EA00, s18;
	[dreg:$0x1d] =	wrdreg s12  }
0x2a: {  	s23 =	sadd.s32 s14, s20;
	s14 =	sadd.s32 $0x1400, s18;
	[dreg:$0x1e] =	wrdreg s13  }
0x2b: {  	s15 =	sadd.s32 $0xB400, s18;
	[dreg:$0x1f] =	wrdreg s14  }
0x2c: {  	s17 =	sadd.s32 $0x15400, s18;
	[smem:$0x7E8] =	sst s15  }
0x2d: {  	s25 =	sadd.s32 $0x1F400, s18;
	[smem:$0x7E9] =	sst s17  }
0x2e: {  	s26 =	sadd.s32 $0x1E00, s18;
	[smem:$0x7EA] =	sst s25  }
0x2f: {  	s29 =	sadd.s32 $0x2800, s18;
	[smem:$0x7EB] =	sst s26  }
0x30: {  	s2 =	sadd.s32 s30, s2;
	s30 =	sadd.s32 $0x3200, s18;
	[smem:$0x7EC] =	sst s29  }
0x31: {  	[smem:$0x7ED] =	sst s30;
	s4 =	sadd.s32 $0x3C00, s18  }
0x32: {  	s6 =	sadd.s32 $0x4600, s18;
	[smem:$0x7EE] =	sst s4  }
0x33: {  	s7 =	sadd.s32 $0x5000, s18;
	[smem:$0x7EF] =	sst s6  }
0x34: {  	s8 =	sadd.s32 $0x5A00, s18;
	[smem:$0x7F0] =	sst s7  }
0x35: {  	s9 =	sadd.s32 $0x6400, s18;
	[smem:$0x7F1] =	sst s8  }
0x36: {  	s10 =	sadd.s32 $0x6E00, s18;
	[smem:$0x7F2] =	sst s9  }
0x37: {  	s11 =	sadd.s32 $0x7800, s18;
	[smem:$0x7F3] =	sst s10  }
0x38: {  	s1 =	smul.u32 $0x28000, s1;
	s12 =	sadd.s32 $0x8200, s18;
	[smem:$0x7F4] =	sst s11  }
0x39: {  	s28 =	simm.s32 $0x3;
	s13 =	sadd.s32 $0x8C00, s18;
	[smem:$0x7F5] =	sst s12  }
0x3a: {  	s2 =	sadd.s32 s1, s2;
	s14 =	sadd.s32 $0x9600, s18;
	[smem:$0x7F6] =	sst s13  }
0x3b: {  	s5 =	sadd.s32 $0xBE00, s2;
	s15 =	sadd.s32 $0x12C00, s18;
	[smem:$0x7F7] =	sst s14  }
0x3c: {  	s31 =	sadd.s32 $0x15E00, s2;
	s17 =	sadd.s32 $0x13600, s18;
	[smem:$0x7F8] =	sst s15  }
0x3d: {  	s19 =	sadd.s32 $0x1FE00, s2;
	s25 =	sadd.s32 $0x1CC00, s18;
	[smem:$0x7F9] =	sst s17  }
0x3e: {  	s0 =	sadd.s32 $0xC800, s2;
	s26 =	sadd.s32 $0x1D600, s18;
	[smem:$0x7FA] =	sst s25  }
0x3f: {  	s1 =	sadd.s32 $0x16800, s2;
	s29 =	sadd.s32 $0x26C00, s18;
	[smem:$0x7FB] =	sst s26  }
0x40: {  	s2 =	sadd.s32 $0x20800, s2;
	s30 =	sadd.s32 $0x27600, s18;
	[smem:$0x7FC] =	sst s29  }
0x41: {  	[smem:$0x7FD] =	sst s30;
	s9 =	simm.s32 $0x1400;
	s10 =	simm.s32 $0x5  }
0x42: {  	s14 =	simm.s32 $0x80;
	s15 =	simm.s32 $0x400;
	s17 =	simm.s32 $0xA0  }
0x43: {  	s25 =	simm.s32 $0x6400;
	s26 =	simm.s32 $0x1;
	s4 =	simm.s32 $0x2  }
0x44: {  	v0 =	vimm.f32 $0.0e+00;
	s6 =	simm.s32 $0x4;
	s8 =	simm.s32 $0xA00;
	s12 =	simm.s32 $0x0  }
.LBB2_1:
0x45: {  	s3 =	rddreg [dreg:$0x4]  }
0x46: {  	[tilespmem:s9], [sflag:$0x5] =	stream.linear.gather [hbm4b:s3+s16], $0x5000, $0x38;
	[tilespmem:$0x1F400] =	vst v63  }
0x47: {  	_ =	swait.ge [sflag:s10], $0x5000  }
0x48: {  	[sflag:s10] =	ssyncset.done $0x0  }
0x49: {  	[sflag:s10] =	ssyncadd.s32 $0xFFFFB000  }
0x4a: {  	[spmem:s21] =	stream.linear.scatter [tilespmem:s9], [sflag:$0x5], $0x5000, $0x38;
	[tilespmem:$0x1F400] =	vst v63  }
0x4b: {  	_ =	swait.ge [sflag:s10], $0x5000  }
0x4c: {  	[sflag:s10] =	ssyncset.done $0x0  }
0x4d: {  	s29 =	rddreg [dreg:$0x5];
	[sflag:s10] =	ssyncadd.s32 $0xFFFFB000  }
0x4e: {  	[tilespmem:s9], [sflag:$0x5] =	stream.linear.gather [hbm4b:s29+s16], $0x5000, $0x38;
	[tilespmem:$0x1F400] =	vst v63  }
0x4f: {  	_ =	swait.ge [sflag:s10], $0x5000  }
0x50: {  	[sflag:s10] =	ssyncset.done $0x0  }
0x51: {  	[sflag:s10] =	ssyncadd.s32 $0xFFFFB000  }
0x52: {  	[spmem:s22] =	stream.linear.scatter [tilespmem:s9], [sflag:$0x5], $0x5000, $0x38;
	[tilespmem:$0x1F400] =	vst v63  }
0x53: {  	_ =	swait.ge [sflag:s10], $0x5000  }
0x54: {  	[sflag:s10] =	ssyncset.done $0x0  }
0x55: {  	s7 =	rddreg [dreg:$0x6];
	[sflag:s10] =	ssyncadd.s32 $0xFFFFB000  }
0x56: {  	[tilespmem:s9], [sflag:$0x5] =	stream.linear.gather [hbm4b:s7+s16], $0x5000, $0x38;
	[tilespmem:$0x1F400] =	vst v63  }
0x57: {  	_ =	swait.ge [sflag:s10], $0x5000  }
0x58: {  	[sflag:s10] =	ssyncset.done $0x0  }
0x59: {  	[sflag:s10] =	ssyncadd.s32 $0xFFFFB000  }
0x5a: {  	[spmem:s23] =	stream.linear.scatter [tilespmem:s9], [sflag:$0x5], $0x5000, $0x38;
	[tilespmem:$0x1F400] =	vst v63  }
0x5b: {  	_ =	swait.ge [sflag:s10], $0x5000  }
0x5c: {  	[sflag:s10] =	ssyncset.done $0x0  }
0x5d: {  	s11 =	rddreg [dreg:$0x7];
	[sflag:s10] =	ssyncadd.s32 $0xFFFFB000  }
0x5e: {  	[tilespmem:s9], [sflag:$0x5] =	stream.linear.gather [hbm4b:s11+s16], $0x5000, $0x38;
	[tilespmem:$0x1F400] =	vst v63  }
0x5f: {  	_ =	swait.ge [sflag:s10], $0x5000  }
0x60: {  	[sflag:s10] =	ssyncset.done $0x0  }
0x61: {  	[sflag:s10] =	ssyncadd.s32 $0xFFFFB000  }
0x62: {  	[spmem:s24] =	stream.linear.scatter [tilespmem:s9], [sflag:$0x5], $0x5000, $0x38;
	[tilespmem:$0x1F400] =	vst v63  }
0x63: {  	_ =	swait.ge [sflag:s10], $0x5000  }
0x64: {  	[sflag:s10] =	ssyncset.done $0x0  }
0x65: {  	[sflag:s10] =	ssyncadd.s32 $0xFFFFB000  }
0x66: {  	[bflag:$0x0] =	sbarrier.arrive $0xFFFF  }
0x67: {  	s13 =	rddreg [dreg:$0x8]  }
0x68: {  	[tilespmem:s16], [sflag:$0x5] =	stream.strided.gather [hbm4b:s13+s14], $0xA00, s15, s14, $0x38;
	[tilespmem:$0x1F400] =	vst v63  }
0x69: {  	_ =	swait.ge [sflag:s10], $0xA00  }
0x6a: {  	[sflag:s10] =	ssyncset.done $0x0  }
0x6b: {  	[sflag:s10] =	ssyncadd.s32 $0xFFFFF600  }
0x6c: {  	[tilespmem:s9], [sflag:$0x1] =	stream.indirect.gather [spmem:s20], $0x80, s16, s17, $0xb8;
	[tilespmem:$0x1F400] =	vst v63  }
0x6d: {  	_ = 	snop  }
0x6e: {  	[tilespmem:s25], [sflag:$0x2] =	stream.indirect.gather [spmem:s20], $0x80, s17, s17, $0xb8;
	[tilespmem:$0x1F400] =	vst v63  }
0x6f: {  	_ =	swait.ge [sflag:s26], $0x5000  }
0x70: {  	[sflag:s26] =	ssyncset.done $0x0  }
0x71: {  	[sflag:s26] =	ssyncadd.s32 $0xFFFFB000  }
0x72: {  	[hbm4b:s18+s16] =	stream.linear.scatter [tilespmem:s9], [sflag:$0x3], $0x5000, $0x38;
	[tilespmem:$0x1F400] =	vst v63  }
0x73: {  	_ =	swait.ge [sflag:s28], $0x5000  }
0x74: {  	[sflag:s28] =	ssyncset.done $0x0  }
0x75: {  	s7 =	simm.s32 $0x140;
	[sflag:s28] =	ssyncadd.s32 $0xFFFFB000  }
0x76: {  	[tilespmem:s9], [sflag:$0x1] =	stream.indirect.gather [spmem:s20], $0x80, s7, s17, $0xb8;
	[tilespmem:$0x1F400] =	vst v63  }
0x77: {  	_ =	swait.ge [sflag:s4], $0x5000  }
0x78: {  	[sflag:s4] =	ssyncset.done $0x0  }
0x79: {  	s29 =	rddreg [dreg:$0x18];
	[sflag:s4] =	ssyncadd.s32 $0xFFFFB000  }
0x7a: {  	[hbm4b:s29+s16] =	stream.linear.scatter [tilespmem:s25], [sflag:$0x4], $0x5000, $0x38;
	[tilespmem:$0x1F400] =	vst v63  }
0x7b: {  	_ =	swait.ge [sflag:s6], $0x5000  }
0x7c: {  	[sflag:s6] =	ssyncset.done $0x0  }
0x7d: {  	s11 =	simm.s32 $0x1E0;
	[sflag:s6] =	ssyncadd.s32 $0xFFFFB000  }
0x7e: {  	[tilespmem:s25], [sflag:$0x2] =	stream.indirect.gather [spmem:s20], $0x80, s11, s17, $0xb8;
	[tilespmem:$0x1F400] =	vst v63  }
0x7f: {  	_ =	swait.ge [sflag:s26], $0x5000  }
0x80: {  	[sflag:s26] =	ssyncset.done $0x0  }
0x81: {  	s13 =	rddreg [dreg:$0x1f];
	[sflag:s26] =	ssyncadd.s32 $0xFFFFB000  }
0x82: {  	[hbm4b:s13+s16] =	stream.linear.scatter [tilespmem:s9], [sflag:$0x3], $0x5000, $0x38;
	[tilespmem:$0x1F400] =	vst v63  }
0x83: {  	_ =	swait.ge [sflag:s28], $0x5000  }
0x84: {  	[sflag:s28] =	ssyncset.done $0x0  }
0x85: {  	s29 =	simm.s32 $0x280;
	[sflag:s28] =	ssyncadd.s32 $0xFFFFB000  }
0x86: {  	[tilespmem:s9], [sflag:$0x1] =	stream.indirect.gather [spmem:s20], $0x80, s29, s17, $0xb8;
	[tilespmem:$0x1F400] =	vst v63  }
0x87: {  	_ =	swait.ge [sflag:s4], $0x5000  }
0x88: {  	s11 =	sld [smem:$0x7EB]  }
0x89: {  	[sflag:s4] =	ssyncset.done $0x0  }
0x8a: {  	[sflag:s4] =	ssyncadd.s32 $0xFFFFB000  }
0x8b: {  	[hbm4b:s11+s16] =	stream.linear.scatter [tilespmem:s25], [sflag:$0x4], $0x5000, $0x38;
	[tilespmem:$0x1F400] =	vst v63  }
0x8c: {  	_ =	swait.ge [sflag:s6], $0x5000  }
0x8d: {  	[sflag:s6] =	ssyncset.done $0x0  }
0x8e: {  	s13 =	simm.s32 $0x320;
	[sflag:s6] =	ssyncadd.s32 $0xFFFFB000  }
0x8f: {  	[tilespmem:s25], [sflag:$0x2] =	stream.indirect.gather [spmem:s20], $0x80, s13, s17, $0xb8;
	[tilespmem:$0x1F400] =	vst v63  }
0x90: {  	_ =	swait.ge [sflag:s26], $0x5000  }
0x91: {  	s29 =	sld [smem:$0x7EC]  }
0x92: {  	[sflag:s26] =	ssyncset.done $0x0  }
0x93: {  	[sflag:s26] =	ssyncadd.s32 $0xFFFFB000  }
0x94: {  	[hbm4b:s29+s16] =	stream.linear.scatter [tilespmem:s9], [sflag:$0x3], $0x5000, $0x38;
	[tilespmem:$0x1F400] =	vst v63  }
0x95: {  	_ =	swait.ge [sflag:s28], $0x5000  }
0x96: {  	[sflag:s28] =	ssyncset.done $0x0  }
0x97: {  	s11 =	simm.s32 $0x3C0;
	[sflag:s28] =	ssyncadd.s32 $0xFFFFB000  }
0x98: {  	[tilespmem:s9], [sflag:$0x1] =	stream.indirect.gather [spmem:s20], $0x80, s11, s17, $0xb8;
	[tilespmem:$0x1F400] =	vst v63  }
0x99: {  	_ =	swait.ge [sflag:s4], $0x5000  }
0x9a: {  	s13 =	sld [smem:$0x7ED]  }
0x9b: {  	[sflag:s4] =	ssyncset.done $0x0  }
0x9c: {  	[sflag:s4] =	ssyncadd.s32 $0xFFFFB000  }
0x9d: {  	[hbm4b:s13+s16] =	stream.linear.scatter [tilespmem:s25], [sflag:$0x4], $0x5000, $0x38;
	[tilespmem:$0x1F400] =	vst v63  }
0x9e: {  	_ =	swait.ge [sflag:s6], $0x5000  }
0x9f: {  	[sflag:s6] =	ssyncset.done $0x0  }
0xa0: {  	s29 =	simm.s32 $0x460;
	[sflag:s6] =	ssyncadd.s32 $0xFFFFB000  }
0xa1: {  	[tilespmem:s25], [sflag:$0x2] =	stream.indirect.gather [spmem:s20], $0x80, s29, s17, $0xb8;
	[tilespmem:$0x1F400] =	vst v63  }
0xa2: {  	_ =	swait.ge [sflag:s26], $0x5000  }
0xa3: {  	s11 =	sld [smem:$0x7EE]  }
0xa4: {  	[sflag:s26] =	ssyncset.done $0x0  }
0xa5: {  	[sflag:s26] =	ssyncadd.s32 $0xFFFFB000  }
0xa6: {  	[hbm4b:s11+s16] =	stream.linear.scatter [tilespmem:s9], [sflag:$0x3], $0x5000, $0x38;
	[tilespmem:$0x1F400] =	vst v63  }
0xa7: {  	_ =	swait.ge [sflag:s28], $0x5000  }
0xa8: {  	[sflag:s28] =	ssyncset.done $0x0  }
0xa9: {  	s13 =	simm.s32 $0x500;
	[sflag:s28] =	ssyncadd.s32 $0xFFFFB000  }
0xaa: {  	[tilespmem:s9], [sflag:$0x1] =	stream.indirect.gather [spmem:s20], $0x80, s13, s17, $0xb8;
	[tilespmem:$0x1F400] =	vst v63  }
0xab: {  	_ =	swait.ge [sflag:s4], $0x5000  }
0xac: {  	s29 =	sld [smem:$0x7EF]  }
0xad: {  	[sflag:s4] =	ssyncset.done $0x0  }
0xae: {  	[sflag:s4] =	ssyncadd.s32 $0xFFFFB000  }
0xaf: {  	[hbm4b:s29+s16] =	stream.linear.scatter [tilespmem:s25], [sflag:$0x4], $0x5000, $0x38;
	[tilespmem:$0x1F400] =	vst v63  }
0xb0: {  	_ =	swait.ge [sflag:s6], $0x5000  }
0xb1: {  	[sflag:s6] =	ssyncset.done $0x0  }
0xb2: {  	s11 =	simm.s32 $0x5A0;
	[sflag:s6] =	ssyncadd.s32 $0xFFFFB000  }
0xb3: {  	[tilespmem:s25], [sflag:$0x2] =	stream.indirect.gather [spmem:s20], $0x80, s11, s17, $0xb8;
	[tilespmem:$0x1F400] =	vst v63  }
0xb4: {  	_ =	swait.ge [sflag:s26], $0x5000  }
0xb5: {  	s13 =	sld [smem:$0x7F0]  }
0xb6: {  	[sflag:s26] =	ssyncset.done $0x0  }
0xb7: {  	[sflag:s26] =	ssyncadd.s32 $0xFFFFB000  }
0xb8: {  	[hbm4b:s13+s16] =	stream.linear.scatter [tilespmem:s9], [sflag:$0x3], $0x5000, $0x38;
	[tilespmem:$0x1F400] =	vst v63  }
0xb9: {  	_ =	swait.ge [sflag:s28], $0x5000  }
0xba: {  	[sflag:s28] =	ssyncset.done $0x0  }
0xbb: {  	s29 =	simm.s32 $0x640;
	[sflag:s28] =	ssyncadd.s32 $0xFFFFB000  }
0xbc: {  	[tilespmem:s9], [sflag:$0x1] =	stream.indirect.gather [spmem:s20], $0x80, s29, s17, $0xb8;
	[tilespmem:$0x1F400] =	vst v63  }
0xbd: {  	_ =	swait.ge [sflag:s4], $0x5000  }
0xbe: {  	s11 =	sld [smem:$0x7F1]  }
0xbf: {  	[sflag:s4] =	ssyncset.done $0x0  }
0xc0: {  	[sflag:s4] =	ssyncadd.s32 $0xFFFFB000  }
0xc1: {  	[hbm4b:s11+s16] =	stream.linear.scatter [tilespmem:s25], [sflag:$0x4], $0x5000, $0x38;
	[tilespmem:$0x1F400] =	vst v63  }
0xc2: {  	_ =	swait.ge [sflag:s6], $0x5000  }
0xc3: {  	[sflag:s6] =	ssyncset.done $0x0  }
0xc4: {  	s13 =	simm.s32 $0x6E0;
	[sflag:s6] =	ssyncadd.s32 $0xFFFFB000  }
0xc5: {  	[tilespmem:s25], [sflag:$0x2] =	stream.indirect.gather [spmem:s20], $0x80, s13, s17, $0xb8;
	[tilespmem:$0x1F400] =	vst v63  }
0xc6: {  	_ =	swait.ge [sflag:s26], $0x5000  }
0xc7: {  	s29 =	sld [smem:$0x7F2]  }
0xc8: {  	[sflag:s26] =	ssyncset.done $0x0  }
0xc9: {  	[sflag:s26] =	ssyncadd.s32 $0xFFFFB000  }
0xca: {  	[hbm4b:s29+s16] =	stream.linear.scatter [tilespmem:s9], [sflag:$0x3], $0x5000, $0x38;
	[tilespmem:$0x1F400] =	vst v63  }
0xcb: {  	_ =	swait.ge [sflag:s28], $0x5000  }
0xcc: {  	[sflag:s28] =	ssyncset.done $0x0  }
0xcd: {  	s11 =	simm.s32 $0x780;
	[sflag:s28] =	ssyncadd.s32 $0xFFFFB000  }
0xce: {  	[tilespmem:s9], [sflag:$0x1] =	stream.indirect.gather [spmem:s20], $0x80, s11, s17, $0xb8;
	[tilespmem:$0x1F400] =	vst v63  }
0xcf: {  	_ =	swait.ge [sflag:s4], $0x5000  }
0xd0: {  	s13 =	sld [smem:$0x7F3]  }
0xd1: {  	[sflag:s4] =	ssyncset.done $0x0  }
0xd2: {  	[sflag:s4] =	ssyncadd.s32 $0xFFFFB000  }
0xd3: {  	[hbm4b:s13+s16] =	stream.linear.scatter [tilespmem:s25], [sflag:$0x4], $0x5000, $0x38;
	[tilespmem:$0x1F400] =	vst v63  }
0xd4: {  	_ =	swait.ge [sflag:s6], $0x5000  }
0xd5: {  	[sflag:s6] =	ssyncset.done $0x0  }
0xd6: {  	s29 =	simm.s32 $0x820;
	[sflag:s6] =	ssyncadd.s32 $0xFFFFB000  }
0xd7: {  	[tilespmem:s25], [sflag:$0x2] =	stream.indirect.gather [spmem:s20], $0x80, s29, s17, $0xb8;
	[tilespmem:$0x1F400] =	vst v63  }
0xd8: {  	_ =	swait.ge [sflag:s26], $0x5000  }
0xd9: {  	s11 =	sld [smem:$0x7F4]  }
0xda: {  	[sflag:s26] =	ssyncset.done $0x0  }
0xdb: {  	[sflag:s26] =	ssyncadd.s32 $0xFFFFB000  }
0xdc: {  	[hbm4b:s11+s16] =	stream.linear.scatter [tilespmem:s9], [sflag:$0x3], $0x5000, $0x38;
	[tilespmem:$0x1F400] =	vst v63  }
0xdd: {  	_ =	swait.ge [sflag:s28], $0x5000  }
0xde: {  	[sflag:s28] =	ssyncset.done $0x0  }
0xdf: {  	s13 =	simm.s32 $0x8C0;
	[sflag:s28] =	ssyncadd.s32 $0xFFFFB000  }
0xe0: {  	[tilespmem:s9], [sflag:$0x1] =	stream.indirect.gather [spmem:s20], $0x80, s13, s17, $0xb8;
	[tilespmem:$0x1F400] =	vst v63  }
0xe1: {  	_ =	swait.ge [sflag:s4], $0x5000  }
0xe2: {  	s29 =	sld [smem:$0x7F5]  }
0xe3: {  	[sflag:s4] =	ssyncset.done $0x0  }
0xe4: {  	[sflag:s4] =	ssyncadd.s32 $0xFFFFB000  }
0xe5: {  	[hbm4b:s29+s16] =	stream.linear.scatter [tilespmem:s25], [sflag:$0x4], $0x5000, $0x38;
	[tilespmem:$0x1F400] =	vst v63  }
0xe6: {  	_ =	swait.ge [sflag:s6], $0x5000  }
0xe7: {  	[sflag:s6] =	ssyncset.done $0x0  }
0xe8: {  	s11 =	simm.s32 $0x960;
	[sflag:s6] =	ssyncadd.s32 $0xFFFFB000  }
0xe9: {  	[tilespmem:s25], [sflag:$0x2] =	stream.indirect.gather [spmem:s20], $0x80, s11, s17, $0xb8;
	[tilespmem:$0x1F400] =	vst v63  }
0xea: {  	_ =	swait.ge [sflag:s26], $0x5000  }
0xeb: {  	s13 =	sld [smem:$0x7F6]  }
0xec: {  	[sflag:s26] =	ssyncset.done $0x0  }
0xed: {  	[sflag:s26] =	ssyncadd.s32 $0xFFFFB000  }
0xee: {  	[hbm4b:s13+s16] =	stream.linear.scatter [tilespmem:s9], [sflag:$0x3], $0x5000, $0x38;
	[tilespmem:$0x1F400] =	vst v63  }
0xef: {  	_ =	swait.ge [sflag:s28], $0x5000  }
0xf0: {  	[sflag:s28] =	ssyncset.done $0x0  }
0xf1: {  	[sflag:s28] =	ssyncadd.s32 $0xFFFFB000  }
0xf2: {  	_ =	swait.ge [sflag:s4], $0x5000  }
0xf3: {  	s29 =	sld [smem:$0x7F7]  }
0xf4: {  	[sflag:s4] =	ssyncset.done $0x0  }
0xf5: {  	[sflag:s4] =	ssyncadd.s32 $0xFFFFB000  }
0xf6: {  	[hbm4b:s29+s16] =	stream.linear.scatter [tilespmem:s25], [sflag:$0x4], $0x5000, $0x38;
	[tilespmem:$0x1F400] =	vst v63  }
0xf7: {  	_ =	swait.ge [sflag:s6], $0x5000  }
0xf8: {  	[sflag:s6] =	ssyncset.done $0x0  }
0xf9: {  	s11 =	rddreg [dreg:$0x9];
	[sflag:s6] =	ssyncadd.s32 $0xFFFFB000  }
0xfa: {  	[tilespmem:s16], [sflag:$0x5] =	stream.strided.gather [hbm4b:s11+s14], $0xA00, s15, s14, $0x38;
	[tilespmem:$0x1F400] =	vst v63  }
0xfb: {  	_ =	swait.ge [sflag:s10], $0xA00  }
0xfc: {  	[sflag:s10] =	ssyncset.done $0x0  }
0xfd: {  	[sflag:s10] =	ssyncadd.s32 $0xFFFFF600  }
0xfe: {  	[tilespmem:s9], [sflag:$0x1] =	stream.indirect.gather [spmem:s20], $0x80, s16, s17, $0xb8;
	[tilespmem:$0x1F400] =	vst v63  }
0xff: {  	_ = 	snop  }
0x100: {  	[tilespmem:s25], [sflag:$0x2] =	stream.indirect.gather [spmem:s20], $0x80, s17, s17, $0xb8;
	[tilespmem:$0x1F400] =	vst v63  }
0x101: {  	_ =	swait.ge [sflag:s26], $0x5000  }
0x102: {  	[sflag:s26] =	ssyncset.done $0x0  }
0x103: {  	s13 =	rddreg [dreg:$0x19];
	[sflag:s26] =	ssyncadd.s32 $0xFFFFB000  }
0x104: {  	[hbm4b:s13+s16] =	stream.linear.scatter [tilespmem:s9], [sflag:$0x3], $0x5000, $0x38;
	[tilespmem:$0x1F400] =	vst v63  }
0x105: {  	_ =	swait.ge [sflag:s28], $0x5000  }
0x106: {  	[sflag:s28] =	ssyncset.done $0x0  }
0x107: {  	[sflag:s28] =	ssyncadd.s32 $0xFFFFB000  }
0x108: {  	[tilespmem:s9], [sflag:$0x1] =	stream.indirect.gather [spmem:s20], $0x80, s7, s17, $0xb8;
	[tilespmem:$0x1F400] =	vst v63  }
0x109: {  	_ =	swait.ge [sflag:s4], $0x5000  }
0x10a: {  	[sflag:s4] =	ssyncset.done $0x0  }
0x10b: {  	s29 =	rddreg [dreg:$0x1a];
	[sflag:s4] =	ssyncadd.s32 $0xFFFFB000  }
0x10c: {  	[hbm4b:s29+s16] =	stream.linear.scatter [tilespmem:s25], [sflag:$0x4], $0x5000, $0x38;
	[tilespmem:$0x1F400] =	vst v63  }
0x10d: {  	_ =	swait.ge [sflag:s6], $0x5000  }
0x10e: {  	[sflag:s6] =	ssyncset.done $0x0  }
0x10f: {  	s7 =	simm.s32 $0x1E0;
	[sflag:s6] =	ssyncadd.s32 $0xFFFFB000  }
0x110: {  	[tilespmem:s25], [sflag:$0x2] =	stream.indirect.gather [spmem:s20], $0x80, s7, s17, $0xb8;
	[tilespmem:$0x1F400] =	vst v63  }
0x111: {  	_ =	swait.ge [sflag:s26], $0x5000  }
0x112: {  	[sflag:s26] =	ssyncset.done $0x0  }
0x113: {  	s13 =	sadd.s32 $0xFFFFF600, s5;
	[sflag:s26] =	ssyncadd.s32 $0xFFFFB000  }
0x114: {  	[hbm4b:s13+s16] =	stream.linear.scatter [tilespmem:s9], [sflag:$0x3], $0x5000, $0x38;
	[tilespmem:$0x1F400] =	vst v63  }
0x115: {  	_ =	swait.ge [sflag:s28], $0x5000  }
0x116: {  	[sflag:s28] =	ssyncset.done $0x0  }
0x117: {  	s29 =	simm.s32 $0x280;
	[sflag:s28] =	ssyncadd.s32 $0xFFFFB000  }
0x118: {  	[tilespmem:s9], [sflag:$0x1] =	stream.indirect.gather [spmem:s20], $0x80, s29, s17, $0xb8;
	[tilespmem:$0x1F400] =	vst v63  }
0x119: {  	_ =	swait.ge [sflag:s4], $0x5000  }
0x11a: {  	s30 =	smov.u32 s5;
	s3 =	sadd.s32 $0x1400, s5;
	[sflag:s4] =	ssyncset.done $0x0  }
0x11b: {  	s11 =	simm.s32 $0x140;
	s13 =	simm.s32 $0x500;
	[sflag:s4] =	ssyncadd.s32 $0xFFFFB000  }
.LBB2_2:
0x11c: {  	[hbm4b:s30+s16] =	stream.linear.scatter [tilespmem:s25], [sflag:$0x4], $0x5000, $0x38;
	[tilespmem:$0x1F400] =	vst v63  }
0x11d: {  	s30 =	smov.u32 s13;
	s13 =	sadd.s32 $0x500, s13;
	_ =	swait.ge [sflag:s6], $0x5000  }
0x11e: {  	s7 =	sshra.s32 s30, $0x2;
	p0 =	sne.s32 s13, $0x1E00;
	[sflag:s6] =	ssyncset.done $0x0  }
0x11f: {  	s30 =	smov.u32 s3;
	s29 =	sadd.s32 $0x1E0, s7;
	[sflag:s6] =	ssyncadd.s32 $0xFFFFB000  }
0x120: {  	[tilespmem:s25], [sflag:$0x2] =	stream.indirect.gather [spmem:s20], $0x80, s29, s17, $0xb8;
	[tilespmem:$0x1F400] =	vst v63  }
0x121: {  	_ =	swait.ge [sflag:s26], $0x5000  }
0x122: {  	[sflag:s26] =	ssyncset.done $0x0  }
0x123: {  	s29 =	sadd.s32 $0xFFFFF600, s3;
	[sflag:s26] =	ssyncadd.s32 $0xFFFFB000  }
0x124: {  	[hbm4b:s29+s16] =	stream.linear.scatter [tilespmem:s9], [sflag:$0x3], $0x5000, $0x38;
	[tilespmem:$0x1F400] =	vst v63  }
0x125: {  	_ =	swait.ge [sflag:s28], $0x5000  }
0x126: {  	[sflag:s28] =	ssyncset.done $0x0  }
.Ltmp0:
0x127: {  	s7 =	sadd.s32 $0x280, s7;
	[sflag:s28] =	ssyncadd.s32 $0xFFFFB000;
	(pc) =	sbr.rel @p0 .LBB2_2-.Ltmp0, $4  }
0x128: {  	[tilespmem:s9], [sflag:$0x1] =	stream.indirect.gather [spmem:s20], $0x80, s7, s17, $0xb8;
	[tilespmem:$0x1F400] =	vst v63  }
0x129: {  	_ =	swait.ge [sflag:s4], $0x5000  }
0x12a: {  	[sflag:s4] =	ssyncset.done $0x0  }
0x12b: {  	s3 =	sadd.s32 $0x1400, s3;
	[sflag:s4] =	ssyncadd.s32 $0xFFFFB000  }
0x12c: {  	[hbm4b:s30+s16] =	stream.linear.scatter [tilespmem:s25], [sflag:$0x4], $0x5000, $0x38;
	[tilespmem:$0x1F400] =	vst v63  }
0x12d: {  	_ =	swait.ge [sflag:s6], $0x5000  }
0x12e: {  	s3 =	sshra.s32 s13, $0x2;
	[sflag:s6] =	ssyncset.done $0x0  }
0x12f: {  	s3 =	sadd.s32 $0x1E0, s3;
	[sflag:s6] =	ssyncadd.s32 $0xFFFFB000  }
0x130: {  	[tilespmem:s25], [sflag:$0x2] =	stream.indirect.gather [spmem:s20], $0x80, s3, s17, $0xb8;
	[tilespmem:$0x1F400] =	vst v63  }
0x131: {  	_ =	swait.ge [sflag:s26], $0x5000  }
0x132: {  	s7 =	sld [smem:$0x7F8]  }
0x133: {  	[sflag:s26] =	ssyncset.done $0x0  }
0x134: {  	s3 =	simm.s32 $0x0;
	[sflag:s26] =	ssyncadd.s32 $0xFFFFB000  }
0x135: {  	[hbm4b:s7+s3] =	stream.linear.scatter [tilespmem:s9], [sflag:$0x3], $0x5000, $0x38;
	[tilespmem:$0x1F400] =	vst v63  }
0x136: {  	_ =	swait.ge [sflag:s28], $0x5000  }
0x137: {  	[sflag:s28] =	ssyncset.done $0x0  }
0x138: {  	[sflag:s28] =	ssyncadd.s32 $0xFFFFB000  }
0x139: {  	_ =	swait.ge [sflag:s4], $0x5000  }
0x13a: {  	s13 =	sld [smem:$0x7F9]  }
0x13b: {  	[sflag:s4] =	ssyncset.done $0x0  }
0x13c: {  	[sflag:s4] =	ssyncadd.s32 $0xFFFFB000  }
0x13d: {  	[hbm4b:s13+s3] =	stream.linear.scatter [tilespmem:s25], [sflag:$0x4], $0x5000, $0x38;
	[tilespmem:$0x1F400] =	vst v63  }
0x13e: {  	_ =	swait.ge [sflag:s6], $0x5000  }
0x13f: {  	[sflag:s6] =	ssyncset.done $0x0  }
0x140: {  	s29 =	rddreg [dreg:$0xa];
	[sflag:s6] =	ssyncadd.s32 $0xFFFFB000  }
0x141: {  	[tilespmem:s3], [sflag:$0x5] =	stream.strided.gather [hbm4b:s29+s14], $0xA00, s15, s14, $0x38;
	[tilespmem:$0x1F400] =	vst v63  }
0x142: {  	_ =	swait.ge [sflag:s10], $0xA00  }
0x143: {  	[sflag:s10] =	ssyncset.done $0x0  }
0x144: {  	[sflag:s10] =	ssyncadd.s32 $0xFFFFF600  }
0x145: {  	[tilespmem:s9], [sflag:$0x1] =	stream.indirect.gather [spmem:s20], $0x80, s3, s17, $0xb8;
	[tilespmem:$0x1F400] =	vst v63  }
0x146: {  	_ = 	snop  }
0x147: {  	[tilespmem:s25], [sflag:$0x2] =	stream.indirect.gather [spmem:s20], $0x80, s17, s17, $0xb8;
	[tilespmem:$0x1F400] =	vst v63  }
0x148: {  	_ =	swait.ge [sflag:s26], $0x5000  }
0x149: {  	[sflag:s26] =	ssyncset.done $0x0  }
0x14a: {  	s13 =	rddreg [dreg:$0x1b];
	[sflag:s26] =	ssyncadd.s32 $0xFFFFB000  }
0x14b: {  	[hbm4b:s13+s3] =	stream.linear.scatter [tilespmem:s9], [sflag:$0x3], $0x5000, $0x38;
	[tilespmem:$0x1F400] =	vst v63  }
0x14c: {  	_ =	swait.ge [sflag:s28], $0x5000  }
0x14d: {  	[sflag:s28] =	ssyncset.done $0x0  }
0x14e: {  	[sflag:s28] =	ssyncadd.s32 $0xFFFFB000  }
0x14f: {  	[tilespmem:s9], [sflag:$0x1] =	stream.indirect.gather [spmem:s20], $0x80, s11, s17, $0xb8;
	[tilespmem:$0x1F400] =	vst v63  }
0x150: {  	_ =	swait.ge [sflag:s4], $0x5000  }
0x151: {  	[sflag:s4] =	ssyncset.done $0x0  }
0x152: {  	s29 =	rddreg [dreg:$0x1c];
	[sflag:s4] =	ssyncadd.s32 $0xFFFFB000  }
0x153: {  	[hbm4b:s29+s3] =	stream.linear.scatter [tilespmem:s25], [sflag:$0x4], $0x5000, $0x38;
	[tilespmem:$0x1F400] =	vst v63  }
0x154: {  	_ =	swait.ge [sflag:s6], $0x5000  }
0x155: {  	[sflag:s6] =	ssyncset.done $0x0  }
0x156: {  	s7 =	simm.s32 $0x1E0;
	[sflag:s6] =	ssyncadd.s32 $0xFFFFB000  }
0x157: {  	[tilespmem:s25], [sflag:$0x2] =	stream.indirect.gather [spmem:s20], $0x80, s7, s17, $0xb8;
	[tilespmem:$0x1F400] =	vst v63  }
0x158: {  	_ =	swait.ge [sflag:s26], $0x5000  }
0x159: {  	[sflag:s26] =	ssyncset.done $0x0  }
0x15a: {  	s13 =	sadd.s32 $0xFFFFF600, s31;
	[sflag:s26] =	ssyncadd.s32 $0xFFFFB000  }
0x15b: {  	[hbm4b:s13+s16] =	stream.linear.scatter [tilespmem:s9], [sflag:$0x3], $0x5000, $0x38;
	[tilespmem:$0x1F400] =	vst v63  }
0x15c: {  	_ =	swait.ge [sflag:s28], $0x5000  }
0x15d: {  	[sflag:s28] =	ssyncset.done $0x0  }
0x15e: {  	s29 =	simm.s32 $0x280;
	[sflag:s28] =	ssyncadd.s32 $0xFFFFB000  }
0x15f: {  	[tilespmem:s9], [sflag:$0x1] =	stream.indirect.gather [spmem:s20], $0x80, s29, s17, $0xb8;
	[tilespmem:$0x1F400] =	vst v63  }
0x160: {  	_ =	swait.ge [sflag:s4], $0x5000  }
0x161: {  	s30 =	smov.u32 s31;
	[sflag:s4] =	ssyncset.done $0x0  }
0x162: {  	s3 =	sadd.s32 $0x1400, s31;
	s13 =	simm.s32 $0x500;
	[sflag:s4] =	ssyncadd.s32 $0xFFFFB000  }
.LBB2_4:
0x163: {  	[hbm4b:s30+s16] =	stream.linear.scatter [tilespmem:s25], [sflag:$0x4], $0x5000, $0x38;
	[tilespmem:$0x1F400] =	vst v63  }
0x164: {  	s7 =	smov.u32 s13;
	s13 =	sadd.s32 $0x500, s13;
	_ =	swait.ge [sflag:s6], $0x5000  }
0x165: {  	s7 =	sshra.s32 s7, $0x2;
	p0 =	sne.s32 s13, $0x1E00;
	[sflag:s6] =	ssyncset.done $0x0  }
0x166: {  	s30 =	smov.u32 s3;
	s29 =	sadd.s32 $0x1E0, s7;
	[sflag:s6] =	ssyncadd.s32 $0xFFFFB000  }
0x167: {  	[tilespmem:s25], [sflag:$0x2] =	stream.indirect.gather [spmem:s20], $0x80, s29, s17, $0xb8;
	[tilespmem:$0x1F400] =	vst v63  }
0x168: {  	_ =	swait.ge [sflag:s26], $0x5000  }
0x169: {  	[sflag:s26] =	ssyncset.done $0x0  }
0x16a: {  	s29 =	sadd.s32 $0xFFFFF600, s3;
	[sflag:s26] =	ssyncadd.s32 $0xFFFFB000  }
0x16b: {  	[hbm4b:s29+s16] =	stream.linear.scatter [tilespmem:s9], [sflag:$0x3], $0x5000, $0x38;
	[tilespmem:$0x1F400] =	vst v63  }
0x16c: {  	_ =	swait.ge [sflag:s28], $0x5000  }
0x16d: {  	[sflag:s28] =	ssyncset.done $0x0  }
.Ltmp1:
0x16e: {  	s7 =	sadd.s32 $0x280, s7;
	[sflag:s28] =	ssyncadd.s32 $0xFFFFB000;
	(pc) =	sbr.rel @p0 .LBB2_4-.Ltmp1, $4  }
0x16f: {  	[tilespmem:s9], [sflag:$0x1] =	stream.indirect.gather [spmem:s20], $0x80, s7, s17, $0xb8;
	[tilespmem:$0x1F400] =	vst v63  }
0x170: {  	_ =	swait.ge [sflag:s4], $0x5000  }
0x171: {  	[sflag:s4] =	ssyncset.done $0x0  }
0x172: {  	s3 =	sadd.s32 $0x1400, s3;
	[sflag:s4] =	ssyncadd.s32 $0xFFFFB000  }
0x173: {  	[hbm4b:s30+s16] =	stream.linear.scatter [tilespmem:s25], [sflag:$0x4], $0x5000, $0x38;
	[tilespmem:$0x1F400] =	vst v63  }
0x174: {  	_ =	swait.ge [sflag:s6], $0x5000  }
0x175: {  	s3 =	sshra.s32 s13, $0x2;
	[sflag:s6] =	ssyncset.done $0x0  }
0x176: {  	s3 =	sadd.s32 $0x1E0, s3;
	[sflag:s6] =	ssyncadd.s32 $0xFFFFB000  }
0x177: {  	[tilespmem:s25], [sflag:$0x2] =	stream.indirect.gather [spmem:s20], $0x80, s3, s17, $0xb8;
	[tilespmem:$0x1F400] =	vst v63  }
0x178: {  	_ =	swait.ge [sflag:s26], $0x5000  }
0x179: {  	s7 =	sld [smem:$0x7FA]  }
0x17a: {  	[sflag:s26] =	ssyncset.done $0x0  }
0x17b: {  	s3 =	simm.s32 $0x0;
	[sflag:s26] =	ssyncadd.s32 $0xFFFFB000  }
0x17c: {  	[hbm4b:s7+s3] =	stream.linear.scatter [tilespmem:s9], [sflag:$0x3], $0x5000, $0x38;
	[tilespmem:$0x1F400] =	vst v63  }
0x17d: {  	_ =	swait.ge [sflag:s28], $0x5000  }
0x17e: {  	[sflag:s28] =	ssyncset.done $0x0  }
0x17f: {  	[sflag:s28] =	ssyncadd.s32 $0xFFFFB000  }
0x180: {  	_ =	swait.ge [sflag:s4], $0x5000  }
0x181: {  	s13 =	sld [smem:$0x7FB]  }
0x182: {  	[sflag:s4] =	ssyncset.done $0x0  }
0x183: {  	[sflag:s4] =	ssyncadd.s32 $0xFFFFB000  }
0x184: {  	[hbm4b:s13+s3] =	stream.linear.scatter [tilespmem:s25], [sflag:$0x4], $0x5000, $0x38;
	[tilespmem:$0x1F400] =	vst v63  }
0x185: {  	_ =	swait.ge [sflag:s6], $0x5000  }
0x186: {  	[sflag:s6] =	ssyncset.done $0x0  }
0x187: {  	s29 =	rddreg [dreg:$0xb];
	[sflag:s6] =	ssyncadd.s32 $0xFFFFB000  }
0x188: {  	[tilespmem:s3], [sflag:$0x5] =	stream.strided.gather [hbm4b:s29+s14], $0xA00, s15, s14, $0x38;
	[tilespmem:$0x1F400] =	vst v63  }
0x189: {  	_ =	swait.ge [sflag:s10], $0xA00  }
0x18a: {  	[sflag:s10] =	ssyncset.done $0x0  }
0x18b: {  	[sflag:s10] =	ssyncadd.s32 $0xFFFFF600  }
0x18c: {  	[tilespmem:s9], [sflag:$0x1] =	stream.indirect.gather [spmem:s20], $0x80, s3, s17, $0xb8;
	[tilespmem:$0x1F400] =	vst v63  }
0x18d: {  	_ = 	snop  }
0x18e: {  	[tilespmem:s25], [sflag:$0x2] =	stream.indirect.gather [spmem:s20], $0x80, s17, s17, $0xb8;
	[tilespmem:$0x1F400] =	vst v63  }
0x18f: {  	_ =	swait.ge [sflag:s26], $0x5000  }
0x190: {  	[sflag:s26] =	ssyncset.done $0x0  }
0x191: {  	s13 =	rddreg [dreg:$0x1d];
	[sflag:s26] =	ssyncadd.s32 $0xFFFFB000  }
0x192: {  	[hbm4b:s13+s3] =	stream.linear.scatter [tilespmem:s9], [sflag:$0x3], $0x5000, $0x38;
	[tilespmem:$0x1F400] =	vst v63  }
0x193: {  	_ =	swait.ge [sflag:s28], $0x5000  }
0x194: {  	[sflag:s28] =	ssyncset.done $0x0  }
0x195: {  	[sflag:s28] =	ssyncadd.s32 $0xFFFFB000  }
0x196: {  	[tilespmem:s9], [sflag:$0x1] =	stream.indirect.gather [spmem:s20], $0x80, s11, s17, $0xb8;
	[tilespmem:$0x1F400] =	vst v63  }
0x197: {  	_ =	swait.ge [sflag:s4], $0x5000  }
0x198: {  	[sflag:s4] =	ssyncset.done $0x0  }
0x199: {  	s29 =	rddreg [dreg:$0x1e];
	[sflag:s4] =	ssyncadd.s32 $0xFFFFB000  }
0x19a: {  	[hbm4b:s29+s3] =	stream.linear.scatter [tilespmem:s25], [sflag:$0x4], $0x5000, $0x38;
	[tilespmem:$0x1F400] =	vst v63  }
0x19b: {  	_ =	swait.ge [sflag:s6], $0x5000  }
0x19c: {  	[sflag:s6] =	ssyncset.done $0x0  }
0x19d: {  	s11 =	simm.s32 $0x1E0;
	[sflag:s6] =	ssyncadd.s32 $0xFFFFB000  }
0x19e: {  	[tilespmem:s25], [sflag:$0x2] =	stream.indirect.gather [spmem:s20], $0x80, s11, s17, $0xb8;
	[tilespmem:$0x1F400] =	vst v63  }
0x19f: {  	_ =	swait.ge [sflag:s26], $0x5000  }
0x1a0: {  	[sflag:s26] =	ssyncset.done $0x0  }
0x1a1: {  	s13 =	sadd.s32 $0xFFFFF600, s19;
	[sflag:s26] =	ssyncadd.s32 $0xFFFFB000  }
0x1a2: {  	[hbm4b:s13+s16] =	stream.linear.scatter [tilespmem:s9], [sflag:$0x3], $0x5000, $0x38;
	[tilespmem:$0x1F400] =	vst v63  }
0x1a3: {  	_ =	swait.ge [sflag:s28], $0x5000  }
0x1a4: {  	[sflag:s28] =	ssyncset.done $0x0  }
0x1a5: {  	s29 =	simm.s32 $0x280;
	[sflag:s28] =	ssyncadd.s32 $0xFFFFB000  }
0x1a6: {  	[tilespmem:s9], [sflag:$0x1] =	stream.indirect.gather [spmem:s20], $0x80, s29, s17, $0xb8;
	[tilespmem:$0x1F400] =	vst v63  }
0x1a7: {  	_ =	swait.ge [sflag:s4], $0x5000  }
0x1a8: {  	s30 =	smov.u32 s19;
	[sflag:s4] =	ssyncset.done $0x0  }
0x1a9: {  	s3 =	sadd.s32 $0x1400, s19;
	s13 =	simm.s32 $0x500;
	[sflag:s4] =	ssyncadd.s32 $0xFFFFB000  }
.LBB2_6:
0x1aa: {  	[hbm4b:s30+s16] =	stream.linear.scatter [tilespmem:s25], [sflag:$0x4], $0x5000, $0x38;
	[tilespmem:$0x1F400] =	vst v63  }
0x1ab: {  	s7 =	smov.u32 s13;
	s13 =	sadd.s32 $0x500, s13;
	_ =	swait.ge [sflag:s6], $0x5000  }
0x1ac: {  	s7 =	sshra.s32 s7, $0x2;
	p0 =	sne.s32 s13, $0x1E00;
	[sflag:s6] =	ssyncset.done $0x0  }
0x1ad: {  	s30 =	smov.u32 s3;
	s29 =	sadd.s32 $0x1E0, s7;
	[sflag:s6] =	ssyncadd.s32 $0xFFFFB000  }
0x1ae: {  	[tilespmem:s25], [sflag:$0x2] =	stream.indirect.gather [spmem:s20], $0x80, s29, s17, $0xb8;
	[tilespmem:$0x1F400] =	vst v63  }
0x1af: {  	_ =	swait.ge [sflag:s26], $0x5000  }
0x1b0: {  	[sflag:s26] =	ssyncset.done $0x0  }
0x1b1: {  	s29 =	sadd.s32 $0xFFFFF600, s3;
	[sflag:s26] =	ssyncadd.s32 $0xFFFFB000  }
0x1b2: {  	[hbm4b:s29+s16] =	stream.linear.scatter [tilespmem:s9], [sflag:$0x3], $0x5000, $0x38;
	[tilespmem:$0x1F400] =	vst v63  }
0x1b3: {  	_ =	swait.ge [sflag:s28], $0x5000  }
0x1b4: {  	[sflag:s28] =	ssyncset.done $0x0  }
.Ltmp2:
0x1b5: {  	s7 =	sadd.s32 $0x280, s7;
	[sflag:s28] =	ssyncadd.s32 $0xFFFFB000;
	(pc) =	sbr.rel @p0 .LBB2_6-.Ltmp2, $4  }
0x1b6: {  	[tilespmem:s9], [sflag:$0x1] =	stream.indirect.gather [spmem:s20], $0x80, s7, s17, $0xb8;
	[tilespmem:$0x1F400] =	vst v63  }
0x1b7: {  	_ =	swait.ge [sflag:s4], $0x5000  }
0x1b8: {  	[sflag:s4] =	ssyncset.done $0x0  }
0x1b9: {  	s3 =	sadd.s32 $0x1400, s3;
	[sflag:s4] =	ssyncadd.s32 $0xFFFFB000  }
0x1ba: {  	[hbm4b:s30+s16] =	stream.linear.scatter [tilespmem:s25], [sflag:$0x4], $0x5000, $0x38;
	[tilespmem:$0x1F400] =	vst v63  }
0x1bb: {  	_ =	swait.ge [sflag:s6], $0x5000  }
0x1bc: {  	s3 =	sshra.s32 s13, $0x2;
	[sflag:s6] =	ssyncset.done $0x0  }
0x1bd: {  	s3 =	sadd.s32 $0x1E0, s3;
	[sflag:s6] =	ssyncadd.s32 $0xFFFFB000  }
0x1be: {  	[tilespmem:s25], [sflag:$0x2] =	stream.indirect.gather [spmem:s20], $0x80, s3, s17, $0xb8;
	[tilespmem:$0x1F400] =	vst v63  }
0x1bf: {  	_ =	swait.ge [sflag:s26], $0x5000  }
0x1c0: {  	s7 =	sld [smem:$0x7FC]  }
0x1c1: {  	[sflag:s26] =	ssyncset.done $0x0  }
0x1c2: {  	s29 =	simm.s32 $0x0;
	[sflag:s26] =	ssyncadd.s32 $0xFFFFB000  }
0x1c3: {  	[hbm4b:s7+s29] =	stream.linear.scatter [tilespmem:s9], [sflag:$0x3], $0x5000, $0x38;
	[tilespmem:$0x1F400] =	vst v63  }
0x1c4: {  	_ =	swait.ge [sflag:s28], $0x5000  }
0x1c5: {  	[sflag:s28] =	ssyncset.done $0x0  }
0x1c6: {  	[sflag:s28] =	ssyncadd.s32 $0xFFFFB000  }
0x1c7: {  	_ =	swait.ge [sflag:s4], $0x5000  }
0x1c8: {  	s30 =	sld [smem:$0x7FD]  }
0x1c9: {  	[sflag:s4] =	ssyncset.done $0x0  }
0x1ca: {  	[sflag:s4] =	ssyncadd.s32 $0xFFFFB000  }
0x1cb: {  	[hbm4b:s30+s29] =	stream.linear.scatter [tilespmem:s25], [sflag:$0x4], $0x5000, $0x38;
	[tilespmem:$0x1F400] =	vst v63  }
0x1cc: {  	_ =	swait.ge [sflag:s6], $0x5000  }
0x1cd: {  	[sflag:s6] =	ssyncset.done $0x0  }
0x1ce: {  	s13 =	simm.s32 $0x200;
	[sflag:s6] =	ssyncadd.s32 $0xFFFFB000  }
0x1cf: {  	s11 =	simm.s32 $0xAA0;
	s3 =	simm.s32 $0x0;
	[bflag:$0x0] =	sbarrier.arrive $0xFFFF  }
.LBB2_8:
0x1d0: {  	p0 =	sne.s32 s13, $0x13E00;
	[tilespmem:s3+$0x1470] =	vst v0  }
0x1d1: {  	[tilespmem:s3+$0x1400] =	vst v0  }
0x1d2: {  	[tilespmem:s3+$0x1410] =	vst v0  }
.Ltmp3:
0x1d3: {  	[tilespmem:s3+$0x1420] =	vst v0;
	(pc) =	sbr.rel @p0 .LBB2_8-.Ltmp3, $4  }
0x1d4: {  	[tilespmem:s3+$0x1430] =	vst v0  }
0x1d5: {  	[tilespmem:s3+$0x1440] =	vst v0  }
0x1d6: {  	[tilespmem:s3+$0x1450] =	vst v0  }
0x1d7: {  	[tilespmem:s3+$0x1460] =	vst v0;
	s3 =	sshra.s32 s13, $0x2;
	s13 =	sadd.s32 $0x200, s13  }
0x1d8: {  	[tilespmem:s3+$0x1470] =	vst v0  }
0x1d9: {  	[tilespmem:s3+$0x1400] =	vst v0  }
0x1da: {  	[tilespmem:s3+$0x1410] =	vst v0  }
0x1db: {  	[tilespmem:s3+$0x1420] =	vst v0  }
0x1dc: {  	[tilespmem:s3+$0x1430] =	vst v0  }
0x1dd: {  	[tilespmem:s3+$0x1440] =	vst v0  }
0x1de: {  	[tilespmem:s3+$0x1450] =	vst v0  }
0x1df: {  	[tilespmem:s3+$0x1460] =	vst v0  }
0x1e0: {  	[spmem:s21] =	stream.linear.scatter [tilespmem:s9], [sflag:$0x5], $0x5000, $0x38;
	[tilespmem:$0x1F400] =	vst v63  }
0x1e1: {  	_ =	swait.ge [sflag:s10], $0x5000  }
0x1e2: {  	[sflag:s10] =	ssyncset.done $0x0  }
0x1e3: {  	[sflag:s10] =	ssyncadd.s32 $0xFFFFB000  }
0x1e4: {  	[spmem:s22] =	stream.linear.scatter [tilespmem:s9], [sflag:$0x5], $0x5000, $0x38;
	[tilespmem:$0x1F400] =	vst v63  }
0x1e5: {  	_ =	swait.ge [sflag:s10], $0x5000  }
0x1e6: {  	[sflag:s10] =	ssyncset.done $0x0  }
0x1e7: {  	[sflag:s10] =	ssyncadd.s32 $0xFFFFB000  }
0x1e8: {  	[spmem:s23] =	stream.linear.scatter [tilespmem:s9], [sflag:$0x5], $0x5000, $0x38;
	[tilespmem:$0x1F400] =	vst v63  }
0x1e9: {  	_ =	swait.ge [sflag:s10], $0x5000  }
0x1ea: {  	[sflag:s10] =	ssyncset.done $0x0  }
0x1eb: {  	[sflag:s10] =	ssyncadd.s32 $0xFFFFB000  }
0x1ec: {  	[spmem:s24] =	stream.linear.scatter [tilespmem:s9], [sflag:$0x5], $0x5000, $0x38;
	[tilespmem:$0x1F400] =	vst v63  }
0x1ed: {  	_ =	swait.ge [sflag:s10], $0x5000  }
0x1ee: {  	[sflag:s10] =	ssyncset.done $0x0  }
0x1ef: {  	[sflag:s10] =	ssyncadd.s32 $0xFFFFB000  }
0x1f0: {  	[bflag:$0x0] =	sbarrier.arrive $0xFFFF  }
0x1f1: {  	s29 =	rddreg [dreg:$0xc]  }
0x1f2: {  	[tilespmem:s8], [sflag:$0x5] =	stream.strided.gather [hbm4b:s29+s14], $0xA00, s15, s14, $0x38;
	[tilespmem:$0x1F400] =	vst v63  }
0x1f3: {  	_ =	swait.ge [sflag:s10], $0xA00  }
0x1f4: {  	[sflag:s10] =	ssyncset.done $0x0  }
0x1f5: {  	s13 =	simm.s32 $0x0;
	[sflag:s10] =	ssyncadd.s32 $0xFFFFF600  }
0x1f6: {  	[tilespmem:s9], [sflag:$0x1] =	stream.linear.gather [hbm4b:s18+s13], $0x5000, $0x38;
	[tilespmem:$0x1F400] =	vst v63  }
0x1f7: {  	s7 =	rddreg [dreg:$0x18]  }
0x1f8: {  	[tilespmem:s25], [sflag:$0x2] =	stream.linear.gather [hbm4b:s7+s13], $0x5000, $0x38;
	[tilespmem:$0x1F400] =	vst v63  }
0x1f9: {  	_ =	swait.ge [sflag:s26], $0x5000  }
0x1fa: {  	[sflag:s26] =	ssyncset.done $0x0  }
0x1fb: {  	[sflag:s26] =	ssyncadd.s32 $0xFFFFB000  }
0x1fc: {  	[spmem:s20] =	stream.indirect.scatter.add.f32 [tilespmem:s9], [sflag:$0x3], $0x80, s8, s17, $0xb8;
	[tilespmem:$0x1F400] =	vst v63  }
0x1fd: {  	_ =	swait.ge [sflag:s28], $0x5000  }
0x1fe: {  	[sflag:s28] =	ssyncset.done $0x0  }
0x1ff: {  	s29 =	rddreg [dreg:$0x1f];
	[sflag:s28] =	ssyncadd.s32 $0xFFFFB000  }
0x200: {  	[tilespmem:s9], [sflag:$0x1] =	stream.linear.gather [hbm4b:s29+s13], $0x5000, $0x38;
	[tilespmem:$0x1F400] =	vst v63  }
0x201: {  	_ =	swait.ge [sflag:s4], $0x5000  }
0x202: {  	[sflag:s4] =	ssyncset.done $0x0  }
0x203: {  	[sflag:s4] =	ssyncadd.s32 $0xFFFFB000  }
0x204: {  	[spmem:s20] =	stream.indirect.scatter.add.f32 [tilespmem:s25], [sflag:$0x4], $0x80, s11, s17, $0xb8;
	[tilespmem:$0x1F400] =	vst v63  }
0x205: {  	_ =	swait.ge [sflag:s6], $0x5000  }
0x206: {  	s7 =	sld [smem:$0x7EB]  }
0x207: {  	[sflag:s6] =	ssyncset.done $0x0  }
0x208: {  	[sflag:s6] =	ssyncadd.s32 $0xFFFFB000  }
0x209: {  	[tilespmem:s25], [sflag:$0x2] =	stream.linear.gather [hbm4b:s7+s13], $0x5000, $0x38;
	[tilespmem:$0x1F400] =	vst v63  }
0x20a: {  	_ =	swait.ge [sflag:s26], $0x5000  }
0x20b: {  	[sflag:s26] =	ssyncset.done $0x0  }
0x20c: {  	s29 =	simm.s32 $0xB40;
	[sflag:s26] =	ssyncadd.s32 $0xFFFFB000  }
0x20d: {  	[spmem:s20] =	stream.indirect.scatter.add.f32 [tilespmem:s9], [sflag:$0x3], $0x80, s29, s17, $0xb8;
	[tilespmem:$0x1F400] =	vst v63  }
0x20e: {  	_ =	swait.ge [sflag:s28], $0x5000  }
0x20f: {  	s7 =	sld [smem:$0x7EC]  }
0x210: {  	[sflag:s28] =	ssyncset.done $0x0  }
0x211: {  	[sflag:s28] =	ssyncadd.s32 $0xFFFFB000  }
0x212: {  	[tilespmem:s9], [sflag:$0x1] =	stream.linear.gather [hbm4b:s7+s13], $0x5000, $0x38;
	[tilespmem:$0x1F400] =	vst v63  }
0x213: {  	_ =	swait.ge [sflag:s4], $0x5000  }
0x214: {  	[sflag:s4] =	ssyncset.done $0x0  }
0x215: {  	s29 =	simm.s32 $0xBE0;
	[sflag:s4] =	ssyncadd.s32 $0xFFFFB000  }
0x216: {  	[spmem:s20] =	stream.indirect.scatter.add.f32 [tilespmem:s25], [sflag:$0x4], $0x80, s29, s17, $0xb8;
	[tilespmem:$0x1F400] =	vst v63  }
0x217: {  	_ =	swait.ge [sflag:s6], $0x5000  }
0x218: {  	s7 =	sld [smem:$0x7ED]  }
0x219: {  	[sflag:s6] =	ssyncset.done $0x0  }
0x21a: {  	[sflag:s6] =	ssyncadd.s32 $0xFFFFB000  }
0x21b: {  	[tilespmem:s25], [sflag:$0x2] =	stream.linear.gather [hbm4b:s7+s13], $0x5000, $0x38;
	[tilespmem:$0x1F400] =	vst v63  }
0x21c: {  	_ =	swait.ge [sflag:s26], $0x5000  }
0x21d: {  	[sflag:s26] =	ssyncset.done $0x0  }
0x21e: {  	s29 =	simm.s32 $0xC80;
	[sflag:s26] =	ssyncadd.s32 $0xFFFFB000  }
0x21f: {  	[spmem:s20] =	stream.indirect.scatter.add.f32 [tilespmem:s9], [sflag:$0x3], $0x80, s29, s17, $0xb8;
	[tilespmem:$0x1F400] =	vst v63  }
0x220: {  	_ =	swait.ge [sflag:s28], $0x5000  }
0x221: {  	s7 =	sld [smem:$0x7EE]  }
0x222: {  	[sflag:s28] =	ssyncset.done $0x0  }
0x223: {  	[sflag:s28] =	ssyncadd.s32 $0xFFFFB000  }
0x224: {  	[tilespmem:s9], [sflag:$0x1] =	stream.linear.gather [hbm4b:s7+s13], $0x5000, $0x38;
	[tilespmem:$0x1F400] =	vst v63  }
0x225: {  	_ =	swait.ge [sflag:s4], $0x5000  }
0x226: {  	[sflag:s4] =	ssyncset.done $0x0  }
0x227: {  	s29 =	simm.s32 $0xD20;
	[sflag:s4] =	ssyncadd.s32 $0xFFFFB000  }
0x228: {  	[spmem:s20] =	stream.indirect.scatter.add.f32 [tilespmem:s25], [sflag:$0x4], $0x80, s29, s17, $0xb8;
	[tilespmem:$0x1F400] =	vst v63  }
0x229: {  	_ =	swait.ge [sflag:s6], $0x5000  }
0x22a: {  	s7 =	sld [smem:$0x7EF]  }
0x22b: {  	[sflag:s6] =	ssyncset.done $0x0  }
0x22c: {  	[sflag:s6] =	ssyncadd.s32 $0xFFFFB000  }
0x22d: {  	[tilespmem:s25], [sflag:$0x2] =	stream.linear.gather [hbm4b:s7+s13], $0x5000, $0x38;
	[tilespmem:$0x1F400] =	vst v63  }
0x22e: {  	_ =	swait.ge [sflag:s26], $0x5000  }
0x22f: {  	[sflag:s26] =	ssyncset.done $0x0  }
0x230: {  	s29 =	simm.s32 $0xDC0;
	[sflag:s26] =	ssyncadd.s32 $0xFFFFB000  }
0x231: {  	[spmem:s20] =	stream.indirect.scatter.add.f32 [tilespmem:s9], [sflag:$0x3], $0x80, s29, s17, $0xb8;
	[tilespmem:$0x1F400] =	vst v63  }
0x232: {  	_ =	swait.ge [sflag:s28], $0x5000  }
0x233: {  	s7 =	sld [smem:$0x7F0]  }
0x234: {  	[sflag:s28] =	ssyncset.done $0x0  }
0x235: {  	[sflag:s28] =	ssyncadd.s32 $0xFFFFB000  }
0x236: {  	[tilespmem:s9], [sflag:$0x1] =	stream.linear.gather [hbm4b:s7+s13], $0x5000, $0x38;
	[tilespmem:$0x1F400] =	vst v63  }
0x237: {  	_ =	swait.ge [sflag:s4], $0x5000  }
0x238: {  	[sflag:s4] =	ssyncset.done $0x0  }
0x239: {  	s29 =	simm.s32 $0xE60;
	[sflag:s4] =	ssyncadd.s32 $0xFFFFB000  }
0x23a: {  	[spmem:s20] =	stream.indirect.scatter.add.f32 [tilespmem:s25], [sflag:$0x4], $0x80, s29, s17, $0xb8;
	[tilespmem:$0x1F400] =	vst v63  }
0x23b: {  	_ =	swait.ge [sflag:s6], $0x5000  }
0x23c: {  	s7 =	sld [smem:$0x7F1]  }
0x23d: {  	[sflag:s6] =	ssyncset.done $0x0  }
0x23e: {  	[sflag:s6] =	ssyncadd.s32 $0xFFFFB000  }
0x23f: {  	[tilespmem:s25], [sflag:$0x2] =	stream.linear.gather [hbm4b:s7+s13], $0x5000, $0x38;
	[tilespmem:$0x1F400] =	vst v63  }
0x240: {  	_ =	swait.ge [sflag:s26], $0x5000  }
0x241: {  	[sflag:s26] =	ssyncset.done $0x0  }
0x242: {  	s29 =	simm.s32 $0xF00;
	[sflag:s26] =	ssyncadd.s32 $0xFFFFB000  }
0x243: {  	[spmem:s20] =	stream.indirect.scatter.add.f32 [tilespmem:s9], [sflag:$0x3], $0x80, s29, s17, $0xb8;
	[tilespmem:$0x1F400] =	vst v63  }
0x244: {  	_ =	swait.ge [sflag:s28], $0x5000  }
0x245: {  	s7 =	sld [smem:$0x7F2]  }
0x246: {  	[sflag:s28] =	ssyncset.done $0x0  }
0x247: {  	[sflag:s28] =	ssyncadd.s32 $0xFFFFB000  }
0x248: {  	[tilespmem:s9], [sflag:$0x1] =	stream.linear.gather [hbm4b:s7+s13], $0x5000, $0x38;
	[tilespmem:$0x1F400] =	vst v63  }
0x249: {  	_ =	swait.ge [sflag:s4], $0x5000  }
0x24a: {  	[sflag:s4] =	ssyncset.done $0x0  }
0x24b: {  	s29 =	simm.s32 $0xFA0;
	[sflag:s4] =	ssyncadd.s32 $0xFFFFB000  }
0x24c: {  	[spmem:s20] =	stream.indirect.scatter.add.f32 [tilespmem:s25], [sflag:$0x4], $0x80, s29, s17, $0xb8;
	[tilespmem:$0x1F400] =	vst v63  }
0x24d: {  	_ =	swait.ge [sflag:s6], $0x5000  }
0x24e: {  	s7 =	sld [smem:$0x7F3]  }
0x24f: {  	[sflag:s6] =	ssyncset.done $0x0  }
0x250: {  	[sflag:s6] =	ssyncadd.s32 $0xFFFFB000  }
0x251: {  	[tilespmem:s25], [sflag:$0x2] =	stream.linear.gather [hbm4b:s7+s13], $0x5000, $0x38;
	[tilespmem:$0x1F400] =	vst v63  }
0x252: {  	_ =	swait.ge [sflag:s26], $0x5000  }
0x253: {  	[sflag:s26] =	ssyncset.done $0x0  }
0x254: {  	s29 =	simm.s32 $0x1040;
	[sflag:s26] =	ssyncadd.s32 $0xFFFFB000  }
0x255: {  	[spmem:s20] =	stream.indirect.scatter.add.f32 [tilespmem:s9], [sflag:$0x3], $0x80, s29, s17, $0xb8;
	[tilespmem:$0x1F400] =	vst v63  }
0x256: {  	_ =	swait.ge [sflag:s28], $0x5000  }
0x257: {  	s7 =	sld [smem:$0x7F4]  }
0x258: {  	[sflag:s28] =	ssyncset.done $0x0  }
0x259: {  	[sflag:s28] =	ssyncadd.s32 $0xFFFFB000  }
0x25a: {  	[tilespmem:s9], [sflag:$0x1] =	stream.linear.gather [hbm4b:s7+s13], $0x5000, $0x38;
	[tilespmem:$0x1F400] =	vst v63  }
0x25b: {  	_ =	swait.ge [sflag:s4], $0x5000  }
0x25c: {  	[sflag:s4] =	ssyncset.done $0x0  }
0x25d: {  	s29 =	simm.s32 $0x10E0;
	[sflag:s4] =	ssyncadd.s32 $0xFFFFB000  }
0x25e: {  	[spmem:s20] =	stream.indirect.scatter.add.f32 [tilespmem:s25], [sflag:$0x4], $0x80, s29, s17, $0xb8;
	[tilespmem:$0x1F400] =	vst v63  }
0x25f: {  	_ =	swait.ge [sflag:s6], $0x5000  }
0x260: {  	s7 =	sld [smem:$0x7F5]  }
0x261: {  	[sflag:s6] =	ssyncset.done $0x0  }
0x262: {  	[sflag:s6] =	ssyncadd.s32 $0xFFFFB000  }
0x263: {  	[tilespmem:s25], [sflag:$0x2] =	stream.linear.gather [hbm4b:s7+s13], $0x5000, $0x38;
	[tilespmem:$0x1F400] =	vst v63  }
0x264: {  	_ =	swait.ge [sflag:s26], $0x5000  }
0x265: {  	[sflag:s26] =	ssyncset.done $0x0  }
0x266: {  	s29 =	simm.s32 $0x1180;
	[sflag:s26] =	ssyncadd.s32 $0xFFFFB000  }
0x267: {  	[spmem:s20] =	stream.indirect.scatter.add.f32 [tilespmem:s9], [sflag:$0x3], $0x80, s29, s17, $0xb8;
	[tilespmem:$0x1F400] =	vst v63  }
0x268: {  	_ =	swait.ge [sflag:s28], $0x5000  }
0x269: {  	s7 =	sld [smem:$0x7F6]  }
0x26a: {  	[sflag:s28] =	ssyncset.done $0x0  }
0x26b: {  	[sflag:s28] =	ssyncadd.s32 $0xFFFFB000  }
0x26c: {  	[tilespmem:s9], [sflag:$0x1] =	stream.linear.gather [hbm4b:s7+s13], $0x5000, $0x38;
	[tilespmem:$0x1F400] =	vst v63  }
0x26d: {  	_ =	swait.ge [sflag:s4], $0x5000  }
0x26e: {  	[sflag:s4] =	ssyncset.done $0x0  }
0x26f: {  	s29 =	simm.s32 $0x1220;
	[sflag:s4] =	ssyncadd.s32 $0xFFFFB000  }
0x270: {  	[spmem:s20] =	stream.indirect.scatter.add.f32 [tilespmem:s25], [sflag:$0x4], $0x80, s29, s17, $0xb8;
	[tilespmem:$0x1F400] =	vst v63  }
0x271: {  	_ =	swait.ge [sflag:s6], $0x5000  }
0x272: {  	s7 =	sld [smem:$0x7F7]  }
0x273: {  	[sflag:s6] =	ssyncset.done $0x0  }
0x274: {  	[sflag:s6] =	ssyncadd.s32 $0xFFFFB000  }
0x275: {  	[tilespmem:s25], [sflag:$0x2] =	stream.linear.gather [hbm4b:s7+s13], $0x5000, $0x38;
	[tilespmem:$0x1F400] =	vst v63  }
0x276: {  	_ =	swait.ge [sflag:s26], $0x5000  }
0x277: {  	[sflag:s26] =	ssyncset.done $0x0  }
0x278: {  	s29 =	simm.s32 $0x12C0;
	[sflag:s26] =	ssyncadd.s32 $0xFFFFB000  }
0x279: {  	[spmem:s20] =	stream.indirect.scatter.add.f32 [tilespmem:s9], [sflag:$0x3], $0x80, s29, s17, $0xb8;
	[tilespmem:$0x1F400] =	vst v63  }
0x27a: {  	_ =	swait.ge [sflag:s28], $0x5000  }
0x27b: {  	[sflag:s28] =	ssyncset.done $0x0  }
0x27c: {  	[sflag:s28] =	ssyncadd.s32 $0xFFFFB000  }
0x27d: {  	_ =	swait.ge [sflag:s4], $0x5000  }
0x27e: {  	[sflag:s4] =	ssyncset.done $0x0  }
0x27f: {  	s7 =	simm.s32 $0x1360;
	[sflag:s4] =	ssyncadd.s32 $0xFFFFB000  }
0x280: {  	[spmem:s20] =	stream.indirect.scatter.add.f32 [tilespmem:s25], [sflag:$0x4], $0x80, s7, s17, $0xb8;
	[tilespmem:$0x1F400] =	vst v63  }
0x281: {  	_ =	swait.ge [sflag:s6], $0x5000  }
0x282: {  	[sflag:s6] =	ssyncset.done $0x0  }
0x283: {  	s29 =	rddreg [dreg:$0xd];
	[sflag:s6] =	ssyncadd.s32 $0xFFFFB000  }
0x284: {  	[tilespmem:s8], [sflag:$0x5] =	stream.strided.gather [hbm4b:s29+s14], $0xA00, s15, s14, $0x38;
	[tilespmem:$0x1F400] =	vst v63  }
0x285: {  	_ =	swait.ge [sflag:s10], $0xA00  }
0x286: {  	[sflag:s10] =	ssyncset.done $0x0  }
0x287: {  	s7 =	rddreg [dreg:$0x14];
	[sflag:s10] =	ssyncadd.s32 $0xFFFFF600  }
0x288: {  	[tilespmem:s9], [sflag:$0x1] =	stream.linear.gather [hbm4b:s7+s13], $0x5000, $0x38;
	[tilespmem:$0x1F400] =	vst v63  }
0x289: {  	s29 =	rddreg [dreg:$0x1a]  }
0x28a: {  	[tilespmem:s25], [sflag:$0x2] =	stream.linear.gather [hbm4b:s29+s13], $0x5000, $0x38;
	[tilespmem:$0x1F400] =	vst v63  }
0x28b: {  	_ =	swait.ge [sflag:s26], $0x5000  }
0x28c: {  	[sflag:s26] =	ssyncset.done $0x0  }
0x28d: {  	[sflag:s26] =	ssyncadd.s32 $0xFFFFB000  }
0x28e: {  	[spmem:s20] =	stream.indirect.scatter.add.f32 [tilespmem:s9], [sflag:$0x3], $0x80, s8, s17, $0xb8;
	[tilespmem:$0x1F400] =	vst v63  }
0x28f: {  	_ =	swait.ge [sflag:s28], $0x5000  }
0x290: {  	s7 =	sld [smem:$0x7E8]  }
0x291: {  	[sflag:s28] =	ssyncset.done $0x0  }
0x292: {  	[sflag:s28] =	ssyncadd.s32 $0xFFFFB000  }
0x293: {  	[tilespmem:s9], [sflag:$0x1] =	stream.linear.gather [hbm4b:s7+s13], $0x5000, $0x38;
	[tilespmem:$0x1F400] =	vst v63  }
0x294: {  	_ =	swait.ge [sflag:s4], $0x5000  }
0x295: {  	[sflag:s4] =	ssyncset.done $0x0  }
0x296: {  	[sflag:s4] =	ssyncadd.s32 $0xFFFFB000  }
0x297: {  	[spmem:s20] =	stream.indirect.scatter.add.f32 [tilespmem:s25], [sflag:$0x4], $0x80, s11, s17, $0xb8;
	[tilespmem:$0x1F400] =	vst v63  }
0x298: {  	_ =	swait.ge [sflag:s6], $0x5000  }
0x299: {  	[sflag:s6] =	ssyncset.done $0x0  }
0x29a: {  	s13 =	sadd.s32 $0xFFFFF600, s0;
	[sflag:s6] =	ssyncadd.s32 $0xFFFFB000  }
0x29b: {  	[tilespmem:s25], [sflag:$0x2] =	stream.linear.gather [hbm4b:s13+s16], $0x5000, $0x38;
	[tilespmem:$0x1F400] =	vst v63  }
0x29c: {  	_ =	swait.ge [sflag:s26], $0x5000  }
0x29d: {  	[sflag:s26] =	ssyncset.done $0x0  }
0x29e: {  	s29 =	simm.s32 $0xB40;
	[sflag:s26] =	ssyncadd.s32 $0xFFFFB000  }
0x29f: {  	[spmem:s20] =	stream.indirect.scatter.add.f32 [tilespmem:s9], [sflag:$0x3], $0x80, s29, s17, $0xb8;
	[tilespmem:$0x1F400] =	vst v63  }
0x2a0: {  	_ =	swait.ge [sflag:s28], $0x5000  }
0x2a1: {  	[sflag:s28] =	ssyncset.done $0x0  }
0x2a2: {  	[sflag:s28] =	ssyncadd.s32 $0xFFFFB000  }
0x2a3: {  	[tilespmem:s9], [sflag:$0x1] =	stream.linear.gather [hbm4b:s0+s16], $0x5000, $0x38;
	[tilespmem:$0x1F400] =	vst v63  }
0x2a4: {  	_ =	swait.ge [sflag:s4], $0x5000  }
0x2a5: {  	s30 =	simm.s32 $0xBE0;
	[sflag:s4] =	ssyncset.done $0x0  }
0x2a6: {  	s3 =	sadd.s32 $0x1400, s0;
	s13 =	simm.s32 $0x500;
	[sflag:s4] =	ssyncadd.s32 $0xFFFFB000  }
.LBB2_10:
0x2a7: {  	[spmem:s20] =	stream.indirect.scatter.add.f32 [tilespmem:s25], [sflag:$0x4], $0x80, s30, s17, $0xb8;
	[tilespmem:$0x1F400] =	vst v63  }
0x2a8: {  	s7 =	smov.u32 s13;
	s13 =	sadd.s32 $0x500, s13;
	_ =	swait.ge [sflag:s6], $0x5000  }
0x2a9: {  	p0 =	sne.s32 s13, $0x1E00;
	[sflag:s6] =	ssyncset.done $0x0  }
0x2aa: {  	s29 =	sadd.s32 $0xFFFFF600, s3;
	[sflag:s6] =	ssyncadd.s32 $0xFFFFB000  }
0x2ab: {  	[tilespmem:s25], [sflag:$0x2] =	stream.linear.gather [hbm4b:s29+s16], $0x5000, $0x38;
	[tilespmem:$0x1F400] =	vst v63  }
0x2ac: {  	_ =	swait.ge [sflag:s26], $0x5000  }
0x2ad: {  	s7 =	sshra.s32 s7, $0x2;
	[sflag:s26] =	ssyncset.done $0x0  }
0x2ae: {  	s29 =	sadd.s32 $0xB40, s7;
	[sflag:s26] =	ssyncadd.s32 $0xFFFFB000  }
0x2af: {  	[spmem:s20] =	stream.indirect.scatter.add.f32 [tilespmem:s9], [sflag:$0x3], $0x80, s29, s17, $0xb8;
	[tilespmem:$0x1F400] =	vst v63  }
0x2b0: {  	_ =	swait.ge [sflag:s28], $0x5000  }
0x2b1: {  	[sflag:s28] =	ssyncset.done $0x0  }
.Ltmp4:
0x2b2: {  	[sflag:s28] =	ssyncadd.s32 $0xFFFFB000;
	(pc) =	sbr.rel @p0 .LBB2_10-.Ltmp4, $4  }
0x2b3: {  	[tilespmem:s9], [sflag:$0x1] =	stream.linear.gather [hbm4b:s3+s16], $0x5000, $0x38;
	[tilespmem:$0x1F400] =	vst v63  }
0x2b4: {  	_ =	swait.ge [sflag:s4], $0x5000  }
0x2b5: {  	[sflag:s4] =	ssyncset.done $0x0  }
0x2b6: {  	s30 =	sadd.s32 $0xBE0, s7;
	s3 =	sadd.s32 $0x1400, s3;
	[sflag:s4] =	ssyncadd.s32 $0xFFFFB000  }
0x2b7: {  	[spmem:s20] =	stream.indirect.scatter.add.f32 [tilespmem:s25], [sflag:$0x4], $0x80, s30, s17, $0xb8;
	[tilespmem:$0x1F400] =	vst v63  }
0x2b8: {  	_ =	swait.ge [sflag:s6], $0x5000  }
0x2b9: {  	s7 =	sld [smem:$0x7F9]  }
0x2ba: {  	[sflag:s6] =	ssyncset.done $0x0  }
0x2bb: {  	s3 =	simm.s32 $0x0;
	[sflag:s6] =	ssyncadd.s32 $0xFFFFB000  }
0x2bc: {  	[tilespmem:s25], [sflag:$0x2] =	stream.linear.gather [hbm4b:s7+s3], $0x5000, $0x38;
	[tilespmem:$0x1F400] =	vst v63  }
0x2bd: {  	_ =	swait.ge [sflag:s26], $0x5000  }
0x2be: {  	s29 =	sshra.s32 s13, $0x2;
	[sflag:s26] =	ssyncset.done $0x0  }
0x2bf: {  	s13 =	sadd.s32 $0xB40, s29;
	[sflag:s26] =	ssyncadd.s32 $0xFFFFB000  }
0x2c0: {  	[spmem:s20] =	stream.indirect.scatter.add.f32 [tilespmem:s9], [sflag:$0x3], $0x80, s13, s17, $0xb8;
	[tilespmem:$0x1F400] =	vst v63  }
0x2c1: {  	_ =	swait.ge [sflag:s28], $0x5000  }
0x2c2: {  	[sflag:s28] =	ssyncset.done $0x0  }
0x2c3: {  	[sflag:s28] =	ssyncadd.s32 $0xFFFFB000  }
0x2c4: {  	_ =	swait.ge [sflag:s4], $0x5000  }
0x2c5: {  	[sflag:s4] =	ssyncset.done $0x0  }
0x2c6: {  	s7 =	sadd.s32 $0xBE0, s29;
	[sflag:s4] =	ssyncadd.s32 $0xFFFFB000  }
0x2c7: {  	[spmem:s20] =	stream.indirect.scatter.add.f32 [tilespmem:s25], [sflag:$0x4], $0x80, s7, s17, $0xb8;
	[tilespmem:$0x1F400] =	vst v63  }
0x2c8: {  	_ =	swait.ge [sflag:s6], $0x5000  }
0x2c9: {  	[sflag:s6] =	ssyncset.done $0x0  }
0x2ca: {  	s13 =	rddreg [dreg:$0xe];
	[sflag:s6] =	ssyncadd.s32 $0xFFFFB000  }
0x2cb: {  	[tilespmem:s8], [sflag:$0x5] =	stream.strided.gather [hbm4b:s13+s14], $0xA00, s15, s14, $0x38;
	[tilespmem:$0x1F400] =	vst v63  }
0x2cc: {  	_ =	swait.ge [sflag:s10], $0xA00  }
0x2cd: {  	[sflag:s10] =	ssyncset.done $0x0  }
0x2ce: {  	s29 =	rddreg [dreg:$0x15];
	[sflag:s10] =	ssyncadd.s32 $0xFFFFF600  }
0x2cf: {  	[tilespmem:s9], [sflag:$0x1] =	stream.linear.gather [hbm4b:s29+s3], $0x5000, $0x38;
	[tilespmem:$0x1F400] =	vst v63  }
0x2d0: {  	s13 =	rddreg [dreg:$0x1c]  }
0x2d1: {  	[tilespmem:s25], [sflag:$0x2] =	stream.linear.gather [hbm4b:s13+s3], $0x5000, $0x38;
	[tilespmem:$0x1F400] =	vst v63  }
0x2d2: {  	_ =	swait.ge [sflag:s26], $0x5000  }
0x2d3: {  	[sflag:s26] =	ssyncset.done $0x0  }
0x2d4: {  	[sflag:s26] =	ssyncadd.s32 $0xFFFFB000  }
0x2d5: {  	[spmem:s20] =	stream.indirect.scatter.add.f32 [tilespmem:s9], [sflag:$0x3], $0x80, s8, s17, $0xb8;
	[tilespmem:$0x1F400] =	vst v63  }
0x2d6: {  	_ =	swait.ge [sflag:s28], $0x5000  }
0x2d7: {  	s29 =	sld [smem:$0x7E9]  }
0x2d8: {  	[sflag:s28] =	ssyncset.done $0x0  }
0x2d9: {  	[sflag:s28] =	ssyncadd.s32 $0xFFFFB000  }
0x2da: {  	[tilespmem:s9], [sflag:$0x1] =	stream.linear.gather [hbm4b:s29+s3], $0x5000, $0x38;
	[tilespmem:$0x1F400] =	vst v63  }
0x2db: {  	_ =	swait.ge [sflag:s4], $0x5000  }
0x2dc: {  	[sflag:s4] =	ssyncset.done $0x0  }
0x2dd: {  	[sflag:s4] =	ssyncadd.s32 $0xFFFFB000  }
0x2de: {  	[spmem:s20] =	stream.indirect.scatter.add.f32 [tilespmem:s25], [sflag:$0x4], $0x80, s11, s17, $0xb8;
	[tilespmem:$0x1F400] =	vst v63  }
0x2df: {  	_ =	swait.ge [sflag:s6], $0x5000  }
0x2e0: {  	[sflag:s6] =	ssyncset.done $0x0  }
0x2e1: {  	s13 =	sadd.s32 $0xFFFFF600, s1;
	[sflag:s6] =	ssyncadd.s32 $0xFFFFB000  }
0x2e2: {  	[tilespmem:s25], [sflag:$0x2] =	stream.linear.gather [hbm4b:s13+s16], $0x5000, $0x38;
	[tilespmem:$0x1F400] =	vst v63  }
0x2e3: {  	_ =	swait.ge [sflag:s26], $0x5000  }
0x2e4: {  	[sflag:s26] =	ssyncset.done $0x0  }
0x2e5: {  	s29 =	simm.s32 $0xB40;
	[sflag:s26] =	ssyncadd.s32 $0xFFFFB000  }
0x2e6: {  	[spmem:s20] =	stream.indirect.scatter.add.f32 [tilespmem:s9], [sflag:$0x3], $0x80, s29, s17, $0xb8;
	[tilespmem:$0x1F400] =	vst v63  }
0x2e7: {  	_ =	swait.ge [sflag:s28], $0x5000  }
0x2e8: {  	[sflag:s28] =	ssyncset.done $0x0  }
0x2e9: {  	[sflag:s28] =	ssyncadd.s32 $0xFFFFB000  }
0x2ea: {  	[tilespmem:s9], [sflag:$0x1] =	stream.linear.gather [hbm4b:s1+s16], $0x5000, $0x38;
	[tilespmem:$0x1F400] =	vst v63  }
0x2eb: {  	_ =	swait.ge [sflag:s4], $0x5000  }
0x2ec: {  	s30 =	simm.s32 $0xBE0;
	[sflag:s4] =	ssyncset.done $0x0  }
0x2ed: {  	s3 =	sadd.s32 $0x1400, s1;
	s13 =	simm.s32 $0x500;
	[sflag:s4] =	ssyncadd.s32 $0xFFFFB000  }
.LBB2_12:
0x2ee: {  	[spmem:s20] =	stream.indirect.scatter.add.f32 [tilespmem:s25], [sflag:$0x4], $0x80, s30, s17, $0xb8;
	[tilespmem:$0x1F400] =	vst v63  }
0x2ef: {  	s7 =	smov.u32 s13;
	s13 =	sadd.s32 $0x500, s13;
	_ =	swait.ge [sflag:s6], $0x5000  }
0x2f0: {  	p0 =	sne.s32 s13, $0x1E00;
	[sflag:s6] =	ssyncset.done $0x0  }
0x2f1: {  	s29 =	sadd.s32 $0xFFFFF600, s3;
	[sflag:s6] =	ssyncadd.s32 $0xFFFFB000  }
0x2f2: {  	[tilespmem:s25], [sflag:$0x2] =	stream.linear.gather [hbm4b:s29+s16], $0x5000, $0x38;
	[tilespmem:$0x1F400] =	vst v63  }
0x2f3: {  	_ =	swait.ge [sflag:s26], $0x5000  }
0x2f4: {  	s7 =	sshra.s32 s7, $0x2;
	[sflag:s26] =	ssyncset.done $0x0  }
0x2f5: {  	s29 =	sadd.s32 $0xB40, s7;
	[sflag:s26] =	ssyncadd.s32 $0xFFFFB000  }
0x2f6: {  	[spmem:s20] =	stream.indirect.scatter.add.f32 [tilespmem:s9], [sflag:$0x3], $0x80, s29, s17, $0xb8;
	[tilespmem:$0x1F400] =	vst v63  }
0x2f7: {  	_ =	swait.ge [sflag:s28], $0x5000  }
0x2f8: {  	[sflag:s28] =	ssyncset.done $0x0  }
.Ltmp5:
0x2f9: {  	[sflag:s28] =	ssyncadd.s32 $0xFFFFB000;
	(pc) =	sbr.rel @p0 .LBB2_12-.Ltmp5, $4  }
0x2fa: {  	[tilespmem:s9], [sflag:$0x1] =	stream.linear.gather [hbm4b:s3+s16], $0x5000, $0x38;
	[tilespmem:$0x1F400] =	vst v63  }
0x2fb: {  	_ =	swait.ge [sflag:s4], $0x5000  }
0x2fc: {  	[sflag:s4] =	ssyncset.done $0x0  }
0x2fd: {  	s30 =	sadd.s32 $0xBE0, s7;
	s3 =	sadd.s32 $0x1400, s3;
	[sflag:s4] =	ssyncadd.s32 $0xFFFFB000  }
0x2fe: {  	[spmem:s20] =	stream.indirect.scatter.add.f32 [tilespmem:s25], [sflag:$0x4], $0x80, s30, s17, $0xb8;
	[tilespmem:$0x1F400] =	vst v63  }
0x2ff: {  	_ =	swait.ge [sflag:s6], $0x5000  }
0x300: {  	s7 =	sld [smem:$0x7FB]  }
0x301: {  	[sflag:s6] =	ssyncset.done $0x0  }
0x302: {  	s3 =	simm.s32 $0x0;
	[sflag:s6] =	ssyncadd.s32 $0xFFFFB000  }
0x303: {  	[tilespmem:s25], [sflag:$0x2] =	stream.linear.gather [hbm4b:s7+s3], $0x5000, $0x38;
	[tilespmem:$0x1F400] =	vst v63  }
0x304: {  	_ =	swait.ge [sflag:s26], $0x5000  }
0x305: {  	s29 =	sshra.s32 s13, $0x2;
	[sflag:s26] =	ssyncset.done $0x0  }
0x306: {  	s13 =	sadd.s32 $0xB40, s29;
	[sflag:s26] =	ssyncadd.s32 $0xFFFFB000  }
0x307: {  	[spmem:s20] =	stream.indirect.scatter.add.f32 [tilespmem:s9], [sflag:$0x3], $0x80, s13, s17, $0xb8;
	[tilespmem:$0x1F400] =	vst v63  }
0x308: {  	_ =	swait.ge [sflag:s28], $0x5000  }
0x309: {  	[sflag:s28] =	ssyncset.done $0x0  }
0x30a: {  	[sflag:s28] =	ssyncadd.s32 $0xFFFFB000  }
0x30b: {  	_ =	swait.ge [sflag:s4], $0x5000  }
0x30c: {  	[sflag:s4] =	ssyncset.done $0x0  }
0x30d: {  	s7 =	sadd.s32 $0xBE0, s29;
	[sflag:s4] =	ssyncadd.s32 $0xFFFFB000  }
0x30e: {  	[spmem:s20] =	stream.indirect.scatter.add.f32 [tilespmem:s25], [sflag:$0x4], $0x80, s7, s17, $0xb8;
	[tilespmem:$0x1F400] =	vst v63  }
0x30f: {  	_ =	swait.ge [sflag:s6], $0x5000  }
0x310: {  	[sflag:s6] =	ssyncset.done $0x0  }
0x311: {  	s13 =	rddreg [dreg:$0xf];
	[sflag:s6] =	ssyncadd.s32 $0xFFFFB000  }
0x312: {  	[tilespmem:s8], [sflag:$0x5] =	stream.strided.gather [hbm4b:s13+s14], $0xA00, s15, s14, $0x38;
	[tilespmem:$0x1F400] =	vst v63  }
0x313: {  	_ =	swait.ge [sflag:s10], $0xA00  }
0x314: {  	[sflag:s10] =	ssyncset.done $0x0  }
0x315: {  	s29 =	rddreg [dreg:$0x16];
	[sflag:s10] =	ssyncadd.s32 $0xFFFFF600  }
0x316: {  	[tilespmem:s9], [sflag:$0x1] =	stream.linear.gather [hbm4b:s29+s3], $0x5000, $0x38;
	[tilespmem:$0x1F400] =	vst v63  }
0x317: {  	s13 =	rddreg [dreg:$0x1e]  }
0x318: {  	[tilespmem:s25], [sflag:$0x2] =	stream.linear.gather [hbm4b:s13+s3], $0x5000, $0x38;
	[tilespmem:$0x1F400] =	vst v63  }
0x319: {  	_ =	swait.ge [sflag:s26], $0x5000  }
0x31a: {  	[sflag:s26] =	ssyncset.done $0x0  }
0x31b: {  	[sflag:s26] =	ssyncadd.s32 $0xFFFFB000  }
0x31c: {  	[spmem:s20] =	stream.indirect.scatter.add.f32 [tilespmem:s9], [sflag:$0x3], $0x80, s8, s17, $0xb8;
	[tilespmem:$0x1F400] =	vst v63  }
0x31d: {  	_ =	swait.ge [sflag:s28], $0x5000  }
0x31e: {  	s29 =	sld [smem:$0x7EA]  }
0x31f: {  	[sflag:s28] =	ssyncset.done $0x0  }
0x320: {  	[sflag:s28] =	ssyncadd.s32 $0xFFFFB000  }
0x321: {  	[tilespmem:s9], [sflag:$0x1] =	stream.linear.gather [hbm4b:s29+s3], $0x5000, $0x38;
	[tilespmem:$0x1F400] =	vst v63  }
0x322: {  	_ =	swait.ge [sflag:s4], $0x5000  }
0x323: {  	[sflag:s4] =	ssyncset.done $0x0  }
0x324: {  	[sflag:s4] =	ssyncadd.s32 $0xFFFFB000  }
0x325: {  	[spmem:s20] =	stream.indirect.scatter.add.f32 [tilespmem:s25], [sflag:$0x4], $0x80, s11, s17, $0xb8;
	[tilespmem:$0x1F400] =	vst v63  }
0x326: {  	_ =	swait.ge [sflag:s6], $0x5000  }
0x327: {  	[sflag:s6] =	ssyncset.done $0x0  }
0x328: {  	s13 =	sadd.s32 $0xFFFFF600, s2;
	[sflag:s6] =	ssyncadd.s32 $0xFFFFB000  }
0x329: {  	[tilespmem:s25], [sflag:$0x2] =	stream.linear.gather [hbm4b:s13+s16], $0x5000, $0x38;
	[tilespmem:$0x1F400] =	vst v63  }
0x32a: {  	_ =	swait.ge [sflag:s26], $0x5000  }
0x32b: {  	[sflag:s26] =	ssyncset.done $0x0  }
0x32c: {  	s29 =	simm.s32 $0xB40;
	[sflag:s26] =	ssyncadd.s32 $0xFFFFB000  }
0x32d: {  	[spmem:s20] =	stream.indirect.scatter.add.f32 [tilespmem:s9], [sflag:$0x3], $0x80, s29, s17, $0xb8;
	[tilespmem:$0x1F400] =	vst v63  }
0x32e: {  	_ =	swait.ge [sflag:s28], $0x5000  }
0x32f: {  	[sflag:s28] =	ssyncset.done $0x0  }
0x330: {  	[sflag:s28] =	ssyncadd.s32 $0xFFFFB000  }
0x331: {  	[tilespmem:s9], [sflag:$0x1] =	stream.linear.gather [hbm4b:s2+s16], $0x5000, $0x38;
	[tilespmem:$0x1F400] =	vst v63  }
0x332: {  	_ =	swait.ge [sflag:s4], $0x5000  }
0x333: {  	s30 =	simm.s32 $0xBE0;
	[sflag:s4] =	ssyncset.done $0x0  }
0x334: {  	s3 =	sadd.s32 $0x1400, s2;
	s13 =	simm.s32 $0x500;
	[sflag:s4] =	ssyncadd.s32 $0xFFFFB000  }
.LBB2_14:
0x335: {  	[spmem:s20] =	stream.indirect.scatter.add.f32 [tilespmem:s25], [sflag:$0x4], $0x80, s30, s17, $0xb8;
	[tilespmem:$0x1F400] =	vst v63  }
0x336: {  	s7 =	smov.u32 s13;
	s13 =	sadd.s32 $0x500, s13;
	_ =	swait.ge [sflag:s6], $0x5000  }
0x337: {  	p0 =	sne.s32 s13, $0x1E00;
	[sflag:s6] =	ssyncset.done $0x0  }
0x338: {  	s29 =	sadd.s32 $0xFFFFF600, s3;
	[sflag:s6] =	ssyncadd.s32 $0xFFFFB000  }
0x339: {  	[tilespmem:s25], [sflag:$0x2] =	stream.linear.gather [hbm4b:s29+s16], $0x5000, $0x38;
	[tilespmem:$0x1F400] =	vst v63  }
0x33a: {  	_ =	swait.ge [sflag:s26], $0x5000  }
0x33b: {  	s7 =	sshra.s32 s7, $0x2;
	[sflag:s26] =	ssyncset.done $0x0  }
0x33c: {  	s29 =	sadd.s32 $0xB40, s7;
	[sflag:s26] =	ssyncadd.s32 $0xFFFFB000  }
0x33d: {  	[spmem:s20] =	stream.indirect.scatter.add.f32 [tilespmem:s9], [sflag:$0x3], $0x80, s29, s17, $0xb8;
	[tilespmem:$0x1F400] =	vst v63  }
0x33e: {  	_ =	swait.ge [sflag:s28], $0x5000  }
0x33f: {  	[sflag:s28] =	ssyncset.done $0x0  }
.Ltmp6:
0x340: {  	[sflag:s28] =	ssyncadd.s32 $0xFFFFB000;
	(pc) =	sbr.rel @p0 .LBB2_14-.Ltmp6, $4  }
0x341: {  	[tilespmem:s9], [sflag:$0x1] =	stream.linear.gather [hbm4b:s3+s16], $0x5000, $0x38;
	[tilespmem:$0x1F400] =	vst v63  }
0x342: {  	_ =	swait.ge [sflag:s4], $0x5000  }
0x343: {  	[sflag:s4] =	ssyncset.done $0x0  }
0x344: {  	s30 =	sadd.s32 $0xBE0, s7;
	s3 =	sadd.s32 $0x1400, s3;
	[sflag:s4] =	ssyncadd.s32 $0xFFFFB000  }
0x345: {  	[spmem:s20] =	stream.indirect.scatter.add.f32 [tilespmem:s25], [sflag:$0x4], $0x80, s30, s17, $0xb8;
	[tilespmem:$0x1F400] =	vst v63  }
0x346: {  	_ =	swait.ge [sflag:s6], $0x5000  }
0x347: {  	s3 =	sld [smem:$0x7FD]  }
0x348: {  	[sflag:s6] =	ssyncset.done $0x0  }
0x349: {  	[sflag:s6] =	ssyncadd.s32 $0xFFFFB000  }
0x34a: {  	[tilespmem:s25], [sflag:$0x2] =	stream.linear.gather [hbm4b:s3+s16], $0x5000, $0x38;
	[tilespmem:$0x1F400] =	vst v63  }
0x34b: {  	_ =	swait.ge [sflag:s26], $0x5000  }
0x34c: {  	s30 =	sshra.s32 s13, $0x2;
	[sflag:s26] =	ssyncset.done $0x0  }
0x34d: {  	s7 =	sadd.s32 $0xB40, s30;
	[sflag:s26] =	ssyncadd.s32 $0xFFFFB000  }
0x34e: {  	[spmem:s20] =	stream.indirect.scatter.add.f32 [tilespmem:s9], [sflag:$0x3], $0x80, s7, s17, $0xb8;
	[tilespmem:$0x1F400] =	vst v63  }
0x34f: {  	_ =	swait.ge [sflag:s28], $0x5000  }
0x350: {  	[sflag:s28] =	ssyncset.done $0x0  }
0x351: {  	[sflag:s28] =	ssyncadd.s32 $0xFFFFB000  }
0x352: {  	_ =	swait.ge [sflag:s4], $0x5000  }
0x353: {  	[sflag:s4] =	ssyncset.done $0x0  }
0x354: {  	s3 =	sadd.s32 $0xBE0, s30;
	[sflag:s4] =	ssyncadd.s32 $0xFFFFB000  }
0x355: {  	[spmem:s20] =	stream.indirect.scatter.add.f32 [tilespmem:s25], [sflag:$0x4], $0x80, s3, s17, $0xb8;
	[tilespmem:$0x1F400] =	vst v63  }
0x356: {  	_ =	swait.ge [sflag:s6], $0x5000  }
0x357: {  	[sflag:s6] =	ssyncset.done $0x0  }
0x358: {  	[sflag:s6] =	ssyncadd.s32 $0xFFFFB000  }
0x359: {  	[bflag:$0x0] =	sbarrier.arrive $0xFFFF  }
0x35a: {  	[tilespmem:s9], [sflag:$0x5] =	stream.linear.gather [spmem:s21], $0x5000, $0x38;
	[tilespmem:$0x1F400] =	vst v63  }
0x35b: {  	_ =	swait.ge [sflag:s10], $0x5000  }
0x35c: {  	[sflag:s10] =	ssyncset.done $0x0  }
0x35d: {  	s7 =	rddreg [dreg:$0x10];
	[sflag:s10] =	ssyncadd.s32 $0xFFFFB000  }
0x35e: {  	[hbm4b:s7+s16] =	stream.linear.scatter [tilespmem:s9], [sflag:$0x5], $0x5000, $0x38;
	[tilespmem:$0x1F400] =	vst v63  }
0x35f: {  	_ =	swait.ge [sflag:s10], $0x5000  }
0x360: {  	[sflag:s10] =	ssyncset.done $0x0  }
0x361: {  	[sflag:s10] =	ssyncadd.s32 $0xFFFFB000  }
0x362: {  	[tilespmem:s9], [sflag:$0x5] =	stream.linear.gather [spmem:s22], $0x5000, $0x38;
	[tilespmem:$0x1F400] =	vst v63  }
0x363: {  	_ =	swait.ge [sflag:s10], $0x5000  }
0x364: {  	[sflag:s10] =	ssyncset.done $0x0  }
0x365: {  	s11 =	rddreg [dreg:$0x11];
	[sflag:s10] =	ssyncadd.s32 $0xFFFFB000  }
0x366: {  	[hbm4b:s11+s16] =	stream.linear.scatter [tilespmem:s9], [sflag:$0x5], $0x5000, $0x38;
	[tilespmem:$0x1F400] =	vst v63  }
0x367: {  	_ =	swait.ge [sflag:s10], $0x5000  }
0x368: {  	[sflag:s10] =	ssyncset.done $0x0  }
0x369: {  	[sflag:s10] =	ssyncadd.s32 $0xFFFFB000  }
0x36a: {  	[tilespmem:s9], [sflag:$0x5] =	stream.linear.gather [spmem:s23], $0x5000, $0x38;
	[tilespmem:$0x1F400] =	vst v63  }
0x36b: {  	_ =	swait.ge [sflag:s10], $0x5000  }
0x36c: {  	[sflag:s10] =	ssyncset.done $0x0  }
0x36d: {  	s13 =	rddreg [dreg:$0x12];
	[sflag:s10] =	ssyncadd.s32 $0xFFFFB000  }
0x36e: {  	[hbm4b:s13+s16] =	stream.linear.scatter [tilespmem:s9], [sflag:$0x5], $0x5000, $0x38;
	[tilespmem:$0x1F400] =	vst v63  }
0x36f: {  	_ =	swait.ge [sflag:s10], $0x5000  }
0x370: {  	[sflag:s10] =	ssyncset.done $0x0  }
0x371: {  	[sflag:s10] =	ssyncadd.s32 $0xFFFFB000  }
0x372: {  	[tilespmem:s9], [sflag:$0x5] =	stream.linear.gather [spmem:s24], $0x5000, $0x38;
	[tilespmem:$0x1F400] =	vst v63  }
0x373: {  	_ =	swait.ge [sflag:s10], $0x5000  }
0x374: {  	[sflag:s10] =	ssyncset.done $0x0  }
0x375: {  	s29 =	rddreg [dreg:$0x13];
	[sflag:s10] =	ssyncadd.s32 $0xFFFFB000  }
0x376: {  	[hbm4b:s29+s16] =	stream.linear.scatter [tilespmem:s9], [sflag:$0x5], $0x5000, $0x38;
	[tilespmem:$0x1F400] =	vst v63  }
0x377: {  	_ =	swait.ge [sflag:s10], $0x5000  }
0x378: {  	s12 =	sadd.s32 $0x1, s12;
	s30 =	rddreg [dreg:$0x17]  }
0x379: {  	p0 =	sne.s32 s12, s30  }
.Ltmp7:
0x37a: {  	_ = 	snop;
	(pc) =	sbr.rel @p0 .LBB2_1-.Ltmp7, $3  }
0x37b: {  	_ =	sdelay $0x1  }
0x37c: {  	[sflag:s10] =	ssyncset.done $0x0  }
0x37d: {  	[sflag:s10] =	ssyncadd.s32 $0xFFFFB000  }
0x37e: {  	_ =	sfence.sel $0x180000  }
0x37f: {  	[bflag:$0x0] =	sbarrier.arrive $0xFFFF  }
0x380: {  	_ =	strace $0x90000047  }
0x381: {  	s0 =	stileid.u32;
	[bflag:$0x2] =	sbarrier.arrive $0xFFFF  }
0x382: {  	p0 =	sne.s32 s0, $0x0;
	s0 =	rddreg [dreg:$0x3]  }
0x383: {  	s0 =	sadd.s32 @!p0 $0x100000, s0  }
0x384: {  	[sflag:s0] =	ssyncadd.tile.s32 @!p0 $0x1;
	_ =	shalt  }
.Lfunc_end2:
_tile_overlayer_lowered:
.L_overlay_start_2:
0x385: {  	(tag) =	ssettag $0x2  }
0x386: {  	s0 =	rddreg [dreg:$0x0];
	s2 =	stileid.u32  }
0x387: {  	s1 =	rddreg [dreg:$0x1];
	p0 =	sne.s32 s2, $0x0  }
0x388: {  	s3 =	rddreg [dreg:$0x2];
	[bflag:$0x3] =	sbarrier.arrive $0xFFFF;
	s2 =	simm.s32 @!p0 $0x1C05  }
0x389: {  	[timem:s3], [sflag:s2] =	dma.local @!p0 [hbm:s0], s1  }
0x38a: {  	s0 =	simm.s32 @!p0 $0x5  }
0x38b: {  	_ =	swait.ge @!p0 [sflag:s0], s1  }
0x38c: {  	s1 =	ssub.s32 @!p0 $0x0, s1;
	[sflag:s0] =	ssyncset.done @!p0 $0x0  }
0x38d: {  	[sflag:s0] =	ssyncadd.s32 @!p0 s1  }
0x38e: {  	[bflag:$0x3] =	sbarrier.arrive $0xFFFF  }
0x38f: {  	_ =	shalt  }

</sc_bundles>
